<compile_context>
chip_gen: v7x
topology: tpu7x:2x2x1
jax: 0.10.2.dev20260603
libtpu: 0.0.44.dev20260713+nightly
codegen_flags: <defaults>
</compile_context>

<pallas_src>
import dataclasses
import functools

import jax
import jax.numpy as jnp
from jax import lax
from jax.experimental import pallas as pl
from jax.experimental.pallas import tpu as pltpu
from jax.experimental.pallas import tpu_sc as plsc

N_NODES = 10000
N_NODES_PAD = 10240
N_HEDGES = 5000
N_HEDGES_PAD = 5120
N_EDGES = 320000
D = 128

NC = 2
NS = 16
NW = NC * NS
CH = 128
EPW = N_EDGES // NW
NCHUNK = 79
EPW_PAD = NCHUNK * CH
N_VACC = 10112
PAD_V = N_VACC - 1
PAD_E = N_HEDGES_PAD - 1

_MESH = plsc.VectorSubcoreMesh(core_axis_name="c", subcore_axis_name="s",
                               num_cores=NC, num_subcores=NS)


@functools.partial(
    pl.kernel,
    out_type=(
        jax.ShapeDtypeStruct((NW * N_HEDGES_PAD,), jnp.float32),
        jax.ShapeDtypeStruct((NW * N_NODES_PAD,), jnp.float32),
    ),
    mesh=_MESH,
    scratch_types=[
        pltpu.VMEM((EPW,), jnp.int32),
        pltpu.VMEM((EPW,), jnp.int32),
        pltpu.VMEM((N_HEDGES_PAD,), jnp.float32),
        pltpu.VMEM((N_NODES_PAD,), jnp.float32),
    ],
    compiler_params=dataclasses.replace(pltpu.CompilerParams(),
                                        needs_layout_passes=False),
)
def _sc_counts(vidx_hbm, eidx_hbm, cnt_e_hbm, cnt_v_hbm,
               vbuf, ebuf, hist_e, hist_v):
    c = lax.axis_index("c")
    s = lax.axis_index("s")
    w = c * NS + s
    z = jnp.zeros((16,), jnp.float32)
    one = jnp.ones((16,), jnp.float32)

    @pl.loop(0, N_HEDGES_PAD // 16)
    def _(i):
        hist_e[pl.ds(i * 16, 16)] = z

    @pl.loop(0, N_NODES_PAD // 16)
    def _(i):
        hist_v[pl.ds(i * 16, 16)] = z

    pltpu.sync_copy(vidx_hbm.at[pl.ds(w * EPW, EPW)], vbuf)
    pltpu.sync_copy(eidx_hbm.at[pl.ds(w * EPW, EPW)], ebuf)

    @pl.loop(0, EPW // 16)
    def _(k):
        plsc.addupdate_scatter(hist_e, [ebuf[pl.ds(k * 16, 16)]], one)
        plsc.addupdate_scatter(hist_v, [vbuf[pl.ds(k * 16, 16)]], one)

    pltpu.sync_copy(hist_e, cnt_e_hbm.at[pl.ds(w * N_HEDGES_PAD, N_HEDGES_PAD)])
    pltpu.sync_copy(hist_v, cnt_v_hbm.at[pl.ds(w * N_NODES_PAD, N_NODES_PAD)])


def _make_sc_hop(n_seg_pad, rows_per_sub, g_row, s_row, nbuf, async_scatter):

    @functools.partial(
        pl.kernel,
        out_type=jax.ShapeDtypeStruct((NC, n_seg_pad, D), jnp.float32),
        mesh=_MESH,
        scratch_types=[
            pltpu.VMEM((nbuf, 2, CH), jnp.int32),
            pltpu.VMEM((nbuf, CH, D), jnp.float32),
            pltpu.VMEM_SHARED((n_seg_pad, D), jnp.float32),
            pltpu.SemaphoreType.DMA,
            pltpu.SemaphoreType.DMA,
            pltpu.SemaphoreType.DMA,
            pltpu.SemaphoreType.DMA,
        ],
    )
    def hop(table_hbm, stk_hbm, z128_hbm, out_hbm,
            ibuf, rows, acc, isem, gsemA, gsemB, ssem):
        c = lax.axis_index("c")
        s = lax.axis_index("s")
        w = c * NS + s
        pltpu.sync_copy(z128_hbm.at[pl.ds(0, rows_per_sub)],
                        acc.at[pl.ds(s * rows_per_sub, rows_per_sub)])
        plsc.subcore_barrier()

        def i_issue(j, b):
            pltpu.async_copy(stk_hbm.at[w, j], ibuf.at[b], isem)

        def i_wait(j, b):
            pltpu.make_async_copy(stk_hbm.at[w, j], ibuf.at[b], isem).wait()

        def g_issue(j, b):
            pltpu.async_copy(table_hbm.at[ibuf.at[b, g_row]], rows.at[b],
                             gsemA if b % 2 == 0 else gsemB)

        def g_wait(j, b):
            pltpu.make_async_copy(
                table_hbm.at[ibuf.at[b, g_row]], rows.at[b],
                gsemA if b % 2 == 0 else gsemB).wait()

        def s_issue(j, b):
            pltpu.async_copy(rows.at[b], acc.at[ibuf.at[b, s_row]], ssem,
                             add=True)

        def s_wait(j, b):
            pltpu.make_async_copy(rows.at[b], acc.at[ibuf.at[b, s_row]],
                                  ssem).wait()

        def s_do(j, b):
            pltpu.sync_copy(rows.at[b], acc.at[ibuf.at[b, s_row]], add=True)

        def step(j, b, has1, has2, drain):
            if async_scatter and drain:
                s_wait(j - 2, (b + 2) % nbuf)
            if has1:
                i_wait(j + 1, (b + 1) % nbuf)
                g_issue(j + 1, (b + 1) % nbuf)
            if has2 and nbuf >= 3:
                i_issue(j + 2, (b + 2) % nbuf)
            g_wait(j, b)
            if async_scatter:
                s_issue(j, b)
            else:
                s_do(j, b)
            if has2 and nbuf == 2:
                i_issue(j + 2, (b + 2) % nbuf)

        i_issue(0, 0)
        i_issue(1, 1 % nbuf)
        i_wait(0, 0)
        g_issue(0, 0)

        if async_scatter:
            step(0, 0, True, True, False)
            step(1, 1 % nbuf, True, True, False)
            m = ((NCHUNK - 4) // nbuf) * nbuf

            @pl.loop(0, m // nbuf)
            def _(g):
                for bp in range(nbuf):
                    j = 2 + g * nbuf + bp
                    step(j, (2 + bp) % nbuf, True, True, True)

            for j in range(2 + m, NCHUNK):
                step(j, j % nbuf, j + 1 < NCHUNK, j + 2 < NCHUNK, True)
            s_wait(NCHUNK - 2, (NCHUNK - 2) % nbuf)
            s_wait(NCHUNK - 1, (NCHUNK - 1) % nbuf)
        else:
            m = ((NCHUNK - 2) // nbuf) * nbuf

            @pl.loop(0, m // nbuf)
            def _(g):
                for bp in range(nbuf):
                    step(g * nbuf + bp, bp, True, True, False)

            for j in range(m, NCHUNK):
                step(j, j % nbuf, j + 1 < NCHUNK, j + 2 < NCHUNK, False)

        plsc.subcore_barrier()
        pltpu.sync_copy(acc.at[pl.ds(s * rows_per_sub, rows_per_sub)],
                        out_hbm.at[c, pl.ds(s * rows_per_sub, rows_per_sub)])

    return hop


_sc_hop_e = _make_sc_hop(N_HEDGES_PAD, N_HEDGES_PAD // NS, 0, 1, nbuf=4,
                         async_scatter=True)
_sc_hop_v = _make_sc_hop(N_VACC, N_VACC // NS, 1, 0, nbuf=2,
                         async_scatter=False)


def _mm_body(x_ref, w_ref, b_ref, o_ref):
    o_ref[...] = jnp.dot(x_ref[...], w_ref[...],
                         preferred_element_type=jnp.float32) + b_ref[...]


def _matmul(X, W, b):
    blk = 632
    return pl.pallas_call(
        _mm_body,
        grid=(N_VACC // blk,),
        in_specs=[
            pl.BlockSpec((blk, D), lambda i: (i, 0)),
            pl.BlockSpec((D, D), lambda i: (0, 0)),
            pl.BlockSpec((1, D), lambda i: (0, 0)),
        ],
        out_specs=pl.BlockSpec((blk, D), lambda i: (i, 0)),
        out_shape=jax.ShapeDtypeStruct((N_VACC, D), jnp.float32),
    )(X, W, b.reshape(1, D))


def _norm_body(relu, n_rows, p_ref, c_ref, o_ref):
    ssum = p_ref[0] + p_ref[1]
    cnt = jnp.sum(c_ref[...], axis=0)[:n_rows, None]
    res = ssum / jnp.maximum(cnt, 1.0)
    if relu:
        res = jnp.maximum(res, 0.0)
    o_ref[...] = res


def _combine_norm(parts, cnts, n_rows, relu):
    return pl.pallas_call(
        functools.partial(_norm_body, relu, n_rows),
        out_shape=jax.ShapeDtypeStruct((n_rows, D), jnp.float32),
    )(parts, cnts)


def kernel(X, v_idx, e_idx, W, b):
    v_idx = v_idx.astype(jnp.int32)
    e_idx = e_idx.astype(jnp.int32)
    z128 = jnp.zeros((640, D), jnp.float32)

    pad = ((0, 0), (0, EPW_PAD - EPW))
    vp = jnp.pad(v_idx.reshape(NW, EPW), pad, constant_values=PAD_V)
    ep = jnp.pad(e_idx.reshape(NW, EPW), pad, constant_values=PAD_E)
    stk = jnp.stack([vp.reshape(NW, NCHUNK, CH),
                     ep.reshape(NW, NCHUNK, CH)], axis=2)

    cnt_e, cnt_v = _sc_counts(v_idx, e_idx)
    cnt_e = cnt_e.reshape(NW, N_HEDGES_PAD)
    cnt_v = cnt_v.reshape(NW, N_NODES_PAD)

    Xp = jnp.pad(X, ((0, N_VACC - N_NODES), (0, 0)))
    Xt = _matmul(Xp, W, b)
    e_parts = _sc_hop_e(Xt, stk, z128)
    e_feat = _combine_norm(e_parts, cnt_e, N_HEDGES_PAD, relu=False)
    v_parts = _sc_hop_v(e_feat, stk, z128)
    out = _combine_norm(v_parts, cnt_v, N_VACC, relu=True)
    return out[:N_NODES]

# --- scband reference (transcript-rebuilt; emitter-appended) ---
"""Pipeline reference for scband-mlp-net-40252433498128 (READ-ONLY COPY).

The authoritative reference and input builder live on the scoring server;
editing this copy changes nothing except your own understanding.
"""

import jax, jax.numpy as jnp
import numpy as np

N_NODES = 10000
N_EDGES = 320000
N_HYPEREDGES = 5000
N_FEATURE = 128
N_HIDDEN = 128


def setup_inputs(seed: int = 0) -> dict:
    key = jax.random.key(seed)
    k1, k2, k3, k4 = jax.random.split(key, 4)
    X = jax.random.normal(k1, (N_NODES, N_FEATURE), dtype=jnp.float32)
    v_idx = jax.random.randint(k2, (N_EDGES,), 0, N_NODES, dtype=jnp.int64)
    e_idx = jax.random.randint(k3, (N_EDGES,), 0, N_HYPEREDGES, dtype=jnp.int64)
    # theta: Linear(n_feature, n_hidden)
    W = jax.random.normal(k4, (N_FEATURE, N_HIDDEN), dtype=jnp.float32) * (1.0 / np.sqrt(N_FEATURE))
    b = jnp.zeros((N_HIDDEN,), dtype=jnp.float32)
    return {"X": X, "v_idx": v_idx, "e_idx": e_idx, "W": W, "b": b}


def _segment_mean(data, seg_ids, num_segments):
    s = jax.ops.segment_sum(data, seg_ids, num_segments=num_segments)
    cnt = jax.ops.segment_sum(jnp.ones((data.shape[0],), dtype=data.dtype), seg_ids, num_segments=num_segments)
    cnt = jnp.clip(cnt, 1.0, None)
    return s / cnt[:, None]


def reference(X, v_idx, e_idx, W, b):
    # X = self.theta(X)
    Xt = X @ W + b
    # bn is None -> skip
    # hg.v2v(X, aggr='mean'): vertex -> hyperedge (mean), hyperedge -> vertex (mean)
    gathered = jnp.take(Xt, v_idx, axis=0)
    e_feat = _segment_mean(gathered, e_idx, N_HYPEREDGES)
    back = jnp.take(e_feat, e_idx, axis=0)
    v_feat = _segment_mean(back, v_idx, N_NODES)
    # not is_last -> act (ReLU); dropout identity in eval mode
    out = jax.nn.relu(v_feat)
    return out

if __name__ == "__main__":
    import jax
    _d = setup_inputs()
    print(jax.jit(kernel)(*tuple(_d.values())))

</pallas_src>

<mosaic_0001>
#map = affine_map<(d0, d1) -> (0, 0)>
#map1 = affine_map<(d0, d1) -> (0, 0, 0, 0)>
#map2 = affine_map<(d0, d1) -> (0, 0, 0)>
module attributes {stable_mosaic.version = 14 : i64} {
  func.func @hop(%arg0: i32, %arg1: i32, %arg2: memref<5120x128xf32, #tpu.memory_space<hbm>>, %arg3: memref<32x79x2x128xi32, #tpu.memory_space<hbm>>, %arg4: memref<640x128xf32, #tpu.memory_space<hbm>>, %arg5: memref<2x10112x128xf32, #tpu.memory_space<hbm>>, %arg6: memref<2x2x128xi32, #tpu.memory_space<vmem>>, %arg7: memref<2x128x128xf32, #tpu.memory_space<vmem>>, %arg8: memref<10112x128xf32, #tpu.memory_space<vmem_shared>>, %arg9: memref<!tpu.dma_semaphore, #tpu.memory_space<semaphore_mem>>, %arg10: memref<!tpu.dma_semaphore, #tpu.memory_space<semaphore_mem>>, %arg11: memref<!tpu.dma_semaphore, #tpu.memory_space<semaphore_mem>>, %arg12: memref<!tpu.dma_semaphore, #tpu.memory_space<semaphore_mem>>) attributes {dimension_semantics = [#tpu.dimension_semantics<core_parallel>, #tpu.dimension_semantics<subcore_parallel>], iteration_bounds = array<i64: 2, 16>, scalar_prefetch = 0 : i64, scratch_operands = 7 : i64, tpu.core_type = #tpu.core_type<sc_vector_subcore>, window_params = [{transform_indices = #map}, {transform_indices = #map1}, {transform_indices = #map}, {transform_indices = #map2}]} {
    %mul3A = arith.constant 16 : i32
    %mul3A_0 = arith.muli %arg0, %mul3A : i32
    %add3A = arith.addi %mul3A_0, %arg1 : i32
    %mul3A_1 = arith.constant 632 : i32
    %mul3A_2 = arith.muli %arg1, %mul3A_1 : i32
    "tpu.region"() ({
      %run_scoped3A_204 = tpu.sem_alloc : memref<!tpu.dma_semaphore, #tpu.memory_space<semaphore_mem>>
      %dma_start3A_205 = arith.constant 0 : i32
      %dma_start3A_206 = tpu.memref_slice %arg8[%mul3A_2, %dma_start3A_205] : memref<10112x128xf32, #tpu.memory_space<vmem_shared>> -> memref<632x128xf32, #tpu.memory_space<vmem_shared>>
      %dma_start3A_207 = arith.constant 0 : i32
      %dma_start3A_208 = arith.constant 0 : i32
      %dma_start3A_209 = tpu.memref_slice %arg4[%dma_start3A_207, %dma_start3A_208] : memref<640x128xf32, #tpu.memory_space<hbm>> -> memref<632x128xf32, #tpu.memory_space<hbm>>
      tpu.enqueue_dma source(%dma_start3A_209 : memref<632x128xf32, #tpu.memory_space<hbm>>) target(%dma_start3A_206 : memref<632x128xf32, #tpu.memory_space<vmem_shared>>) target_semaphore(%run_scoped3A_204 : memref<!tpu.dma_semaphore, #tpu.memory_space<semaphore_mem>>)
      %dma_wait3A_210 = arith.constant 0 : i32
      %dma_wait3A_211 = tpu.memref_slice %arg8[%mul3A_2, %dma_wait3A_210] : memref<10112x128xf32, #tpu.memory_space<vmem_shared>> -> memref<632x128xf32, #tpu.memory_space<vmem_shared>>
      %dma_wait3A_212 = arith.constant 0 : i32
      %dma_wait3A_213 = arith.constant 0 : i32
      %dma_wait3A_214 = tpu.memref_slice %arg4[%dma_wait3A_212, %dma_wait3A_213] : memref<640x128xf32, #tpu.memory_space<hbm>> -> memref<632x128xf32, #tpu.memory_space<hbm>>
      tpu.wait_dma2 semaphore(%run_scoped3A_204 : memref<!tpu.dma_semaphore, #tpu.memory_space<semaphore_mem>>) src(%dma_wait3A_214 : memref<632x128xf32, #tpu.memory_space<hbm>>) dst(%dma_wait3A_211 : memref<632x128xf32, #tpu.memory_space<vmem_shared>>)
      tpu.yield
    }) : () -> ()
    %barrier3A = arith.constant 0 : index
    tpu.barrier barrier_id(%barrier3A)
    %dma_start3A = arith.constant 0 : i32
    %dma_start3A_3 = arith.constant 0 : i32
    %dma_start3A_4 = arith.constant 0 : i32
    %dma_start3A_5 = arith.constant 0 : i32
    %dma_start3A_6 = tpu.memref_slice %arg6[%dma_start3A_3, %dma_start3A_4, %dma_start3A_5] : memref<2x2x128xi32, #tpu.memory_space<vmem>> -> memref<1x2x128xi32, #tpu.memory_space<vmem>>
    %dma_start3A_7 = tpu.memref_squeeze %dma_start3A_6 : memref<1x2x128xi32, #tpu.memory_space<vmem>> -> memref<2x128xi32, #tpu.memory_space<vmem>>
    %dma_start3A_8 = arith.constant 0 : i32
    %dma_start3A_9 = arith.constant 0 : i32
    %dma_start3A_10 = tpu.memref_slice %arg3[%add3A, %dma_start3A, %dma_start3A_8, %dma_start3A_9] : memref<32x79x2x128xi32, #tpu.memory_space<hbm>> -> memref<1x1x2x128xi32, #tpu.memory_space<hbm>>
    %dma_start3A_11 = tpu.memref_squeeze %dma_start3A_10 : memref<1x1x2x128xi32, #tpu.memory_space<hbm>> -> memref<2x128xi32, #tpu.memory_space<hbm>>
    %dma_start3A_12 = arith.constant 0 : i32
    %dma_start3A_13 = arith.constant 0 : i32
    %dma_start3A_14 = tpu.memref_slice %arg6[%dma_start3A_3, %dma_start3A_12, %dma_start3A_13] : memref<2x2x128xi32, #tpu.memory_space<vmem>> -> memref<1x2x128xi32, #tpu.memory_space<vmem>>
    %dma_start3A_15 = tpu.memref_squeeze %dma_start3A_14 : memref<1x2x128xi32, #tpu.memory_space<vmem>> -> memref<2x128xi32, #tpu.memory_space<vmem>>
    %dma_start3A_16 = arith.constant 0 : i32
    %dma_start3A_17 = arith.constant 0 : i32
    %dma_start3A_18 = tpu.memref_slice %arg3[%add3A, %dma_start3A, %dma_start3A_16, %dma_start3A_17] : memref<32x79x2x128xi32, #tpu.memory_space<hbm>> -> memref<1x1x2x128xi32, #tpu.memory_space<hbm>>
    %dma_start3A_19 = tpu.memref_squeeze %dma_start3A_18 : memref<1x1x2x128xi32, #tpu.memory_space<hbm>> -> memref<2x128xi32, #tpu.memory_space<hbm>>
    tpu.enqueue_dma source(%dma_start3A_19 : memref<2x128xi32, #tpu.memory_space<hbm>>) target(%dma_start3A_15 : memref<2x128xi32, #tpu.memory_space<vmem>>) target_semaphore(%arg9 : memref<!tpu.dma_semaphore, #tpu.memory_space<semaphore_mem>>)
    %dma_start3A_20 = arith.constant 1 : i32
    %dma_start3A_21 = arith.constant 1 : i32
    %dma_start3A_22 = arith.constant 0 : i32
    %dma_start3A_23 = arith.constant 0 : i32
    %dma_start3A_24 = tpu.memref_slice %arg6[%dma_start3A_21, %dma_start3A_22, %dma_start3A_23] : memref<2x2x128xi32, #tpu.memory_space<vmem>> -> memref<1x2x128xi32, #tpu.memory_space<vmem>>
    %dma_start3A_25 = tpu.memref_squeeze %dma_start3A_24 : memref<1x2x128xi32, #tpu.memory_space<vmem>> -> memref<2x128xi32, #tpu.memory_space<vmem>>
    %dma_start3A_26 = arith.constant 0 : i32
    %dma_start3A_27 = arith.constant 0 : i32
    %dma_start3A_28 = tpu.memref_slice %arg3[%add3A, %dma_start3A_20, %dma_start3A_26, %dma_start3A_27] : memref<32x79x2x128xi32, #tpu.memory_space<hbm>> -> memref<1x1x2x128xi32, #tpu.memory_space<hbm>>
    %dma_start3A_29 = tpu.memref_squeeze %dma_start3A_28 : memref<1x1x2x128xi32, #tpu.memory_space<hbm>> -> memref<2x128xi32, #tpu.memory_space<hbm>>
    %dma_start3A_30 = arith.constant 0 : i32
    %dma_start3A_31 = arith.constant 0 : i32
    %dma_start3A_32 = tpu.memref_slice %arg6[%dma_start3A_21, %dma_start3A_30, %dma_start3A_31] : memref<2x2x128xi32, #tpu.memory_space<vmem>> -> memref<1x2x128xi32, #tpu.memory_space<vmem>>
    %dma_start3A_33 = tpu.memref_squeeze %dma_start3A_32 : memref<1x2x128xi32, #tpu.memory_space<vmem>> -> memref<2x128xi32, #tpu.memory_space<vmem>>
    %dma_start3A_34 = arith.constant 0 : i32
    %dma_start3A_35 = arith.constant 0 : i32
    %dma_start3A_36 = tpu.memref_slice %arg3[%add3A, %dma_start3A_20, %dma_start3A_34, %dma_start3A_35] : memref<32x79x2x128xi32, #tpu.memory_space<hbm>> -> memref<1x1x2x128xi32, #tpu.memory_space<hbm>>
    %dma_start3A_37 = tpu.memref_squeeze %dma_start3A_36 : memref<1x1x2x128xi32, #tpu.memory_space<hbm>> -> memref<2x128xi32, #tpu.memory_space<hbm>>
    tpu.enqueue_dma source(%dma_start3A_37 : memref<2x128xi32, #tpu.memory_space<hbm>>) target(%dma_start3A_33 : memref<2x128xi32, #tpu.memory_space<vmem>>) target_semaphore(%arg9 : memref<!tpu.dma_semaphore, #tpu.memory_space<semaphore_mem>>)
    %dma_wait3A = arith.constant 0 : i32
    %dma_wait3A_38 = arith.constant 0 : i32
    %dma_wait3A_39 = arith.constant 0 : i32
    %dma_wait3A_40 = arith.constant 0 : i32
    %dma_wait3A_41 = tpu.memref_slice %arg6[%dma_wait3A_38, %dma_wait3A_39, %dma_wait3A_40] : memref<2x2x128xi32, #tpu.memory_space<vmem>> -> memref<1x2x128xi32, #tpu.memory_space<vmem>>
    %dma_wait3A_42 = tpu.memref_squeeze %dma_wait3A_41 : memref<1x2x128xi32, #tpu.memory_space<vmem>> -> memref<2x128xi32, #tpu.memory_space<vmem>>
    %dma_wait3A_43 = arith.constant 0 : i32
    %dma_wait3A_44 = arith.constant 0 : i32
    %dma_wait3A_45 = tpu.memref_slice %arg3[%add3A, %dma_wait3A, %dma_wait3A_43, %dma_wait3A_44] : memref<32x79x2x128xi32, #tpu.memory_space<hbm>> -> memref<1x1x2x128xi32, #tpu.memory_space<hbm>>
    %dma_wait3A_46 = tpu.memref_squeeze %dma_wait3A_45 : memref<1x1x2x128xi32, #tpu.memory_space<hbm>> -> memref<2x128xi32, #tpu.memory_space<hbm>>
    %dma_wait3A_47 = arith.constant 0 : i32
    %dma_wait3A_48 = arith.constant 0 : i32
    %dma_wait3A_49 = tpu.memref_slice %arg6[%dma_wait3A_38, %dma_wait3A_47, %dma_wait3A_48] : memref<2x2x128xi32, #tpu.memory_space<vmem>> -> memref<1x2x128xi32, #tpu.memory_space<vmem>>
    %dma_wait3A_50 = tpu.memref_squeeze %dma_wait3A_49 : memref<1x2x128xi32, #tpu.memory_space<vmem>> -> memref<2x128xi32, #tpu.memory_space<vmem>>
    %dma_wait3A_51 = arith.constant 0 : i32
    %dma_wait3A_52 = arith.constant 0 : i32
    %dma_wait3A_53 = tpu.memref_slice %arg3[%add3A, %dma_wait3A, %dma_wait3A_51, %dma_wait3A_52] : memref<32x79x2x128xi32, #tpu.memory_space<hbm>> -> memref<1x1x2x128xi32, #tpu.memory_space<hbm>>
    %dma_wait3A_54 = tpu.memref_squeeze %dma_wait3A_53 : memref<1x1x2x128xi32, #tpu.memory_space<hbm>> -> memref<2x128xi32, #tpu.memory_space<hbm>>
    tpu.wait_dma2 semaphore(%arg9 : memref<!tpu.dma_semaphore, #tpu.memory_space<semaphore_mem>>) src(%dma_wait3A_54 : memref<2x128xi32, #tpu.memory_space<hbm>>) dst(%dma_wait3A_50 : memref<2x128xi32, #tpu.memory_space<vmem>>)
    %dma_start3A_55 = arith.constant 0 : i32
    %dma_start3A_56 = arith.constant 1 : i32
    %dma_start3A_57 = arith.constant 0 : i32
    %dma_start3A_58 = arith.constant 0 : i32
    %dma_start3A_59 = arith.constant 0 : i32
    %dma_start3A_60 = tpu.memref_slice %arg7[%dma_start3A_57, %dma_start3A_58, %dma_start3A_59] : memref<2x128x128xf32, #tpu.memory_space<vmem>> -> memref<1x128x128xf32, #tpu.memory_space<vmem>>
    %dma_start3A_61 = tpu.memref_squeeze %dma_start3A_60 : memref<1x128x128xf32, #tpu.memory_space<vmem>> -> memref<128x128xf32, #tpu.memory_space<vmem>>
    %dma_start3A_62 = arith.constant 0 : i32
    %dma_start3A_63 = tpu.memref_slice %arg6[%dma_start3A_55, %dma_start3A_56, %dma_start3A_62] : memref<2x2x128xi32, #tpu.memory_space<vmem>> -> memref<1x1x128xi32, #tpu.memory_space<vmem>>
    %dma_start3A_64 = tpu.memref_squeeze %dma_start3A_63 : memref<1x1x128xi32, #tpu.memory_space<vmem>> -> memref<128xi32, #tpu.memory_space<vmem>>
    %dma_start3A_65 = arith.constant 0 : i32
    %dma_start3A_66 = arith.constant 0 : i32
    %dma_start3A_67 = tpu.memref_slice %arg2[%dma_start3A_65, %dma_start3A_66] : memref<5120x128xf32, #tpu.memory_space<hbm>> -> memref<5120x128xf32, #tpu.memory_space<hbm>>
    tpu.enqueue_indirect_dma source(%dma_start3A_67 : memref<5120x128xf32, #tpu.memory_space<hbm>>) target(%dma_start3A_61 : memref<128x128xf32, #tpu.memory_space<vmem>>) offsets(%dma_start3A_64 : memref<128xi32, #tpu.memory_space<vmem>>) semaphore(%arg10 : memref<!tpu.dma_semaphore, #tpu.memory_space<semaphore_mem>>)
    %scan3A = arith.constant 0 : i32
    %scan3A_68 = arith.constant 38 : i32
    %scan3A_69 = arith.addi %scan3A, %scan3A_68 : i32
    %scan3A_70 = arith.constant 1 : i32
    scf.for %scan3A_204 = %scan3A to %scan3A_69 step %scan3A_70  : i32 {
      %mul3A_205 = arith.constant 1 : i32
      %mul3A_206 = arith.muli %scan3A_204, %mul3A_205 : i32
      %add3A_207 = arith.constant 0 : i32
      %add3A_208 = arith.addi %add3A_207, %mul3A_206 : i32
      %mul3A_209 = arith.constant 2 : i32
      %mul3A_210 = arith.muli %add3A_208, %mul3A_209 : i32
      %add3A_211 = arith.constant 0 : i32
      %add3A_212 = arith.addi %mul3A_210, %add3A_211 : i32
      %add3A_213 = arith.constant 1 : i32
      %add3A_214 = arith.addi %add3A_212, %add3A_213 : i32
      %dma_wait3A_215 = arith.constant 1 : i32
      %dma_wait3A_216 = arith.constant 0 : i32
      %dma_wait3A_217 = arith.constant 0 : i32
      %dma_wait3A_218 = tpu.memref_slice %arg6[%dma_wait3A_215, %dma_wait3A_216, %dma_wait3A_217] : memref<2x2x128xi32, #tpu.memory_space<vmem>> -> memref<1x2x128xi32, #tpu.memory_space<vmem>>
      %dma_wait3A_219 = tpu.memref_squeeze %dma_wait3A_218 : memref<1x2x128xi32, #tpu.memory_space<vmem>> -> memref<2x128xi32, #tpu.memory_space<vmem>>
      %dma_wait3A_220 = arith.constant 0 : i32
      %dma_wait3A_221 = arith.constant 0 : i32
      %dma_wait3A_222 = tpu.memref_slice %arg3[%add3A, %add3A_214, %dma_wait3A_220, %dma_wait3A_221] : memref<32x79x2x128xi32, #tpu.memory_space<hbm>> -> memref<1x1x2x128xi32, #tpu.memory_space<hbm>>
      %dma_wait3A_223 = tpu.memref_squeeze %dma_wait3A_222 : memref<1x1x2x128xi32, #tpu.memory_space<hbm>> -> memref<2x128xi32, #tpu.memory_space<hbm>>
      %dma_wait3A_224 = arith.constant 0 : i32
      %dma_wait3A_225 = arith.constant 0 : i32
      %dma_wait3A_226 = tpu.memref_slice %arg6[%dma_wait3A_215, %dma_wait3A_224, %dma_wait3A_225] : memref<2x2x128xi32, #tpu.memory_space<vmem>> -> memref<1x2x128xi32, #tpu.memory_space<vmem>>
      %dma_wait3A_227 = tpu.memref_squeeze %dma_wait3A_226 : memref<1x2x128xi32, #tpu.memory_space<vmem>> -> memref<2x128xi32, #tpu.memory_space<vmem>>
      %dma_wait3A_228 = arith.constant 0 : i32
      %dma_wait3A_229 = arith.constant 0 : i32
      %dma_wait3A_230 = tpu.memref_slice %arg3[%add3A, %add3A_214, %dma_wait3A_228, %dma_wait3A_229] : memref<32x79x2x128xi32, #tpu.memory_space<hbm>> -> memref<1x1x2x128xi32, #tpu.memory_space<hbm>>
      %dma_wait3A_231 = tpu.memref_squeeze %dma_wait3A_230 : memref<1x1x2x128xi32, #tpu.memory_space<hbm>> -> memref<2x128xi32, #tpu.memory_space<hbm>>
      tpu.wait_dma2 semaphore(%arg9 : memref<!tpu.dma_semaphore, #tpu.memory_space<semaphore_mem>>) src(%dma_wait3A_231 : memref<2x128xi32, #tpu.memory_space<hbm>>) dst(%dma_wait3A_227 : memref<2x128xi32, #tpu.memory_space<vmem>>)
      %add3A_232 = arith.constant 1 : i32
      %add3A_233 = arith.addi %add3A_212, %add3A_232 : i32
      %dma_start3A_234 = arith.constant 1 : i32
      %dma_start3A_235 = arith.constant 1 : i32
      %dma_start3A_236 = arith.constant 1 : i32
      %dma_start3A_237 = arith.constant 0 : i32
      %dma_start3A_238 = arith.constant 0 : i32
      %dma_start3A_239 = tpu.memref_slice %arg7[%dma_start3A_236, %dma_start3A_237, %dma_start3A_238] : memref<2x128x128xf32, #tpu.memory_space<vmem>> -> memref<1x128x128xf32, #tpu.memory_space<vmem>>
      %dma_start3A_240 = tpu.memref_squeeze %dma_start3A_239 : memref<1x128x128xf32, #tpu.memory_space<vmem>> -> memref<128x128xf32, #tpu.memory_space<vmem>>
      %dma_start3A_241 = arith.constant 0 : i32
      %dma_start3A_242 = tpu.memref_slice %arg6[%dma_start3A_234, %dma_start3A_235, %dma_start3A_241] : memref<2x2x128xi32, #tpu.memory_space<vmem>> -> memref<1x1x128xi32, #tpu.memory_space<vmem>>
      %dma_start3A_243 = tpu.memref_squeeze %dma_start3A_242 : memref<1x1x128xi32, #tpu.memory_space<vmem>> -> memref<128xi32, #tpu.memory_space<vmem>>
      %dma_start3A_244 = arith.constant 0 : i32
      %dma_start3A_245 = arith.constant 0 : i32
      %dma_start3A_246 = tpu.memref_slice %arg2[%dma_start3A_244, %dma_start3A_245] : memref<5120x128xf32, #tpu.memory_space<hbm>> -> memref<5120x128xf32, #tpu.memory_space<hbm>>
      tpu.enqueue_indirect_dma source(%dma_start3A_246 : memref<5120x128xf32, #tpu.memory_space<hbm>>) target(%dma_start3A_240 : memref<128x128xf32, #tpu.memory_space<vmem>>) offsets(%dma_start3A_243 : memref<128xi32, #tpu.memory_space<vmem>>) semaphore(%arg11 : memref<!tpu.dma_semaphore, #tpu.memory_space<semaphore_mem>>)
      %dma_wait3A_247 = arith.constant 0 : i32
      %dma_wait3A_248 = arith.constant 1 : i32
      %dma_wait3A_249 = arith.constant 0 : i32
      %dma_wait3A_250 = arith.constant 0 : i32
      %dma_wait3A_251 = arith.constant 0 : i32
      %dma_wait3A_252 = tpu.memref_slice %arg7[%dma_wait3A_249, %dma_wait3A_250, %dma_wait3A_251] : memref<2x128x128xf32, #tpu.memory_space<vmem>> -> memref<1x128x128xf32, #tpu.memory_space<vmem>>
      %dma_wait3A_253 = tpu.memref_squeeze %dma_wait3A_252 : memref<1x128x128xf32, #tpu.memory_space<vmem>> -> memref<128x128xf32, #tpu.memory_space<vmem>>
      %dma_wait3A_254 = arith.constant 0 : i32
      %dma_wait3A_255 = tpu.memref_slice %arg6[%dma_wait3A_247, %dma_wait3A_248, %dma_wait3A_254] : memref<2x2x128xi32, #tpu.memory_space<vmem>> -> memref<1x1x128xi32, #tpu.memory_space<vmem>>
      %dma_wait3A_256 = tpu.memref_squeeze %dma_wait3A_255 : memref<1x1x128xi32, #tpu.memory_space<vmem>> -> memref<128xi32, #tpu.memory_space<vmem>>
      %dma_wait3A_257 = arith.constant 0 : i32
      %dma_wait3A_258 = arith.constant 0 : i32
      %dma_wait3A_259 = tpu.memref_slice %arg2[%dma_wait3A_257, %dma_wait3A_258] : memref<5120x128xf32, #tpu.memory_space<hbm>> -> memref<5120x128xf32, #tpu.memory_space<hbm>>
      tpu.wait_indirect_dma semaphore(%arg10 : memref<!tpu.dma_semaphore, #tpu.memory_space<semaphore_mem>>) src(%dma_wait3A_259 : memref<5120x128xf32, #tpu.memory_space<hbm>>) dst(%dma_wait3A_253 : memref<128x128xf32, #tpu.memory_space<vmem>>)
      %run_scoped3A_260 = arith.constant 0 : i32
      %run_scoped3A_261 = arith.constant 0 : i32
      %run_scoped3A_262 = arith.constant 0 : i32
      "tpu.region"() ({
        %run_scoped3A_355 = tpu.sem_alloc : memref<!tpu.dma_semaphore, #tpu.memory_space<semaphore_mem>>
        %dma_start3A_356 = arith.constant 0 : i32
        %dma_start3A_357 = arith.constant 0 : i32
        %dma_start3A_358 = tpu.memref_slice %arg7[%run_scoped3A_260, %dma_start3A_356, %dma_start3A_357] : memref<2x128x128xf32, #tpu.memory_space<vmem>> -> memref<1x128x128xf32, #tpu.memory_space<vmem>>
        %dma_start3A_359 = tpu.memref_squeeze %dma_start3A_358 : memref<1x128x128xf32, #tpu.memory_space<vmem>> -> memref<128x128xf32, #tpu.memory_space<vmem>>
        %dma_start3A_360 = arith.constant 0 : i32
        %dma_start3A_361 = tpu.memref_slice %arg6[%run_scoped3A_261, %run_scoped3A_262, %dma_start3A_360] : memref<2x2x128xi32, #tpu.memory_space<vmem>> -> memref<1x1x128xi32, #tpu.memory_space<vmem>>
        %dma_start3A_362 = tpu.memref_squeeze %dma_start3A_361 : memref<1x1x128xi32, #tpu.memory_space<vmem>> -> memref<128xi32, #tpu.memory_space<vmem>>
        %dma_start3A_363 = arith.constant 0 : i32
        %dma_start3A_364 = arith.constant 0 : i32
        %dma_start3A_365 = tpu.memref_slice %arg8[%dma_start3A_363, %dma_start3A_364] : memref<10112x128xf32, #tpu.memory_space<vmem_shared>> -> memref<10112x128xf32, #tpu.memory_space<vmem_shared>>
        tpu.enqueue_indirect_dma source(%dma_start3A_359 : memref<128x128xf32, #tpu.memory_space<vmem>>) target(%dma_start3A_365 : memref<10112x128xf32, #tpu.memory_space<vmem_shared>>) offsets(%dma_start3A_362 : memref<128xi32, #tpu.memory_space<vmem>>) semaphore(%run_scoped3A_355 : memref<!tpu.dma_semaphore, #tpu.memory_space<semaphore_mem>>) {add = true}
        %dma_wait3A_366 = arith.constant 0 : i32
        %dma_wait3A_367 = arith.constant 0 : i32
        %dma_wait3A_368 = tpu.memref_slice %arg7[%run_scoped3A_260, %dma_wait3A_366, %dma_wait3A_367] : memref<2x128x128xf32, #tpu.memory_space<vmem>> -> memref<1x128x128xf32, #tpu.memory_space<vmem>>
        %dma_wait3A_369 = tpu.memref_squeeze %dma_wait3A_368 : memref<1x128x128xf32, #tpu.memory_space<vmem>> -> memref<128x128xf32, #tpu.memory_space<vmem>>
        %dma_wait3A_370 = arith.constant 0 : i32
        %dma_wait3A_371 = tpu.memref_slice %arg6[%run_scoped3A_261, %run_scoped3A_262, %dma_wait3A_370] : memref<2x2x128xi32, #tpu.memory_space<vmem>> -> memref<1x1x128xi32, #tpu.memory_space<vmem>>
        %dma_wait3A_372 = tpu.memref_squeeze %dma_wait3A_371 : memref<1x1x128xi32, #tpu.memory_space<vmem>> -> memref<128xi32, #tpu.memory_space<vmem>>
        %dma_wait3A_373 = arith.constant 0 : i32
        %dma_wait3A_374 = arith.constant 0 : i32
        %dma_wait3A_375 = tpu.memref_slice %arg8[%dma_wait3A_373, %dma_wait3A_374] : memref<10112x128xf32, #tpu.memory_space<vmem_shared>> -> memref<10112x128xf32, #tpu.memory_space<vmem_shared>>
        tpu.wait_indirect_dma semaphore(%run_scoped3A_355 : memref<!tpu.dma_semaphore, #tpu.memory_space<semaphore_mem>>) src(%dma_wait3A_369 : memref<128x128xf32, #tpu.memory_space<vmem>>) dst(%dma_wait3A_375 : memref<10112x128xf32, #tpu.memory_space<vmem_shared>>)
        tpu.yield
      }) : () -> ()
      %add3A_263 = arith.constant 2 : i32
      %add3A_264 = arith.addi %add3A_212, %add3A_263 : i32
      %dma_start3A_265 = arith.constant 0 : i32
      %dma_start3A_266 = arith.constant 0 : i32
      %dma_start3A_267 = arith.constant 0 : i32
      %dma_start3A_268 = tpu.memref_slice %arg6[%dma_start3A_265, %dma_start3A_266, %dma_start3A_267] : memref<2x2x128xi32, #tpu.memory_space<vmem>> -> memref<1x2x128xi32, #tpu.memory_space<vmem>>
      %dma_start3A_269 = tpu.memref_squeeze %dma_start3A_268 : memref<1x2x128xi32, #tpu.memory_space<vmem>> -> memref<2x128xi32, #tpu.memory_space<vmem>>
      %dma_start3A_270 = arith.constant 0 : i32
      %dma_start3A_271 = arith.constant 0 : i32
      %dma_start3A_272 = tpu.memref_slice %arg3[%add3A, %add3A_264, %dma_start3A_270, %dma_start3A_271] : memref<32x79x2x128xi32, #tpu.memory_space<hbm>> -> memref<1x1x2x128xi32, #tpu.memory_space<hbm>>
      %dma_start3A_273 = tpu.memref_squeeze %dma_start3A_272 : memref<1x1x2x128xi32, #tpu.memory_space<hbm>> -> memref<2x128xi32, #tpu.memory_space<hbm>>
      %dma_start3A_274 = arith.constant 0 : i32
      %dma_start3A_275 = arith.constant 0 : i32
      %dma_start3A_276 = tpu.memref_slice %arg6[%dma_start3A_265, %dma_start3A_274, %dma_start3A_275] : memref<2x2x128xi32, #tpu.memory_space<vmem>> -> memref<1x2x128xi32, #tpu.memory_space<vmem>>
      %dma_start3A_277 = tpu.memref_squeeze %dma_start3A_276 : memref<1x2x128xi32, #tpu.memory_space<vmem>> -> memref<2x128xi32, #tpu.memory_space<vmem>>
      %dma_start3A_278 = arith.constant 0 : i32
      %dma_start3A_279 = arith.constant 0 : i32
      %dma_start3A_280 = tpu.memref_slice %arg3[%add3A, %add3A_264, %dma_start3A_278, %dma_start3A_279] : memref<32x79x2x128xi32, #tpu.memory_space<hbm>> -> memref<1x1x2x128xi32, #tpu.memory_space<hbm>>
      %dma_start3A_281 = tpu.memref_squeeze %dma_start3A_280 : memref<1x1x2x128xi32, #tpu.memory_space<hbm>> -> memref<2x128xi32, #tpu.memory_space<hbm>>
      tpu.enqueue_dma source(%dma_start3A_281 : memref<2x128xi32, #tpu.memory_space<hbm>>) target(%dma_start3A_277 : memref<2x128xi32, #tpu.memory_space<vmem>>) target_semaphore(%arg9 : memref<!tpu.dma_semaphore, #tpu.memory_space<semaphore_mem>>)
      %mul3A_282 = arith.constant 2 : i32
      %mul3A_283 = arith.muli %add3A_208, %mul3A_282 : i32
      %add3A_284 = arith.constant 1 : i32
      %add3A_285 = arith.addi %mul3A_283, %add3A_284 : i32
      %add3A_286 = arith.constant 1 : i32
      %add3A_287 = arith.addi %add3A_285, %add3A_286 : i32
      %dma_wait3A_288 = arith.constant 0 : i32
      %dma_wait3A_289 = arith.constant 0 : i32
      %dma_wait3A_290 = arith.constant 0 : i32
      %dma_wait3A_291 = tpu.memref_slice %arg6[%dma_wait3A_288, %dma_wait3A_289, %dma_wait3A_290] : memref<2x2x128xi32, #tpu.memory_space<vmem>> -> memref<1x2x128xi32, #tpu.memory_space<vmem>>
      %dma_wait3A_292 = tpu.memref_squeeze %dma_wait3A_291 : memref<1x2x128xi32, #tpu.memory_space<vmem>> -> memref<2x128xi32, #tpu.memory_space<vmem>>
      %dma_wait3A_293 = arith.constant 0 : i32
      %dma_wait3A_294 = arith.constant 0 : i32
      %dma_wait3A_295 = tpu.memref_slice %arg3[%add3A, %add3A_287, %dma_wait3A_293, %dma_wait3A_294] : memref<32x79x2x128xi32, #tpu.memory_space<hbm>> -> memref<1x1x2x128xi32, #tpu.memory_space<hbm>>
      %dma_wait3A_296 = tpu.memref_squeeze %dma_wait3A_295 : memref<1x1x2x128xi32, #tpu.memory_space<hbm>> -> memref<2x128xi32, #tpu.memory_space<hbm>>
      %dma_wait3A_297 = arith.constant 0 : i32
      %dma_wait3A_298 = arith.constant 0 : i32
      %dma_wait3A_299 = tpu.memref_slice %arg6[%dma_wait3A_288, %dma_wait3A_297, %dma_wait3A_298] : memref<2x2x128xi32, #tpu.memory_space<vmem>> -> memref<1x2x128xi32, #tpu.memory_space<vmem>>
      %dma_wait3A_300 = tpu.memref_squeeze %dma_wait3A_299 : memref<1x2x128xi32, #tpu.memory_space<vmem>> -> memref<2x128xi32, #tpu.memory_space<vmem>>
      %dma_wait3A_301 = arith.constant 0 : i32
      %dma_wait3A_302 = arith.constant 0 : i32
      %dma_wait3A_303 = tpu.memref_slice %arg3[%add3A, %add3A_287, %dma_wait3A_301, %dma_wait3A_302] : memref<32x79x2x128xi32, #tpu.memory_space<hbm>> -> memref<1x1x2x128xi32, #tpu.memory_space<hbm>>
      %dma_wait3A_304 = tpu.memref_squeeze %dma_wait3A_303 : memref<1x1x2x128xi32, #tpu.memory_space<hbm>> -> memref<2x128xi32, #tpu.memory_space<hbm>>
      tpu.wait_dma2 semaphore(%arg9 : memref<!tpu.dma_semaphore, #tpu.memory_space<semaphore_mem>>) src(%dma_wait3A_304 : memref<2x128xi32, #tpu.memory_space<hbm>>) dst(%dma_wait3A_300 : memref<2x128xi32, #tpu.memory_space<vmem>>)
      %add3A_305 = arith.constant 1 : i32
      %add3A_306 = arith.addi %add3A_285, %add3A_305 : i32
      %dma_start3A_307 = arith.constant 0 : i32
      %dma_start3A_308 = arith.constant 1 : i32
      %dma_start3A_309 = arith.constant 0 : i32
      %dma_start3A_310 = arith.constant 0 : i32
      %dma_start3A_311 = arith.constant 0 : i32
      %dma_start3A_312 = tpu.memref_slice %arg7[%dma_start3A_309, %dma_start3A_310, %dma_start3A_311] : memref<2x128x128xf32, #tpu.memory_space<vmem>> -> memref<1x128x128xf32, #tpu.memory_space<vmem>>
      %dma_start3A_313 = tpu.memref_squeeze %dma_start3A_312 : memref<1x128x128xf32, #tpu.memory_space<vmem>> -> memref<128x128xf32, #tpu.memory_space<vmem>>
      %dma_start3A_314 = arith.constant 0 : i32
      %dma_start3A_315 = tpu.memref_slice %arg6[%dma_start3A_307, %dma_start3A_308, %dma_start3A_314] : memref<2x2x128xi32, #tpu.memory_space<vmem>> -> memref<1x1x128xi32, #tpu.memory_space<vmem>>
      %dma_start3A_316 = tpu.memref_squeeze %dma_start3A_315 : memref<1x1x128xi32, #tpu.memory_space<vmem>> -> memref<128xi32, #tpu.memory_space<vmem>>
      %dma_start3A_317 = arith.constant 0 : i32
      %dma_start3A_318 = arith.constant 0 : i32
      %dma_start3A_319 = tpu.memref_slice %arg2[%dma_start3A_317, %dma_start3A_318] : memref<5120x128xf32, #tpu.memory_space<hbm>> -> memref<5120x128xf32, #tpu.memory_space<hbm>>
      tpu.enqueue_indirect_dma source(%dma_start3A_319 : memref<5120x128xf32, #tpu.memory_space<hbm>>) target(%dma_start3A_313 : memref<128x128xf32, #tpu.memory_space<vmem>>) offsets(%dma_start3A_316 : memref<128xi32, #tpu.memory_space<vmem>>) semaphore(%arg10 : memref<!tpu.dma_semaphore, #tpu.memory_space<semaphore_mem>>)
      %dma_wait3A_320 = arith.constant 1 : i32
      %dma_wait3A_321 = arith.constant 1 : i32
      %dma_wait3A_322 = arith.constant 1 : i32
      %dma_wait3A_323 = arith.constant 0 : i32
      %dma_wait3A_324 = arith.constant 0 : i32
      %dma_wait3A_325 = tpu.memref_slice %arg7[%dma_wait3A_322, %dma_wait3A_323, %dma_wait3A_324] : memref<2x128x128xf32, #tpu.memory_space<vmem>> -> memref<1x128x128xf32, #tpu.memory_space<vmem>>
      %dma_wait3A_326 = tpu.memref_squeeze %dma_wait3A_325 : memref<1x128x128xf32, #tpu.memory_space<vmem>> -> memref<128x128xf32, #tpu.memory_space<vmem>>
      %dma_wait3A_327 = arith.constant 0 : i32
      %dma_wait3A_328 = tpu.memref_slice %arg6[%dma_wait3A_320, %dma_wait3A_321, %dma_wait3A_327] : memref<2x2x128xi32, #tpu.memory_space<vmem>> -> memref<1x1x128xi32, #tpu.memory_space<vmem>>
      %dma_wait3A_329 = tpu.memref_squeeze %dma_wait3A_328 : memref<1x1x128xi32, #tpu.memory_space<vmem>> -> memref<128xi32, #tpu.memory_space<vmem>>
      %dma_wait3A_330 = arith.constant 0 : i32
      %dma_wait3A_331 = arith.constant 0 : i32
      %dma_wait3A_332 = tpu.memref_slice %arg2[%dma_wait3A_330, %dma_wait3A_331] : memref<5120x128xf32, #tpu.memory_space<hbm>> -> memref<5120x128xf32, #tpu.memory_space<hbm>>
      tpu.wait_indirect_dma semaphore(%arg11 : memref<!tpu.dma_semaphore, #tpu.memory_space<semaphore_mem>>) src(%dma_wait3A_332 : memref<5120x128xf32, #tpu.memory_space<hbm>>) dst(%dma_wait3A_326 : memref<128x128xf32, #tpu.memory_space<vmem>>)
      %run_scoped3A_333 = arith.constant 1 : i32
      %run_scoped3A_334 = arith.constant 1 : i32
      %run_scoped3A_335 = arith.constant 0 : i32
      "tpu.region"() ({
        %run_scoped3A_355 = tpu.sem_alloc : memref<!tpu.dma_semaphore, #tpu.memory_space<semaphore_mem>>
        %dma_start3A_356 = arith.constant 0 : i32
        %dma_start3A_357 = arith.constant 0 : i32
        %dma_start3A_358 = tpu.memref_slice %arg7[%run_scoped3A_333, %dma_start3A_356, %dma_start3A_357] : memref<2x128x128xf32, #tpu.memory_space<vmem>> -> memref<1x128x128xf32, #tpu.memory_space<vmem>>
        %dma_start3A_359 = tpu.memref_squeeze %dma_start3A_358 : memref<1x128x128xf32, #tpu.memory_space<vmem>> -> memref<128x128xf32, #tpu.memory_space<vmem>>
        %dma_start3A_360 = arith.constant 0 : i32
        %dma_start3A_361 = tpu.memref_slice %arg6[%run_scoped3A_334, %run_scoped3A_335, %dma_start3A_360] : memref<2x2x128xi32, #tpu.memory_space<vmem>> -> memref<1x1x128xi32, #tpu.memory_space<vmem>>
        %dma_start3A_362 = tpu.memref_squeeze %dma_start3A_361 : memref<1x1x128xi32, #tpu.memory_space<vmem>> -> memref<128xi32, #tpu.memory_space<vmem>>
        %dma_start3A_363 = arith.constant 0 : i32
        %dma_start3A_364 = arith.constant 0 : i32
        %dma_start3A_365 = tpu.memref_slice %arg8[%dma_start3A_363, %dma_start3A_364] : memref<10112x128xf32, #tpu.memory_space<vmem_shared>> -> memref<10112x128xf32, #tpu.memory_space<vmem_shared>>
        tpu.enqueue_indirect_dma source(%dma_start3A_359 : memref<128x128xf32, #tpu.memory_space<vmem>>) target(%dma_start3A_365 : memref<10112x128xf32, #tpu.memory_space<vmem_shared>>) offsets(%dma_start3A_362 : memref<128xi32, #tpu.memory_space<vmem>>) semaphore(%run_scoped3A_355 : memref<!tpu.dma_semaphore, #tpu.memory_space<semaphore_mem>>) {add = true}
        %dma_wait3A_366 = arith.constant 0 : i32
        %dma_wait3A_367 = arith.constant 0 : i32
        %dma_wait3A_368 = tpu.memref_slice %arg7[%run_scoped3A_333, %dma_wait3A_366, %dma_wait3A_367] : memref<2x128x128xf32, #tpu.memory_space<vmem>> -> memref<1x128x128xf32, #tpu.memory_space<vmem>>
        %dma_wait3A_369 = tpu.memref_squeeze %dma_wait3A_368 : memref<1x128x128xf32, #tpu.memory_space<vmem>> -> memref<128x128xf32, #tpu.memory_space<vmem>>
        %dma_wait3A_370 = arith.constant 0 : i32
        %dma_wait3A_371 = tpu.memref_slice %arg6[%run_scoped3A_334, %run_scoped3A_335, %dma_wait3A_370] : memref<2x2x128xi32, #tpu.memory_space<vmem>> -> memref<1x1x128xi32, #tpu.memory_space<vmem>>
        %dma_wait3A_372 = tpu.memref_squeeze %dma_wait3A_371 : memref<1x1x128xi32, #tpu.memory_space<vmem>> -> memref<128xi32, #tpu.memory_space<vmem>>
        %dma_wait3A_373 = arith.constant 0 : i32
        %dma_wait3A_374 = arith.constant 0 : i32
        %dma_wait3A_375 = tpu.memref_slice %arg8[%dma_wait3A_373, %dma_wait3A_374] : memref<10112x128xf32, #tpu.memory_space<vmem_shared>> -> memref<10112x128xf32, #tpu.memory_space<vmem_shared>>
        tpu.wait_indirect_dma semaphore(%run_scoped3A_355 : memref<!tpu.dma_semaphore, #tpu.memory_space<semaphore_mem>>) src(%dma_wait3A_369 : memref<128x128xf32, #tpu.memory_space<vmem>>) dst(%dma_wait3A_375 : memref<10112x128xf32, #tpu.memory_space<vmem_shared>>)
        tpu.yield
      }) : () -> ()
      %add3A_336 = arith.constant 2 : i32
      %add3A_337 = arith.addi %add3A_285, %add3A_336 : i32
      %dma_start3A_338 = arith.constant 1 : i32
      %dma_start3A_339 = arith.constant 0 : i32
      %dma_start3A_340 = arith.constant 0 : i32
      %dma_start3A_341 = tpu.memref_slice %arg6[%dma_start3A_338, %dma_start3A_339, %dma_start3A_340] : memref<2x2x128xi32, #tpu.memory_space<vmem>> -> memref<1x2x128xi32, #tpu.memory_space<vmem>>
      %dma_start3A_342 = tpu.memref_squeeze %dma_start3A_341 : memref<1x2x128xi32, #tpu.memory_space<vmem>> -> memref<2x128xi32, #tpu.memory_space<vmem>>
      %dma_start3A_343 = arith.constant 0 : i32
      %dma_start3A_344 = arith.constant 0 : i32
      %dma_start3A_345 = tpu.memref_slice %arg3[%add3A, %add3A_337, %dma_start3A_343, %dma_start3A_344] : memref<32x79x2x128xi32, #tpu.memory_space<hbm>> -> memref<1x1x2x128xi32, #tpu.memory_space<hbm>>
      %dma_start3A_346 = tpu.memref_squeeze %dma_start3A_345 : memref<1x1x2x128xi32, #tpu.memory_space<hbm>> -> memref<2x128xi32, #tpu.memory_space<hbm>>
      %dma_start3A_347 = arith.constant 0 : i32
      %dma_start3A_348 = arith.constant 0 : i32
      %dma_start3A_349 = tpu.memref_slice %arg6[%dma_start3A_338, %dma_start3A_347, %dma_start3A_348] : memref<2x2x128xi32, #tpu.memory_space<vmem>> -> memref<1x2x128xi32, #tpu.memory_space<vmem>>
      %dma_start3A_350 = tpu.memref_squeeze %dma_start3A_349 : memref<1x2x128xi32, #tpu.memory_space<vmem>> -> memref<2x128xi32, #tpu.memory_space<vmem>>
      %dma_start3A_351 = arith.constant 0 : i32
      %dma_start3A_352 = arith.constant 0 : i32
      %dma_start3A_353 = tpu.memref_slice %arg3[%add3A, %add3A_337, %dma_start3A_351, %dma_start3A_352] : memref<32x79x2x128xi32, #tpu.memory_space<hbm>> -> memref<1x1x2x128xi32, #tpu.memory_space<hbm>>
      %dma_start3A_354 = tpu.memref_squeeze %dma_start3A_353 : memref<1x1x2x128xi32, #tpu.memory_space<hbm>> -> memref<2x128xi32, #tpu.memory_space<hbm>>
      tpu.enqueue_dma source(%dma_start3A_354 : memref<2x128xi32, #tpu.memory_space<hbm>>) target(%dma_start3A_350 : memref<2x128xi32, #tpu.memory_space<vmem>>) target_semaphore(%arg9 : memref<!tpu.dma_semaphore, #tpu.memory_space<semaphore_mem>>)
    }
    %scan3A_71 = arith.constant 38 : i32
    %dma_wait3A_72 = arith.constant 77 : i32
    %dma_wait3A_73 = arith.constant 1 : i32
    %dma_wait3A_74 = arith.constant 0 : i32
    %dma_wait3A_75 = arith.constant 0 : i32
    %dma_wait3A_76 = tpu.memref_slice %arg6[%dma_wait3A_73, %dma_wait3A_74, %dma_wait3A_75] : memref<2x2x128xi32, #tpu.memory_space<vmem>> -> memref<1x2x128xi32, #tpu.memory_space<vmem>>
    %dma_wait3A_77 = tpu.memref_squeeze %dma_wait3A_76 : memref<1x2x128xi32, #tpu.memory_space<vmem>> -> memref<2x128xi32, #tpu.memory_space<vmem>>
    %dma_wait3A_78 = arith.constant 0 : i32
    %dma_wait3A_79 = arith.constant 0 : i32
    %dma_wait3A_80 = tpu.memref_slice %arg3[%add3A, %dma_wait3A_72, %dma_wait3A_78, %dma_wait3A_79] : memref<32x79x2x128xi32, #tpu.memory_space<hbm>> -> memref<1x1x2x128xi32, #tpu.memory_space<hbm>>
    %dma_wait3A_81 = tpu.memref_squeeze %dma_wait3A_80 : memref<1x1x2x128xi32, #tpu.memory_space<hbm>> -> memref<2x128xi32, #tpu.memory_space<hbm>>
    %dma_wait3A_82 = arith.constant 0 : i32
    %dma_wait3A_83 = arith.constant 0 : i32
    %dma_wait3A_84 = tpu.memref_slice %arg6[%dma_wait3A_73, %dma_wait3A_82, %dma_wait3A_83] : memref<2x2x128xi32, #tpu.memory_space<vmem>> -> memref<1x2x128xi32, #tpu.memory_space<vmem>>
    %dma_wait3A_85 = tpu.memref_squeeze %dma_wait3A_84 : memref<1x2x128xi32, #tpu.memory_space<vmem>> -> memref<2x128xi32, #tpu.memory_space<vmem>>
    %dma_wait3A_86 = arith.constant 0 : i32
    %dma_wait3A_87 = arith.constant 0 : i32
    %dma_wait3A_88 = tpu.memref_slice %arg3[%add3A, %dma_wait3A_72, %dma_wait3A_86, %dma_wait3A_87] : memref<32x79x2x128xi32, #tpu.memory_space<hbm>> -> memref<1x1x2x128xi32, #tpu.memory_space<hbm>>
    %dma_wait3A_89 = tpu.memref_squeeze %dma_wait3A_88 : memref<1x1x2x128xi32, #tpu.memory_space<hbm>> -> memref<2x128xi32, #tpu.memory_space<hbm>>
    tpu.wait_dma2 semaphore(%arg9 : memref<!tpu.dma_semaphore, #tpu.memory_space<semaphore_mem>>) src(%dma_wait3A_89 : memref<2x128xi32, #tpu.memory_space<hbm>>) dst(%dma_wait3A_85 : memref<2x128xi32, #tpu.memory_space<vmem>>)
    %dma_start3A_90 = arith.constant 1 : i32
    %dma_start3A_91 = arith.constant 1 : i32
    %dma_start3A_92 = arith.constant 1 : i32
    %dma_start3A_93 = arith.constant 0 : i32
    %dma_start3A_94 = arith.constant 0 : i32
    %dma_start3A_95 = tpu.memref_slice %arg7[%dma_start3A_92, %dma_start3A_93, %dma_start3A_94] : memref<2x128x128xf32, #tpu.memory_space<vmem>> -> memref<1x128x128xf32, #tpu.memory_space<vmem>>
    %dma_start3A_96 = tpu.memref_squeeze %dma_start3A_95 : memref<1x128x128xf32, #tpu.memory_space<vmem>> -> memref<128x128xf32, #tpu.memory_space<vmem>>
    %dma_start3A_97 = arith.constant 0 : i32
    %dma_start3A_98 = tpu.memref_slice %arg6[%dma_start3A_90, %dma_start3A_91, %dma_start3A_97] : memref<2x2x128xi32, #tpu.memory_space<vmem>> -> memref<1x1x128xi32, #tpu.memory_space<vmem>>
    %dma_start3A_99 = tpu.memref_squeeze %dma_start3A_98 : memref<1x1x128xi32, #tpu.memory_space<vmem>> -> memref<128xi32, #tpu.memory_space<vmem>>
    %dma_start3A_100 = arith.constant 0 : i32
    %dma_start3A_101 = arith.constant 0 : i32
    %dma_start3A_102 = tpu.memref_slice %arg2[%dma_start3A_100, %dma_start3A_101] : memref<5120x128xf32, #tpu.memory_space<hbm>> -> memref<5120x128xf32, #tpu.memory_space<hbm>>
    tpu.enqueue_indirect_dma source(%dma_start3A_102 : memref<5120x128xf32, #tpu.memory_space<hbm>>) target(%dma_start3A_96 : memref<128x128xf32, #tpu.memory_space<vmem>>) offsets(%dma_start3A_99 : memref<128xi32, #tpu.memory_space<vmem>>) semaphore(%arg11 : memref<!tpu.dma_semaphore, #tpu.memory_space<semaphore_mem>>)
    %dma_wait3A_103 = arith.constant 0 : i32
    %dma_wait3A_104 = arith.constant 1 : i32
    %dma_wait3A_105 = arith.constant 0 : i32
    %dma_wait3A_106 = arith.constant 0 : i32
    %dma_wait3A_107 = arith.constant 0 : i32
    %dma_wait3A_108 = tpu.memref_slice %arg7[%dma_wait3A_105, %dma_wait3A_106, %dma_wait3A_107] : memref<2x128x128xf32, #tpu.memory_space<vmem>> -> memref<1x128x128xf32, #tpu.memory_space<vmem>>
    %dma_wait3A_109 = tpu.memref_squeeze %dma_wait3A_108 : memref<1x128x128xf32, #tpu.memory_space<vmem>> -> memref<128x128xf32, #tpu.memory_space<vmem>>
    %dma_wait3A_110 = arith.constant 0 : i32
    %dma_wait3A_111 = tpu.memref_slice %arg6[%dma_wait3A_103, %dma_wait3A_104, %dma_wait3A_110] : memref<2x2x128xi32, #tpu.memory_space<vmem>> -> memref<1x1x128xi32, #tpu.memory_space<vmem>>
    %dma_wait3A_112 = tpu.memref_squeeze %dma_wait3A_111 : memref<1x1x128xi32, #tpu.memory_space<vmem>> -> memref<128xi32, #tpu.memory_space<vmem>>
    %dma_wait3A_113 = arith.constant 0 : i32
    %dma_wait3A_114 = arith.constant 0 : i32
    %dma_wait3A_115 = tpu.memref_slice %arg2[%dma_wait3A_113, %dma_wait3A_114] : memref<5120x128xf32, #tpu.memory_space<hbm>> -> memref<5120x128xf32, #tpu.memory_space<hbm>>
    tpu.wait_indirect_dma semaphore(%arg10 : memref<!tpu.dma_semaphore, #tpu.memory_space<semaphore_mem>>) src(%dma_wait3A_115 : memref<5120x128xf32, #tpu.memory_space<hbm>>) dst(%dma_wait3A_109 : memref<128x128xf32, #tpu.memory_space<vmem>>)
    %run_scoped3A = arith.constant 0 : i32
    %run_scoped3A_116 = arith.constant 0 : i32
    %run_scoped3A_117 = arith.constant 0 : i32
    "tpu.region"() ({
      %run_scoped3A_204 = tpu.sem_alloc : memref<!tpu.dma_semaphore, #tpu.memory_space<semaphore_mem>>
      %dma_start3A_205 = arith.constant 0 : i32
      %dma_start3A_206 = arith.constant 0 : i32
      %dma_start3A_207 = tpu.memref_slice %arg7[%run_scoped3A, %dma_start3A_205, %dma_start3A_206] : memref<2x128x128xf32, #tpu.memory_space<vmem>> -> memref<1x128x128xf32, #tpu.memory_space<vmem>>
      %dma_start3A_208 = tpu.memref_squeeze %dma_start3A_207 : memref<1x128x128xf32, #tpu.memory_space<vmem>> -> memref<128x128xf32, #tpu.memory_space<vmem>>
      %dma_start3A_209 = arith.constant 0 : i32
      %dma_start3A_210 = tpu.memref_slice %arg6[%run_scoped3A_116, %run_scoped3A_117, %dma_start3A_209] : memref<2x2x128xi32, #tpu.memory_space<vmem>> -> memref<1x1x128xi32, #tpu.memory_space<vmem>>
      %dma_start3A_211 = tpu.memref_squeeze %dma_start3A_210 : memref<1x1x128xi32, #tpu.memory_space<vmem>> -> memref<128xi32, #tpu.memory_space<vmem>>
      %dma_start3A_212 = arith.constant 0 : i32
      %dma_start3A_213 = arith.constant 0 : i32
      %dma_start3A_214 = tpu.memref_slice %arg8[%dma_start3A_212, %dma_start3A_213] : memref<10112x128xf32, #tpu.memory_space<vmem_shared>> -> memref<10112x128xf32, #tpu.memory_space<vmem_shared>>
      tpu.enqueue_indirect_dma source(%dma_start3A_208 : memref<128x128xf32, #tpu.memory_space<vmem>>) target(%dma_start3A_214 : memref<10112x128xf32, #tpu.memory_space<vmem_shared>>) offsets(%dma_start3A_211 : memref<128xi32, #tpu.memory_space<vmem>>) semaphore(%run_scoped3A_204 : memref<!tpu.dma_semaphore, #tpu.memory_space<semaphore_mem>>) {add = true}
      %dma_wait3A_215 = arith.constant 0 : i32
      %dma_wait3A_216 = arith.constant 0 : i32
      %dma_wait3A_217 = tpu.memref_slice %arg7[%run_scoped3A, %dma_wait3A_215, %dma_wait3A_216] : memref<2x128x128xf32, #tpu.memory_space<vmem>> -> memref<1x128x128xf32, #tpu.memory_space<vmem>>
      %dma_wait3A_218 = tpu.memref_squeeze %dma_wait3A_217 : memref<1x128x128xf32, #tpu.memory_space<vmem>> -> memref<128x128xf32, #tpu.memory_space<vmem>>
      %dma_wait3A_219 = arith.constant 0 : i32
      %dma_wait3A_220 = tpu.memref_slice %arg6[%run_scoped3A_116, %run_scoped3A_117, %dma_wait3A_219] : memref<2x2x128xi32, #tpu.memory_space<vmem>> -> memref<1x1x128xi32, #tpu.memory_space<vmem>>
      %dma_wait3A_221 = tpu.memref_squeeze %dma_wait3A_220 : memref<1x1x128xi32, #tpu.memory_space<vmem>> -> memref<128xi32, #tpu.memory_space<vmem>>
      %dma_wait3A_222 = arith.constant 0 : i32
      %dma_wait3A_223 = arith.constant 0 : i32
      %dma_wait3A_224 = tpu.memref_slice %arg8[%dma_wait3A_222, %dma_wait3A_223] : memref<10112x128xf32, #tpu.memory_space<vmem_shared>> -> memref<10112x128xf32, #tpu.memory_space<vmem_shared>>
      tpu.wait_indirect_dma semaphore(%run_scoped3A_204 : memref<!tpu.dma_semaphore, #tpu.memory_space<semaphore_mem>>) src(%dma_wait3A_218 : memref<128x128xf32, #tpu.memory_space<vmem>>) dst(%dma_wait3A_224 : memref<10112x128xf32, #tpu.memory_space<vmem_shared>>)
      tpu.yield
    }) : () -> ()
    %dma_start3A_118 = arith.constant 78 : i32
    %dma_start3A_119 = arith.constant 0 : i32
    %dma_start3A_120 = arith.constant 0 : i32
    %dma_start3A_121 = arith.constant 0 : i32
    %dma_start3A_122 = tpu.memref_slice %arg6[%dma_start3A_119, %dma_start3A_120, %dma_start3A_121] : memref<2x2x128xi32, #tpu.memory_space<vmem>> -> memref<1x2x128xi32, #tpu.memory_space<vmem>>
    %dma_start3A_123 = tpu.memref_squeeze %dma_start3A_122 : memref<1x2x128xi32, #tpu.memory_space<vmem>> -> memref<2x128xi32, #tpu.memory_space<vmem>>
    %dma_start3A_124 = arith.constant 0 : i32
    %dma_start3A_125 = arith.constant 0 : i32
    %dma_start3A_126 = tpu.memref_slice %arg3[%add3A, %dma_start3A_118, %dma_start3A_124, %dma_start3A_125] : memref<32x79x2x128xi32, #tpu.memory_space<hbm>> -> memref<1x1x2x128xi32, #tpu.memory_space<hbm>>
    %dma_start3A_127 = tpu.memref_squeeze %dma_start3A_126 : memref<1x1x2x128xi32, #tpu.memory_space<hbm>> -> memref<2x128xi32, #tpu.memory_space<hbm>>
    %dma_start3A_128 = arith.constant 0 : i32
    %dma_start3A_129 = arith.constant 0 : i32
    %dma_start3A_130 = tpu.memref_slice %arg6[%dma_start3A_119, %dma_start3A_128, %dma_start3A_129] : memref<2x2x128xi32, #tpu.memory_space<vmem>> -> memref<1x2x128xi32, #tpu.memory_space<vmem>>
    %dma_start3A_131 = tpu.memref_squeeze %dma_start3A_130 : memref<1x2x128xi32, #tpu.memory_space<vmem>> -> memref<2x128xi32, #tpu.memory_space<vmem>>
    %dma_start3A_132 = arith.constant 0 : i32
    %dma_start3A_133 = arith.constant 0 : i32
    %dma_start3A_134 = tpu.memref_slice %arg3[%add3A, %dma_start3A_118, %dma_start3A_132, %dma_start3A_133] : memref<32x79x2x128xi32, #tpu.memory_space<hbm>> -> memref<1x1x2x128xi32, #tpu.memory_space<hbm>>
    %dma_start3A_135 = tpu.memref_squeeze %dma_start3A_134 : memref<1x1x2x128xi32, #tpu.memory_space<hbm>> -> memref<2x128xi32, #tpu.memory_space<hbm>>
    tpu.enqueue_dma source(%dma_start3A_135 : memref<2x128xi32, #tpu.memory_space<hbm>>) target(%dma_start3A_131 : memref<2x128xi32, #tpu.memory_space<vmem>>) target_semaphore(%arg9 : memref<!tpu.dma_semaphore, #tpu.memory_space<semaphore_mem>>)
    %dma_wait3A_136 = arith.constant 78 : i32
    %dma_wait3A_137 = arith.constant 0 : i32
    %dma_wait3A_138 = arith.constant 0 : i32
    %dma_wait3A_139 = arith.constant 0 : i32
    %dma_wait3A_140 = tpu.memref_slice %arg6[%dma_wait3A_137, %dma_wait3A_138, %dma_wait3A_139] : memref<2x2x128xi32, #tpu.memory_space<vmem>> -> memref<1x2x128xi32, #tpu.memory_space<vmem>>
    %dma_wait3A_141 = tpu.memref_squeeze %dma_wait3A_140 : memref<1x2x128xi32, #tpu.memory_space<vmem>> -> memref<2x128xi32, #tpu.memory_space<vmem>>
    %dma_wait3A_142 = arith.constant 0 : i32
    %dma_wait3A_143 = arith.constant 0 : i32
    %dma_wait3A_144 = tpu.memref_slice %arg3[%add3A, %dma_wait3A_136, %dma_wait3A_142, %dma_wait3A_143] : memref<32x79x2x128xi32, #tpu.memory_space<hbm>> -> memref<1x1x2x128xi32, #tpu.memory_space<hbm>>
    %dma_wait3A_145 = tpu.memref_squeeze %dma_wait3A_144 : memref<1x1x2x128xi32, #tpu.memory_space<hbm>> -> memref<2x128xi32, #tpu.memory_space<hbm>>
    %dma_wait3A_146 = arith.constant 0 : i32
    %dma_wait3A_147 = arith.constant 0 : i32
    %dma_wait3A_148 = tpu.memref_slice %arg6[%dma_wait3A_137, %dma_wait3A_146, %dma_wait3A_147] : memref<2x2x128xi32, #tpu.memory_space<vmem>> -> memref<1x2x128xi32, #tpu.memory_space<vmem>>
    %dma_wait3A_149 = tpu.memref_squeeze %dma_wait3A_148 : memref<1x2x128xi32, #tpu.memory_space<vmem>> -> memref<2x128xi32, #tpu.memory_space<vmem>>
    %dma_wait3A_150 = arith.constant 0 : i32
    %dma_wait3A_151 = arith.constant 0 : i32
    %dma_wait3A_152 = tpu.memref_slice %arg3[%add3A, %dma_wait3A_136, %dma_wait3A_150, %dma_wait3A_151] : memref<32x79x2x128xi32, #tpu.memory_space<hbm>> -> memref<1x1x2x128xi32, #tpu.memory_space<hbm>>
    %dma_wait3A_153 = tpu.memref_squeeze %dma_wait3A_152 : memref<1x1x2x128xi32, #tpu.memory_space<hbm>> -> memref<2x128xi32, #tpu.memory_space<hbm>>
    tpu.wait_dma2 semaphore(%arg9 : memref<!tpu.dma_semaphore, #tpu.memory_space<semaphore_mem>>) src(%dma_wait3A_153 : memref<2x128xi32, #tpu.memory_space<hbm>>) dst(%dma_wait3A_149 : memref<2x128xi32, #tpu.memory_space<vmem>>)
    %dma_start3A_154 = arith.constant 0 : i32
    %dma_start3A_155 = arith.constant 1 : i32
    %dma_start3A_156 = arith.constant 0 : i32
    %dma_start3A_157 = arith.constant 0 : i32
    %dma_start3A_158 = arith.constant 0 : i32
    %dma_start3A_159 = tpu.memref_slice %arg7[%dma_start3A_156, %dma_start3A_157, %dma_start3A_158] : memref<2x128x128xf32, #tpu.memory_space<vmem>> -> memref<1x128x128xf32, #tpu.memory_space<vmem>>
    %dma_start3A_160 = tpu.memref_squeeze %dma_start3A_159 : memref<1x128x128xf32, #tpu.memory_space<vmem>> -> memref<128x128xf32, #tpu.memory_space<vmem>>
    %dma_start3A_161 = arith.constant 0 : i32
    %dma_start3A_162 = tpu.memref_slice %arg6[%dma_start3A_154, %dma_start3A_155, %dma_start3A_161] : memref<2x2x128xi32, #tpu.memory_space<vmem>> -> memref<1x1x128xi32, #tpu.memory_space<vmem>>
    %dma_start3A_163 = tpu.memref_squeeze %dma_start3A_162 : memref<1x1x128xi32, #tpu.memory_space<vmem>> -> memref<128xi32, #tpu.memory_space<vmem>>
    %dma_start3A_164 = arith.constant 0 : i32
    %dma_start3A_165 = arith.constant 0 : i32
    %dma_start3A_166 = tpu.memref_slice %arg2[%dma_start3A_164, %dma_start3A_165] : memref<5120x128xf32, #tpu.memory_space<hbm>> -> memref<5120x128xf32, #tpu.memory_space<hbm>>
    tpu.enqueue_indirect_dma source(%dma_start3A_166 : memref<5120x128xf32, #tpu.memory_space<hbm>>) target(%dma_start3A_160 : memref<128x128xf32, #tpu.memory_space<vmem>>) offsets(%dma_start3A_163 : memref<128xi32, #tpu.memory_space<vmem>>) semaphore(%arg10 : memref<!tpu.dma_semaphore, #tpu.memory_space<semaphore_mem>>)
    %dma_wait3A_167 = arith.constant 1 : i32
    %dma_wait3A_168 = arith.constant 1 : i32
    %dma_wait3A_169 = arith.constant 1 : i32
    %dma_wait3A_170 = arith.constant 0 : i32
    %dma_wait3A_171 = arith.constant 0 : i32
    %dma_wait3A_172 = tpu.memref_slice %arg7[%dma_wait3A_169, %dma_wait3A_170, %dma_wait3A_171] : memref<2x128x128xf32, #tpu.memory_space<vmem>> -> memref<1x128x128xf32, #tpu.memory_space<vmem>>
    %dma_wait3A_173 = tpu.memref_squeeze %dma_wait3A_172 : memref<1x128x128xf32, #tpu.memory_space<vmem>> -> memref<128x128xf32, #tpu.memory_space<vmem>>
    %dma_wait3A_174 = arith.constant 0 : i32
    %dma_wait3A_175 = tpu.memref_slice %arg6[%dma_wait3A_167, %dma_wait3A_168, %dma_wait3A_174] : memref<2x2x128xi32, #tpu.memory_space<vmem>> -> memref<1x1x128xi32, #tpu.memory_space<vmem>>
    %dma_wait3A_176 = tpu.memref_squeeze %dma_wait3A_175 : memref<1x1x128xi32, #tpu.memory_space<vmem>> -> memref<128xi32, #tpu.memory_space<vmem>>
    %dma_wait3A_177 = arith.constant 0 : i32
    %dma_wait3A_178 = arith.constant 0 : i32
    %dma_wait3A_179 = tpu.memref_slice %arg2[%dma_wait3A_177, %dma_wait3A_178] : memref<5120x128xf32, #tpu.memory_space<hbm>> -> memref<5120x128xf32, #tpu.memory_space<hbm>>
    tpu.wait_indirect_dma semaphore(%arg11 : memref<!tpu.dma_semaphore, #tpu.memory_space<semaphore_mem>>) src(%dma_wait3A_179 : memref<5120x128xf32, #tpu.memory_space<hbm>>) dst(%dma_wait3A_173 : memref<128x128xf32, #tpu.memory_space<vmem>>)
    %run_scoped3A_180 = arith.constant 1 : i32
    %run_scoped3A_181 = arith.constant 1 : i32
    %run_scoped3A_182 = arith.constant 0 : i32
    "tpu.region"() ({
      %run_scoped3A_204 = tpu.sem_alloc : memref<!tpu.dma_semaphore, #tpu.memory_space<semaphore_mem>>
      %dma_start3A_205 = arith.constant 0 : i32
      %dma_start3A_206 = arith.constant 0 : i32
      %dma_start3A_207 = tpu.memref_slice %arg7[%run_scoped3A_180, %dma_start3A_205, %dma_start3A_206] : memref<2x128x128xf32, #tpu.memory_space<vmem>> -> memref<1x128x128xf32, #tpu.memory_space<vmem>>
      %dma_start3A_208 = tpu.memref_squeeze %dma_start3A_207 : memref<1x128x128xf32, #tpu.memory_space<vmem>> -> memref<128x128xf32, #tpu.memory_space<vmem>>
      %dma_start3A_209 = arith.constant 0 : i32
      %dma_start3A_210 = tpu.memref_slice %arg6[%run_scoped3A_181, %run_scoped3A_182, %dma_start3A_209] : memref<2x2x128xi32, #tpu.memory_space<vmem>> -> memref<1x1x128xi32, #tpu.memory_space<vmem>>
      %dma_start3A_211 = tpu.memref_squeeze %dma_start3A_210 : memref<1x1x128xi32, #tpu.memory_space<vmem>> -> memref<128xi32, #tpu.memory_space<vmem>>
      %dma_start3A_212 = arith.constant 0 : i32
      %dma_start3A_213 = arith.constant 0 : i32
      %dma_start3A_214 = tpu.memref_slice %arg8[%dma_start3A_212, %dma_start3A_213] : memref<10112x128xf32, #tpu.memory_space<vmem_shared>> -> memref<10112x128xf32, #tpu.memory_space<vmem_shared>>
      tpu.enqueue_indirect_dma source(%dma_start3A_208 : memref<128x128xf32, #tpu.memory_space<vmem>>) target(%dma_start3A_214 : memref<10112x128xf32, #tpu.memory_space<vmem_shared>>) offsets(%dma_start3A_211 : memref<128xi32, #tpu.memory_space<vmem>>) semaphore(%run_scoped3A_204 : memref<!tpu.dma_semaphore, #tpu.memory_space<semaphore_mem>>) {add = true}
      %dma_wait3A_215 = arith.constant 0 : i32
      %dma_wait3A_216 = arith.constant 0 : i32
      %dma_wait3A_217 = tpu.memref_slice %arg7[%run_scoped3A_180, %dma_wait3A_215, %dma_wait3A_216] : memref<2x128x128xf32, #tpu.memory_space<vmem>> -> memref<1x128x128xf32, #tpu.memory_space<vmem>>
      %dma_wait3A_218 = tpu.memref_squeeze %dma_wait3A_217 : memref<1x128x128xf32, #tpu.memory_space<vmem>> -> memref<128x128xf32, #tpu.memory_space<vmem>>
      %dma_wait3A_219 = arith.constant 0 : i32
      %dma_wait3A_220 = tpu.memref_slice %arg6[%run_scoped3A_181, %run_scoped3A_182, %dma_wait3A_219] : memref<2x2x128xi32, #tpu.memory_space<vmem>> -> memref<1x1x128xi32, #tpu.memory_space<vmem>>
      %dma_wait3A_221 = tpu.memref_squeeze %dma_wait3A_220 : memref<1x1x128xi32, #tpu.memory_space<vmem>> -> memref<128xi32, #tpu.memory_space<vmem>>
      %dma_wait3A_222 = arith.constant 0 : i32
      %dma_wait3A_223 = arith.constant 0 : i32
      %dma_wait3A_224 = tpu.memref_slice %arg8[%dma_wait3A_222, %dma_wait3A_223] : memref<10112x128xf32, #tpu.memory_space<vmem_shared>> -> memref<10112x128xf32, #tpu.memory_space<vmem_shared>>
      tpu.wait_indirect_dma semaphore(%run_scoped3A_204 : memref<!tpu.dma_semaphore, #tpu.memory_space<semaphore_mem>>) src(%dma_wait3A_218 : memref<128x128xf32, #tpu.memory_space<vmem>>) dst(%dma_wait3A_224 : memref<10112x128xf32, #tpu.memory_space<vmem_shared>>)
      tpu.yield
    }) : () -> ()
    %dma_wait3A_183 = arith.constant 0 : i32
    %dma_wait3A_184 = arith.constant 1 : i32
    %dma_wait3A_185 = arith.constant 0 : i32
    %dma_wait3A_186 = arith.constant 0 : i32
    %dma_wait3A_187 = arith.constant 0 : i32
    %dma_wait3A_188 = tpu.memref_slice %arg7[%dma_wait3A_185, %dma_wait3A_186, %dma_wait3A_187] : memref<2x128x128xf32, #tpu.memory_space<vmem>> -> memref<1x128x128xf32, #tpu.memory_space<vmem>>
    %dma_wait3A_189 = tpu.memref_squeeze %dma_wait3A_188 : memref<1x128x128xf32, #tpu.memory_space<vmem>> -> memref<128x128xf32, #tpu.memory_space<vmem>>
    %dma_wait3A_190 = arith.constant 0 : i32
    %dma_wait3A_191 = tpu.memref_slice %arg6[%dma_wait3A_183, %dma_wait3A_184, %dma_wait3A_190] : memref<2x2x128xi32, #tpu.memory_space<vmem>> -> memref<1x1x128xi32, #tpu.memory_space<vmem>>
    %dma_wait3A_192 = tpu.memref_squeeze %dma_wait3A_191 : memref<1x1x128xi32, #tpu.memory_space<vmem>> -> memref<128xi32, #tpu.memory_space<vmem>>
    %dma_wait3A_193 = arith.constant 0 : i32
    %dma_wait3A_194 = arith.constant 0 : i32
    %dma_wait3A_195 = tpu.memref_slice %arg2[%dma_wait3A_193, %dma_wait3A_194] : memref<5120x128xf32, #tpu.memory_space<hbm>> -> memref<5120x128xf32, #tpu.memory_space<hbm>>
    tpu.wait_indirect_dma semaphore(%arg10 : memref<!tpu.dma_semaphore, #tpu.memory_space<semaphore_mem>>) src(%dma_wait3A_195 : memref<5120x128xf32, #tpu.memory_space<hbm>>) dst(%dma_wait3A_189 : memref<128x128xf32, #tpu.memory_space<vmem>>)
    %run_scoped3A_196 = arith.constant 0 : i32
    %run_scoped3A_197 = arith.constant 0 : i32
    %run_scoped3A_198 = arith.constant 0 : i32
    "tpu.region"() ({
      %run_scoped3A_204 = tpu.sem_alloc : memref<!tpu.dma_semaphore, #tpu.memory_space<semaphore_mem>>
      %dma_start3A_205 = arith.constant 0 : i32
      %dma_start3A_206 = arith.constant 0 : i32
      %dma_start3A_207 = tpu.memref_slice %arg7[%run_scoped3A_196, %dma_start3A_205, %dma_start3A_206] : memref<2x128x128xf32, #tpu.memory_space<vmem>> -> memref<1x128x128xf32, #tpu.memory_space<vmem>>
      %dma_start3A_208 = tpu.memref_squeeze %dma_start3A_207 : memref<1x128x128xf32, #tpu.memory_space<vmem>> -> memref<128x128xf32, #tpu.memory_space<vmem>>
      %dma_start3A_209 = arith.constant 0 : i32
      %dma_start3A_210 = tpu.memref_slice %arg6[%run_scoped3A_197, %run_scoped3A_198, %dma_start3A_209] : memref<2x2x128xi32, #tpu.memory_space<vmem>> -> memref<1x1x128xi32, #tpu.memory_space<vmem>>
      %dma_start3A_211 = tpu.memref_squeeze %dma_start3A_210 : memref<1x1x128xi32, #tpu.memory_space<vmem>> -> memref<128xi32, #tpu.memory_space<vmem>>
      %dma_start3A_212 = arith.constant 0 : i32
      %dma_start3A_213 = arith.constant 0 : i32
      %dma_start3A_214 = tpu.memref_slice %arg8[%dma_start3A_212, %dma_start3A_213] : memref<10112x128xf32, #tpu.memory_space<vmem_shared>> -> memref<10112x128xf32, #tpu.memory_space<vmem_shared>>
      tpu.enqueue_indirect_dma source(%dma_start3A_208 : memref<128x128xf32, #tpu.memory_space<vmem>>) target(%dma_start3A_214 : memref<10112x128xf32, #tpu.memory_space<vmem_shared>>) offsets(%dma_start3A_211 : memref<128xi32, #tpu.memory_space<vmem>>) semaphore(%run_scoped3A_204 : memref<!tpu.dma_semaphore, #tpu.memory_space<semaphore_mem>>) {add = true}
      %dma_wait3A_215 = arith.constant 0 : i32
      %dma_wait3A_216 = arith.constant 0 : i32
      %dma_wait3A_217 = tpu.memref_slice %arg7[%run_scoped3A_196, %dma_wait3A_215, %dma_wait3A_216] : memref<2x128x128xf32, #tpu.memory_space<vmem>> -> memref<1x128x128xf32, #tpu.memory_space<vmem>>
      %dma_wait3A_218 = tpu.memref_squeeze %dma_wait3A_217 : memref<1x128x128xf32, #tpu.memory_space<vmem>> -> memref<128x128xf32, #tpu.memory_space<vmem>>
      %dma_wait3A_219 = arith.constant 0 : i32
      %dma_wait3A_220 = tpu.memref_slice %arg6[%run_scoped3A_197, %run_scoped3A_198, %dma_wait3A_219] : memref<2x2x128xi32, #tpu.memory_space<vmem>> -> memref<1x1x128xi32, #tpu.memory_space<vmem>>
      %dma_wait3A_221 = tpu.memref_squeeze %dma_wait3A_220 : memref<1x1x128xi32, #tpu.memory_space<vmem>> -> memref<128xi32, #tpu.memory_space<vmem>>
      %dma_wait3A_222 = arith.constant 0 : i32
      %dma_wait3A_223 = arith.constant 0 : i32
      %dma_wait3A_224 = tpu.memref_slice %arg8[%dma_wait3A_222, %dma_wait3A_223] : memref<10112x128xf32, #tpu.memory_space<vmem_shared>> -> memref<10112x128xf32, #tpu.memory_space<vmem_shared>>
      tpu.wait_indirect_dma semaphore(%run_scoped3A_204 : memref<!tpu.dma_semaphore, #tpu.memory_space<semaphore_mem>>) src(%dma_wait3A_218 : memref<128x128xf32, #tpu.memory_space<vmem>>) dst(%dma_wait3A_224 : memref<10112x128xf32, #tpu.memory_space<vmem_shared>>)
      tpu.yield
    }) : () -> ()
    %barrier3A_199 = arith.constant 0 : index
    tpu.barrier barrier_id(%barrier3A_199)
    %mul3A_200 = arith.constant 632 : i32
    %mul3A_201 = arith.muli %arg1, %mul3A_200 : i32
    %mul3A_202 = arith.constant 632 : i32
    %mul3A_203 = arith.muli %arg1, %mul3A_202 : i32
    "tpu.region"() ({
      %run_scoped3A_204 = tpu.sem_alloc : memref<!tpu.dma_semaphore, #tpu.memory_space<semaphore_mem>>
      %dma_start3A_205 = arith.constant 0 : i32
      %dma_start3A_206 = tpu.memref_slice %arg5[%arg0, %mul3A_203, %dma_start3A_205] : memref<2x10112x128xf32, #tpu.memory_space<hbm>> -> memref<1x632x128xf32, #tpu.memory_space<hbm>>
      %dma_start3A_207 = tpu.memref_squeeze %dma_start3A_206 : memref<1x632x128xf32, #tpu.memory_space<hbm>> -> memref<632x128xf32, #tpu.memory_space<hbm>>
      %dma_start3A_208 = arith.constant 0 : i32
      %dma_start3A_209 = tpu.memref_slice %arg8[%mul3A_201, %dma_start3A_208] : memref<10112x128xf32, #tpu.memory_space<vmem_shared>> -> memref<632x128xf32, #tpu.memory_space<vmem_shared>>
      tpu.enqueue_dma source(%dma_start3A_209 : memref<632x128xf32, #tpu.memory_space<vmem_shared>>) target(%dma_start3A_207 : memref<632x128xf32, #tpu.memory_space<hbm>>) target_semaphore(%run_scoped3A_204 : memref<!tpu.dma_semaphore, #tpu.memory_space<semaphore_mem>>)
      %dma_wait3A_210 = arith.constant 0 : i32
      %dma_wait3A_211 = tpu.memref_slice %arg5[%arg0, %mul3A_203, %dma_wait3A_210] : memref<2x10112x128xf32, #tpu.memory_space<hbm>> -> memref<1x632x128xf32, #tpu.memory_space<hbm>>
      %dma_wait3A_212 = tpu.memref_squeeze %dma_wait3A_211 : memref<1x632x128xf32, #tpu.memory_space<hbm>> -> memref<632x128xf32, #tpu.memory_space<hbm>>
      %dma_wait3A_213 = arith.constant 0 : i32
      %dma_wait3A_214 = tpu.memref_slice %arg8[%mul3A_201, %dma_wait3A_213] : memref<10112x128xf32, #tpu.memory_space<vmem_shared>> -> memref<632x128xf32, #tpu.memory_space<vmem_shared>>
      tpu.wait_dma2 semaphore(%run_scoped3A_204 : memref<!tpu.dma_semaphore, #tpu.memory_space<semaphore_mem>>) src(%dma_wait3A_214 : memref<632x128xf32, #tpu.memory_space<vmem_shared>>) dst(%dma_wait3A_212 : memref<632x128xf32, #tpu.memory_space<hbm>>)
      tpu.yield
    }) : () -> ()
    return
  }
}

#map = affine_map<(d0, d1) -> (0)>
module attributes {stable_mosaic.version = 14 : i64} {
  func.func @_sc_counts(%arg0: i32, %arg1: i32, %arg2: memref<320000xi32, #tpu.memory_space<hbm>>, %arg3: memref<320000xi32, #tpu.memory_space<hbm>>, %arg4: memref<163840xf32, #tpu.memory_space<hbm>>, %arg5: memref<327680xf32, #tpu.memory_space<hbm>>, %arg6: memref<10000xi32, #tpu.memory_space<vmem>>, %arg7: memref<10000xi32, #tpu.memory_space<vmem>>, %arg8: memref<5120xf32, #tpu.memory_space<vmem>>, %arg9: memref<10240xf32, #tpu.memory_space<vmem>>) attributes {dimension_semantics = [#tpu.dimension_semantics<core_parallel>, #tpu.dimension_semantics<subcore_parallel>], iteration_bounds = array<i64: 2, 16>, scalar_prefetch = 0 : i64, scratch_operands = 4 : i64, tpu.core_type = #tpu.core_type<sc_vector_subcore>, window_params = [{transform_indices = #map}, {transform_indices = #map}, {transform_indices = #map}, {transform_indices = #map}]} {
    %mul3A = arith.constant 16 : i32
    %mul3A_0 = arith.muli %arg0, %mul3A : i32
    %add3A = arith.addi %mul3A_0, %arg1 : i32
    %broadcast_in_dim3A = arith.constant 0.000000e+00 : f32
    %broadcast_in_dim3A_1 = vector.broadcast %broadcast_in_dim3A : f32 to vector<16xf32>
    %broadcast_in_dim3A_2 = arith.constant 1.000000e+00 : f32
    %broadcast_in_dim3A_3 = vector.broadcast %broadcast_in_dim3A_2 : f32 to vector<16xf32>
    %scan3A = arith.constant 0 : i32
    %scan3A_4 = arith.constant 320 : i32
    %scan3A_5 = arith.addi %scan3A, %scan3A_4 : i32
    %scan3A_6 = arith.constant 1 : i32
    scf.for %scan3A_26 = %scan3A to %scan3A_5 step %scan3A_6  : i32 {
      %mul3A_27 = arith.constant 1 : i32
      %mul3A_28 = arith.muli %scan3A_26, %mul3A_27 : i32
      %add3A_29 = arith.constant 0 : i32
      %add3A_30 = arith.addi %add3A_29, %mul3A_28 : i32
      %mul3A_31 = arith.constant 16 : i32
      %mul3A_32 = arith.muli %add3A_30, %mul3A_31 : i32
      %swap3A = arith.index_cast %mul3A_32 : i32 to index
      %swap3A_33 = tpu.vector_load %arg8[%swap3A] {strides = array<i32>} : memref<5120xf32, #tpu.memory_space<vmem>>, vector<16xf32>,
      tpu.vector_store %arg8[%swap3A], %broadcast_in_dim3A_1 {strides = array<i32>} : memref<5120xf32, #tpu.memory_space<vmem>>, vector<16xf32>,
    }
    %scan3A_7 = arith.constant 320 : i32
    %scan3A_8 = arith.constant 0 : i32
    %scan3A_9 = arith.constant 640 : i32
    %scan3A_10 = arith.addi %scan3A_8, %scan3A_9 : i32
    %scan3A_11 = arith.constant 1 : i32
    scf.for %scan3A_26 = %scan3A_8 to %scan3A_10 step %scan3A_11  : i32 {
      %mul3A_27 = arith.constant 1 : i32
      %mul3A_28 = arith.muli %scan3A_26, %mul3A_27 : i32
      %add3A_29 = arith.constant 0 : i32
      %add3A_30 = arith.addi %add3A_29, %mul3A_28 : i32
      %mul3A_31 = arith.constant 16 : i32
      %mul3A_32 = arith.muli %add3A_30, %mul3A_31 : i32
      %swap3A = arith.index_cast %mul3A_32 : i32 to index
      %swap3A_33 = tpu.vector_load %arg9[%swap3A] {strides = array<i32>} : memref<10240xf32, #tpu.memory_space<vmem>>, vector<16xf32>,
      tpu.vector_store %arg9[%swap3A], %broadcast_in_dim3A_1 {strides = array<i32>} : memref<10240xf32, #tpu.memory_space<vmem>>, vector<16xf32>,
    }
    %scan3A_12 = arith.constant 640 : i32
    %mul3A_13 = arith.constant 10000 : i32
    %mul3A_14 = arith.muli %add3A, %mul3A_13 : i32
    "tpu.region"() ({
      %run_scoped3A = tpu.sem_alloc : memref<!tpu.dma_semaphore, #tpu.memory_space<semaphore_mem>>
      %dma_start3A = tpu.memref_slice %arg2[%mul3A_14] : memref<320000xi32, #tpu.memory_space<hbm>> -> memref<10000xi32, #tpu.memory_space<hbm>>
      %dma_start3A_26 = tpu.memref_slice %arg2[%mul3A_14] : memref<320000xi32, #tpu.memory_space<hbm>> -> memref<10000xi32, #tpu.memory_space<hbm>>
      tpu.enqueue_dma source(%dma_start3A_26 : memref<10000xi32, #tpu.memory_space<hbm>>) target(%arg6 : memref<10000xi32, #tpu.memory_space<vmem>>) target_semaphore(%run_scoped3A : memref<!tpu.dma_semaphore, #tpu.memory_space<semaphore_mem>>)
      %dma_wait3A = tpu.memref_slice %arg2[%mul3A_14] : memref<320000xi32, #tpu.memory_space<hbm>> -> memref<10000xi32, #tpu.memory_space<hbm>>
      %dma_wait3A_27 = tpu.memref_slice %arg2[%mul3A_14] : memref<320000xi32, #tpu.memory_space<hbm>> -> memref<10000xi32, #tpu.memory_space<hbm>>
      tpu.wait_dma2 semaphore(%run_scoped3A : memref<!tpu.dma_semaphore, #tpu.memory_space<semaphore_mem>>) src(%dma_wait3A_27 : memref<10000xi32, #tpu.memory_space<hbm>>) dst(%arg6 : memref<10000xi32, #tpu.memory_space<vmem>>)
      tpu.yield
    }) : () -> ()
    %mul3A_15 = arith.constant 10000 : i32
    %mul3A_16 = arith.muli %add3A, %mul3A_15 : i32
    "tpu.region"() ({
      %run_scoped3A = tpu.sem_alloc : memref<!tpu.dma_semaphore, #tpu.memory_space<semaphore_mem>>
      %dma_start3A = tpu.memref_slice %arg3[%mul3A_16] : memref<320000xi32, #tpu.memory_space<hbm>> -> memref<10000xi32, #tpu.memory_space<hbm>>
      %dma_start3A_26 = tpu.memref_slice %arg3[%mul3A_16] : memref<320000xi32, #tpu.memory_space<hbm>> -> memref<10000xi32, #tpu.memory_space<hbm>>
      tpu.enqueue_dma source(%dma_start3A_26 : memref<10000xi32, #tpu.memory_space<hbm>>) target(%arg7 : memref<10000xi32, #tpu.memory_space<vmem>>) target_semaphore(%run_scoped3A : memref<!tpu.dma_semaphore, #tpu.memory_space<semaphore_mem>>)
      %dma_wait3A = tpu.memref_slice %arg3[%mul3A_16] : memref<320000xi32, #tpu.memory_space<hbm>> -> memref<10000xi32, #tpu.memory_space<hbm>>
      %dma_wait3A_27 = tpu.memref_slice %arg3[%mul3A_16] : memref<320000xi32, #tpu.memory_space<hbm>> -> memref<10000xi32, #tpu.memory_space<hbm>>
      tpu.wait_dma2 semaphore(%run_scoped3A : memref<!tpu.dma_semaphore, #tpu.memory_space<semaphore_mem>>) src(%dma_wait3A_27 : memref<10000xi32, #tpu.memory_space<hbm>>) dst(%arg7 : memref<10000xi32, #tpu.memory_space<vmem>>)
      tpu.yield
    }) : () -> ()
    %scan3A_17 = arith.constant 0 : i32
    %scan3A_18 = arith.constant 625 : i32
    %scan3A_19 = arith.addi %scan3A_17, %scan3A_18 : i32
    %scan3A_20 = arith.constant 1 : i32
    scf.for %scan3A_26 = %scan3A_17 to %scan3A_19 step %scan3A_20  : i32 {
      %mul3A_27 = arith.constant 1 : i32
      %mul3A_28 = arith.muli %scan3A_26, %mul3A_27 : i32
      %add3A_29 = arith.constant 0 : i32
      %add3A_30 = arith.addi %add3A_29, %mul3A_28 : i32
      %mul3A_31 = arith.constant 16 : i32
      %mul3A_32 = arith.muli %add3A_30, %mul3A_31 : i32
      %get3A = arith.index_cast %mul3A_32 : i32 to index
      %get3A_33 = tpu.vector_load %arg7[%get3A] {strides = array<i32>} : memref<10000xi32, #tpu.memory_space<vmem>>, vector<16xi32>,
      tpu.vector_store_idx %arg8[%get3A_33], %broadcast_in_dim3A_3 {add = true} : memref<5120xf32, #tpu.memory_space<vmem>>[vector<16xi32>], vector<16xf32>,
      %mul3A_34 = arith.constant 16 : i32
      %mul3A_35 = arith.muli %add3A_30, %mul3A_34 : i32
      %get3A_36 = arith.index_cast %mul3A_35 : i32 to index
      %get3A_37 = tpu.vector_load %arg6[%get3A_36] {strides = array<i32>} : memref<10000xi32, #tpu.memory_space<vmem>>, vector<16xi32>,
      tpu.vector_store_idx %arg9[%get3A_37], %broadcast_in_dim3A_3 {add = true} : memref<10240xf32, #tpu.memory_space<vmem>>[vector<16xi32>], vector<16xf32>,
    }
    %scan3A_21 = arith.constant 625 : i32
    %mul3A_22 = arith.constant 5120 : i32
    %mul3A_23 = arith.muli %add3A, %mul3A_22 : i32
    "tpu.region"() ({
      %run_scoped3A = tpu.sem_alloc : memref<!tpu.dma_semaphore, #tpu.memory_space<semaphore_mem>>
      %dma_start3A = tpu.memref_slice %arg4[%mul3A_23] : memref<163840xf32, #tpu.memory_space<hbm>> -> memref<5120xf32, #tpu.memory_space<hbm>>
      %dma_start3A_26 = tpu.memref_slice %arg4[%mul3A_23] : memref<163840xf32, #tpu.memory_space<hbm>> -> memref<5120xf32, #tpu.memory_space<hbm>>
      tpu.enqueue_dma source(%arg8 : memref<5120xf32, #tpu.memory_space<vmem>>) target(%dma_start3A_26 : memref<5120xf32, #tpu.memory_space<hbm>>) target_semaphore(%run_scoped3A : memref<!tpu.dma_semaphore, #tpu.memory_space<semaphore_mem>>)
      %dma_wait3A = tpu.memref_slice %arg4[%mul3A_23] : memref<163840xf32, #tpu.memory_space<hbm>> -> memref<5120xf32, #tpu.memory_space<hbm>>
      %dma_wait3A_27 = tpu.memref_slice %arg4[%mul3A_23] : memref<163840xf32, #tpu.memory_space<hbm>> -> memref<5120xf32, #tpu.memory_space<hbm>>
      tpu.wait_dma2 semaphore(%run_scoped3A : memref<!tpu.dma_semaphore, #tpu.memory_space<semaphore_mem>>) src(%arg8 : memref<5120xf32, #tpu.memory_space<vmem>>) dst(%dma_wait3A_27 : memref<5120xf32, #tpu.memory_space<hbm>>)
      tpu.yield
    }) : () -> ()
    %mul3A_24 = arith.constant 10240 : i32
    %mul3A_25 = arith.muli %add3A, %mul3A_24 : i32
    "tpu.region"() ({
      %run_scoped3A = tpu.sem_alloc : memref<!tpu.dma_semaphore, #tpu.memory_space<semaphore_mem>>
      %dma_start3A = tpu.memref_slice %arg5[%mul3A_25] : memref<327680xf32, #tpu.memory_space<hbm>> -> memref<10240xf32, #tpu.memory_space<hbm>>
      %dma_start3A_26 = tpu.memref_slice %arg5[%mul3A_25] : memref<327680xf32, #tpu.memory_space<hbm>> -> memref<10240xf32, #tpu.memory_space<hbm>>
      tpu.enqueue_dma source(%arg9 : memref<10240xf32, #tpu.memory_space<vmem>>) target(%dma_start3A_26 : memref<10240xf32, #tpu.memory_space<hbm>>) target_semaphore(%run_scoped3A : memref<!tpu.dma_semaphore, #tpu.memory_space<semaphore_mem>>)
      %dma_wait3A = tpu.memref_slice %arg5[%mul3A_25] : memref<327680xf32, #tpu.memory_space<hbm>> -> memref<10240xf32, #tpu.memory_space<hbm>>
      %dma_wait3A_27 = tpu.memref_slice %arg5[%mul3A_25] : memref<327680xf32, #tpu.memory_space<hbm>> -> memref<10240xf32, #tpu.memory_space<hbm>>
      tpu.wait_dma2 semaphore(%run_scoped3A : memref<!tpu.dma_semaphore, #tpu.memory_space<semaphore_mem>>) src(%arg9 : memref<10240xf32, #tpu.memory_space<vmem>>) dst(%dma_wait3A_27 : memref<10240xf32, #tpu.memory_space<hbm>>)
      tpu.yield
    }) : () -> ()
    return
  }
}

#map = affine_map<(d0, d1) -> (0, 0)>
#map1 = affine_map<(d0, d1) -> (0, 0, 0, 0)>
#map2 = affine_map<(d0, d1) -> (0, 0, 0)>
module attributes {stable_mosaic.version = 14 : i64} {
  func.func @hop(%arg0: i32, %arg1: i32, %arg2: memref<10112x128xf32, #tpu.memory_space<hbm>>, %arg3: memref<32x79x2x128xi32, #tpu.memory_space<hbm>>, %arg4: memref<640x128xf32, #tpu.memory_space<hbm>>, %arg5: memref<2x5120x128xf32, #tpu.memory_space<hbm>>, %arg6: memref<4x2x128xi32, #tpu.memory_space<vmem>>, %arg7: memref<4x128x128xf32, #tpu.memory_space<vmem>>, %arg8: memref<5120x128xf32, #tpu.memory_space<vmem_shared>>, %arg9: memref<!tpu.dma_semaphore, #tpu.memory_space<semaphore_mem>>, %arg10: memref<!tpu.dma_semaphore, #tpu.memory_space<semaphore_mem>>, %arg11: memref<!tpu.dma_semaphore, #tpu.memory_space<semaphore_mem>>, %arg12: memref<!tpu.dma_semaphore, #tpu.memory_space<semaphore_mem>>) attributes {dimension_semantics = [#tpu.dimension_semantics<core_parallel>, #tpu.dimension_semantics<subcore_parallel>], iteration_bounds = array<i64: 2, 16>, scalar_prefetch = 0 : i64, scratch_operands = 7 : i64, tpu.core_type = #tpu.core_type<sc_vector_subcore>, window_params = [{transform_indices = #map}, {transform_indices = #map1}, {transform_indices = #map}, {transform_indices = #map2}]} {
    %mul3A = arith.constant 16 : i32
    %mul3A_0 = arith.muli %arg0, %mul3A : i32
    %add3A = arith.addi %mul3A_0, %arg1 : i32
    %mul3A_1 = arith.constant 320 : i32
    %mul3A_2 = arith.muli %arg1, %mul3A_1 : i32
    "tpu.region"() ({
      %run_scoped3A = tpu.sem_alloc : memref<!tpu.dma_semaphore, #tpu.memory_space<semaphore_mem>>
      %dma_start3A_626 = arith.constant 0 : i32
      %dma_start3A_627 = tpu.memref_slice %arg8[%mul3A_2, %dma_start3A_626] : memref<5120x128xf32, #tpu.memory_space<vmem_shared>> -> memref<320x128xf32, #tpu.memory_space<vmem_shared>>
      %dma_start3A_628 = arith.constant 0 : i32
      %dma_start3A_629 = arith.constant 0 : i32
      %dma_start3A_630 = tpu.memref_slice %arg4[%dma_start3A_628, %dma_start3A_629] : memref<640x128xf32, #tpu.memory_space<hbm>> -> memref<320x128xf32, #tpu.memory_space<hbm>>
      tpu.enqueue_dma source(%dma_start3A_630 : memref<320x128xf32, #tpu.memory_space<hbm>>) target(%dma_start3A_627 : memref<320x128xf32, #tpu.memory_space<vmem_shared>>) target_semaphore(%run_scoped3A : memref<!tpu.dma_semaphore, #tpu.memory_space<semaphore_mem>>)
      %dma_wait3A_631 = arith.constant 0 : i32
      %dma_wait3A_632 = tpu.memref_slice %arg8[%mul3A_2, %dma_wait3A_631] : memref<5120x128xf32, #tpu.memory_space<vmem_shared>> -> memref<320x128xf32, #tpu.memory_space<vmem_shared>>
      %dma_wait3A_633 = arith.constant 0 : i32
      %dma_wait3A_634 = arith.constant 0 : i32
      %dma_wait3A_635 = tpu.memref_slice %arg4[%dma_wait3A_633, %dma_wait3A_634] : memref<640x128xf32, #tpu.memory_space<hbm>> -> memref<320x128xf32, #tpu.memory_space<hbm>>
      tpu.wait_dma2 semaphore(%run_scoped3A : memref<!tpu.dma_semaphore, #tpu.memory_space<semaphore_mem>>) src(%dma_wait3A_635 : memref<320x128xf32, #tpu.memory_space<hbm>>) dst(%dma_wait3A_632 : memref<320x128xf32, #tpu.memory_space<vmem_shared>>)
      tpu.yield
    }) : () -> ()
    %barrier3A = arith.constant 0 : index
    tpu.barrier barrier_id(%barrier3A)
    %dma_start3A = arith.constant 0 : i32
    %dma_start3A_3 = arith.constant 0 : i32
    %dma_start3A_4 = arith.constant 0 : i32
    %dma_start3A_5 = arith.constant 0 : i32
    %dma_start3A_6 = tpu.memref_slice %arg6[%dma_start3A_3, %dma_start3A_4, %dma_start3A_5] : memref<4x2x128xi32, #tpu.memory_space<vmem>> -> memref<1x2x128xi32, #tpu.memory_space<vmem>>
    %dma_start3A_7 = tpu.memref_squeeze %dma_start3A_6 : memref<1x2x128xi32, #tpu.memory_space<vmem>> -> memref<2x128xi32, #tpu.memory_space<vmem>>
    %dma_start3A_8 = arith.constant 0 : i32
    %dma_start3A_9 = arith.constant 0 : i32
    %dma_start3A_10 = tpu.memref_slice %arg3[%add3A, %dma_start3A, %dma_start3A_8, %dma_start3A_9] : memref<32x79x2x128xi32, #tpu.memory_space<hbm>> -> memref<1x1x2x128xi32, #tpu.memory_space<hbm>>
    %dma_start3A_11 = tpu.memref_squeeze %dma_start3A_10 : memref<1x1x2x128xi32, #tpu.memory_space<hbm>> -> memref<2x128xi32, #tpu.memory_space<hbm>>
    %dma_start3A_12 = arith.constant 0 : i32
    %dma_start3A_13 = arith.constant 0 : i32
    %dma_start3A_14 = tpu.memref_slice %arg6[%dma_start3A_3, %dma_start3A_12, %dma_start3A_13] : memref<4x2x128xi32, #tpu.memory_space<vmem>> -> memref<1x2x128xi32, #tpu.memory_space<vmem>>
    %dma_start3A_15 = tpu.memref_squeeze %dma_start3A_14 : memref<1x2x128xi32, #tpu.memory_space<vmem>> -> memref<2x128xi32, #tpu.memory_space<vmem>>
    %dma_start3A_16 = arith.constant 0 : i32
    %dma_start3A_17 = arith.constant 0 : i32
    %dma_start3A_18 = tpu.memref_slice %arg3[%add3A, %dma_start3A, %dma_start3A_16, %dma_start3A_17] : memref<32x79x2x128xi32, #tpu.memory_space<hbm>> -> memref<1x1x2x128xi32, #tpu.memory_space<hbm>>
    %dma_start3A_19 = tpu.memref_squeeze %dma_start3A_18 : memref<1x1x2x128xi32, #tpu.memory_space<hbm>> -> memref<2x128xi32, #tpu.memory_space<hbm>>
    tpu.enqueue_dma source(%dma_start3A_19 : memref<2x128xi32, #tpu.memory_space<hbm>>) target(%dma_start3A_15 : memref<2x128xi32, #tpu.memory_space<vmem>>) target_semaphore(%arg9 : memref<!tpu.dma_semaphore, #tpu.memory_space<semaphore_mem>>)
    %dma_start3A_20 = arith.constant 1 : i32
    %dma_start3A_21 = arith.constant 1 : i32
    %dma_start3A_22 = arith.constant 0 : i32
    %dma_start3A_23 = arith.constant 0 : i32
    %dma_start3A_24 = tpu.memref_slice %arg6[%dma_start3A_21, %dma_start3A_22, %dma_start3A_23] : memref<4x2x128xi32, #tpu.memory_space<vmem>> -> memref<1x2x128xi32, #tpu.memory_space<vmem>>
    %dma_start3A_25 = tpu.memref_squeeze %dma_start3A_24 : memref<1x2x128xi32, #tpu.memory_space<vmem>> -> memref<2x128xi32, #tpu.memory_space<vmem>>
    %dma_start3A_26 = arith.constant 0 : i32
    %dma_start3A_27 = arith.constant 0 : i32
    %dma_start3A_28 = tpu.memref_slice %arg3[%add3A, %dma_start3A_20, %dma_start3A_26, %dma_start3A_27] : memref<32x79x2x128xi32, #tpu.memory_space<hbm>> -> memref<1x1x2x128xi32, #tpu.memory_space<hbm>>
    %dma_start3A_29 = tpu.memref_squeeze %dma_start3A_28 : memref<1x1x2x128xi32, #tpu.memory_space<hbm>> -> memref<2x128xi32, #tpu.memory_space<hbm>>
    %dma_start3A_30 = arith.constant 0 : i32
    %dma_start3A_31 = arith.constant 0 : i32
    %dma_start3A_32 = tpu.memref_slice %arg6[%dma_start3A_21, %dma_start3A_30, %dma_start3A_31] : memref<4x2x128xi32, #tpu.memory_space<vmem>> -> memref<1x2x128xi32, #tpu.memory_space<vmem>>
    %dma_start3A_33 = tpu.memref_squeeze %dma_start3A_32 : memref<1x2x128xi32, #tpu.memory_space<vmem>> -> memref<2x128xi32, #tpu.memory_space<vmem>>
    %dma_start3A_34 = arith.constant 0 : i32
    %dma_start3A_35 = arith.constant 0 : i32
    %dma_start3A_36 = tpu.memref_slice %arg3[%add3A, %dma_start3A_20, %dma_start3A_34, %dma_start3A_35] : memref<32x79x2x128xi32, #tpu.memory_space<hbm>> -> memref<1x1x2x128xi32, #tpu.memory_space<hbm>>
    %dma_start3A_37 = tpu.memref_squeeze %dma_start3A_36 : memref<1x1x2x128xi32, #tpu.memory_space<hbm>> -> memref<2x128xi32, #tpu.memory_space<hbm>>
    tpu.enqueue_dma source(%dma_start3A_37 : memref<2x128xi32, #tpu.memory_space<hbm>>) target(%dma_start3A_33 : memref<2x128xi32, #tpu.memory_space<vmem>>) target_semaphore(%arg9 : memref<!tpu.dma_semaphore, #tpu.memory_space<semaphore_mem>>)
    %dma_wait3A = arith.constant 0 : i32
    %dma_wait3A_38 = arith.constant 0 : i32
    %dma_wait3A_39 = arith.constant 0 : i32
    %dma_wait3A_40 = arith.constant 0 : i32
    %dma_wait3A_41 = tpu.memref_slice %arg6[%dma_wait3A_38, %dma_wait3A_39, %dma_wait3A_40] : memref<4x2x128xi32, #tpu.memory_space<vmem>> -> memref<1x2x128xi32, #tpu.memory_space<vmem>>
    %dma_wait3A_42 = tpu.memref_squeeze %dma_wait3A_41 : memref<1x2x128xi32, #tpu.memory_space<vmem>> -> memref<2x128xi32, #tpu.memory_space<vmem>>
    %dma_wait3A_43 = arith.constant 0 : i32
    %dma_wait3A_44 = arith.constant 0 : i32
    %dma_wait3A_45 = tpu.memref_slice %arg3[%add3A, %dma_wait3A, %dma_wait3A_43, %dma_wait3A_44] : memref<32x79x2x128xi32, #tpu.memory_space<hbm>> -> memref<1x1x2x128xi32, #tpu.memory_space<hbm>>
    %dma_wait3A_46 = tpu.memref_squeeze %dma_wait3A_45 : memref<1x1x2x128xi32, #tpu.memory_space<hbm>> -> memref<2x128xi32, #tpu.memory_space<hbm>>
    %dma_wait3A_47 = arith.constant 0 : i32
    %dma_wait3A_48 = arith.constant 0 : i32
    %dma_wait3A_49 = tpu.memref_slice %arg6[%dma_wait3A_38, %dma_wait3A_47, %dma_wait3A_48] : memref<4x2x128xi32, #tpu.memory_space<vmem>> -> memref<1x2x128xi32, #tpu.memory_space<vmem>>
    %dma_wait3A_50 = tpu.memref_squeeze %dma_wait3A_49 : memref<1x2x128xi32, #tpu.memory_space<vmem>> -> memref<2x128xi32, #tpu.memory_space<vmem>>
    %dma_wait3A_51 = arith.constant 0 : i32
    %dma_wait3A_52 = arith.constant 0 : i32
    %dma_wait3A_53 = tpu.memref_slice %arg3[%add3A, %dma_wait3A, %dma_wait3A_51, %dma_wait3A_52] : memref<32x79x2x128xi32, #tpu.memory_space<hbm>> -> memref<1x1x2x128xi32, #tpu.memory_space<hbm>>
    %dma_wait3A_54 = tpu.memref_squeeze %dma_wait3A_53 : memref<1x1x2x128xi32, #tpu.memory_space<hbm>> -> memref<2x128xi32, #tpu.memory_space<hbm>>
    tpu.wait_dma2 semaphore(%arg9 : memref<!tpu.dma_semaphore, #tpu.memory_space<semaphore_mem>>) src(%dma_wait3A_54 : memref<2x128xi32, #tpu.memory_space<hbm>>) dst(%dma_wait3A_50 : memref<2x128xi32, #tpu.memory_space<vmem>>)
    %dma_start3A_55 = arith.constant 0 : i32
    %dma_start3A_56 = arith.constant 0 : i32
    %dma_start3A_57 = arith.constant 0 : i32
    %dma_start3A_58 = arith.constant 0 : i32
    %dma_start3A_59 = arith.constant 0 : i32
    %dma_start3A_60 = tpu.memref_slice %arg7[%dma_start3A_57, %dma_start3A_58, %dma_start3A_59] : memref<4x128x128xf32, #tpu.memory_space<vmem>> -> memref<1x128x128xf32, #tpu.memory_space<vmem>>
    %dma_start3A_61 = tpu.memref_squeeze %dma_start3A_60 : memref<1x128x128xf32, #tpu.memory_space<vmem>> -> memref<128x128xf32, #tpu.memory_space<vmem>>
    %dma_start3A_62 = arith.constant 0 : i32
    %dma_start3A_63 = tpu.memref_slice %arg6[%dma_start3A_55, %dma_start3A_56, %dma_start3A_62] : memref<4x2x128xi32, #tpu.memory_space<vmem>> -> memref<1x1x128xi32, #tpu.memory_space<vmem>>
    %dma_start3A_64 = tpu.memref_squeeze %dma_start3A_63 : memref<1x1x128xi32, #tpu.memory_space<vmem>> -> memref<128xi32, #tpu.memory_space<vmem>>
    %dma_start3A_65 = arith.constant 0 : i32
    %dma_start3A_66 = arith.constant 0 : i32
    %dma_start3A_67 = tpu.memref_slice %arg2[%dma_start3A_65, %dma_start3A_66] : memref<10112x128xf32, #tpu.memory_space<hbm>> -> memref<10112x128xf32, #tpu.memory_space<hbm>>
    tpu.enqueue_indirect_dma source(%dma_start3A_67 : memref<10112x128xf32, #tpu.memory_space<hbm>>) target(%dma_start3A_61 : memref<128x128xf32, #tpu.memory_space<vmem>>) offsets(%dma_start3A_64 : memref<128xi32, #tpu.memory_space<vmem>>) semaphore(%arg10 : memref<!tpu.dma_semaphore, #tpu.memory_space<semaphore_mem>>)
    %dma_wait3A_68 = arith.constant 1 : i32
    %dma_wait3A_69 = arith.constant 1 : i32
    %dma_wait3A_70 = arith.constant 0 : i32
    %dma_wait3A_71 = arith.constant 0 : i32
    %dma_wait3A_72 = tpu.memref_slice %arg6[%dma_wait3A_69, %dma_wait3A_70, %dma_wait3A_71] : memref<4x2x128xi32, #tpu.memory_space<vmem>> -> memref<1x2x128xi32, #tpu.memory_space<vmem>>
    %dma_wait3A_73 = tpu.memref_squeeze %dma_wait3A_72 : memref<1x2x128xi32, #tpu.memory_space<vmem>> -> memref<2x128xi32, #tpu.memory_space<vmem>>
    %dma_wait3A_74 = arith.constant 0 : i32
    %dma_wait3A_75 = arith.constant 0 : i32
    %dma_wait3A_76 = tpu.memref_slice %arg3[%add3A, %dma_wait3A_68, %dma_wait3A_74, %dma_wait3A_75] : memref<32x79x2x128xi32, #tpu.memory_space<hbm>> -> memref<1x1x2x128xi32, #tpu.memory_space<hbm>>
    %dma_wait3A_77 = tpu.memref_squeeze %dma_wait3A_76 : memref<1x1x2x128xi32, #tpu.memory_space<hbm>> -> memref<2x128xi32, #tpu.memory_space<hbm>>
    %dma_wait3A_78 = arith.constant 0 : i32
    %dma_wait3A_79 = arith.constant 0 : i32
    %dma_wait3A_80 = tpu.memref_slice %arg6[%dma_wait3A_69, %dma_wait3A_78, %dma_wait3A_79] : memref<4x2x128xi32, #tpu.memory_space<vmem>> -> memref<1x2x128xi32, #tpu.memory_space<vmem>>
    %dma_wait3A_81 = tpu.memref_squeeze %dma_wait3A_80 : memref<1x2x128xi32, #tpu.memory_space<vmem>> -> memref<2x128xi32, #tpu.memory_space<vmem>>
    %dma_wait3A_82 = arith.constant 0 : i32
    %dma_wait3A_83 = arith.constant 0 : i32
    %dma_wait3A_84 = tpu.memref_slice %arg3[%add3A, %dma_wait3A_68, %dma_wait3A_82, %dma_wait3A_83] : memref<32x79x2x128xi32, #tpu.memory_space<hbm>> -> memref<1x1x2x128xi32, #tpu.memory_space<hbm>>
    %dma_wait3A_85 = tpu.memref_squeeze %dma_wait3A_84 : memref<1x1x2x128xi32, #tpu.memory_space<hbm>> -> memref<2x128xi32, #tpu.memory_space<hbm>>
    tpu.wait_dma2 semaphore(%arg9 : memref<!tpu.dma_semaphore, #tpu.memory_space<semaphore_mem>>) src(%dma_wait3A_85 : memref<2x128xi32, #tpu.memory_space<hbm>>) dst(%dma_wait3A_81 : memref<2x128xi32, #tpu.memory_space<vmem>>)
    %dma_start3A_86 = arith.constant 1 : i32
    %dma_start3A_87 = arith.constant 0 : i32
    %dma_start3A_88 = arith.constant 1 : i32
    %dma_start3A_89 = arith.constant 0 : i32
    %dma_start3A_90 = arith.constant 0 : i32
    %dma_start3A_91 = tpu.memref_slice %arg7[%dma_start3A_88, %dma_start3A_89, %dma_start3A_90] : memref<4x128x128xf32, #tpu.memory_space<vmem>> -> memref<1x128x128xf32, #tpu.memory_space<vmem>>
    %dma_start3A_92 = tpu.memref_squeeze %dma_start3A_91 : memref<1x128x128xf32, #tpu.memory_space<vmem>> -> memref<128x128xf32, #tpu.memory_space<vmem>>
    %dma_start3A_93 = arith.constant 0 : i32
    %dma_start3A_94 = tpu.memref_slice %arg6[%dma_start3A_86, %dma_start3A_87, %dma_start3A_93] : memref<4x2x128xi32, #tpu.memory_space<vmem>> -> memref<1x1x128xi32, #tpu.memory_space<vmem>>
    %dma_start3A_95 = tpu.memref_squeeze %dma_start3A_94 : memref<1x1x128xi32, #tpu.memory_space<vmem>> -> memref<128xi32, #tpu.memory_space<vmem>>
    %dma_start3A_96 = arith.constant 0 : i32
    %dma_start3A_97 = arith.constant 0 : i32
    %dma_start3A_98 = tpu.memref_slice %arg2[%dma_start3A_96, %dma_start3A_97] : memref<10112x128xf32, #tpu.memory_space<hbm>> -> memref<10112x128xf32, #tpu.memory_space<hbm>>
    tpu.enqueue_indirect_dma source(%dma_start3A_98 : memref<10112x128xf32, #tpu.memory_space<hbm>>) target(%dma_start3A_92 : memref<128x128xf32, #tpu.memory_space<vmem>>) offsets(%dma_start3A_95 : memref<128xi32, #tpu.memory_space<vmem>>) semaphore(%arg11 : memref<!tpu.dma_semaphore, #tpu.memory_space<semaphore_mem>>)
    %dma_start3A_99 = arith.constant 2 : i32
    %dma_start3A_100 = arith.constant 2 : i32
    %dma_start3A_101 = arith.constant 0 : i32
    %dma_start3A_102 = arith.constant 0 : i32
    %dma_start3A_103 = tpu.memref_slice %arg6[%dma_start3A_100, %dma_start3A_101, %dma_start3A_102] : memref<4x2x128xi32, #tpu.memory_space<vmem>> -> memref<1x2x128xi32, #tpu.memory_space<vmem>>
    %dma_start3A_104 = tpu.memref_squeeze %dma_start3A_103 : memref<1x2x128xi32, #tpu.memory_space<vmem>> -> memref<2x128xi32, #tpu.memory_space<vmem>>
    %dma_start3A_105 = arith.constant 0 : i32
    %dma_start3A_106 = arith.constant 0 : i32
    %dma_start3A_107 = tpu.memref_slice %arg3[%add3A, %dma_start3A_99, %dma_start3A_105, %dma_start3A_106] : memref<32x79x2x128xi32, #tpu.memory_space<hbm>> -> memref<1x1x2x128xi32, #tpu.memory_space<hbm>>
    %dma_start3A_108 = tpu.memref_squeeze %dma_start3A_107 : memref<1x1x2x128xi32, #tpu.memory_space<hbm>> -> memref<2x128xi32, #tpu.memory_space<hbm>>
    %dma_start3A_109 = arith.constant 0 : i32
    %dma_start3A_110 = arith.constant 0 : i32
    %dma_start3A_111 = tpu.memref_slice %arg6[%dma_start3A_100, %dma_start3A_109, %dma_start3A_110] : memref<4x2x128xi32, #tpu.memory_space<vmem>> -> memref<1x2x128xi32, #tpu.memory_space<vmem>>
    %dma_start3A_112 = tpu.memref_squeeze %dma_start3A_111 : memref<1x2x128xi32, #tpu.memory_space<vmem>> -> memref<2x128xi32, #tpu.memory_space<vmem>>
    %dma_start3A_113 = arith.constant 0 : i32
    %dma_start3A_114 = arith.constant 0 : i32
    %dma_start3A_115 = tpu.memref_slice %arg3[%add3A, %dma_start3A_99, %dma_start3A_113, %dma_start3A_114] : memref<32x79x2x128xi32, #tpu.memory_space<hbm>> -> memref<1x1x2x128xi32, #tpu.memory_space<hbm>>
    %dma_start3A_116 = tpu.memref_squeeze %dma_start3A_115 : memref<1x1x2x128xi32, #tpu.memory_space<hbm>> -> memref<2x128xi32, #tpu.memory_space<hbm>>
    tpu.enqueue_dma source(%dma_start3A_116 : memref<2x128xi32, #tpu.memory_space<hbm>>) target(%dma_start3A_112 : memref<2x128xi32, #tpu.memory_space<vmem>>) target_semaphore(%arg9 : memref<!tpu.dma_semaphore, #tpu.memory_space<semaphore_mem>>)
    %dma_wait3A_117 = arith.constant 0 : i32
    %dma_wait3A_118 = arith.constant 0 : i32
    %dma_wait3A_119 = arith.constant 0 : i32
    %dma_wait3A_120 = arith.constant 0 : i32
    %dma_wait3A_121 = arith.constant 0 : i32
    %dma_wait3A_122 = tpu.memref_slice %arg7[%dma_wait3A_119, %dma_wait3A_120, %dma_wait3A_121] : memref<4x128x128xf32, #tpu.memory_space<vmem>> -> memref<1x128x128xf32, #tpu.memory_space<vmem>>
    %dma_wait3A_123 = tpu.memref_squeeze %dma_wait3A_122 : memref<1x128x128xf32, #tpu.memory_space<vmem>> -> memref<128x128xf32, #tpu.memory_space<vmem>>
    %dma_wait3A_124 = arith.constant 0 : i32
    %dma_wait3A_125 = tpu.memref_slice %arg6[%dma_wait3A_117, %dma_wait3A_118, %dma_wait3A_124] : memref<4x2x128xi32, #tpu.memory_space<vmem>> -> memref<1x1x128xi32, #tpu.memory_space<vmem>>
    %dma_wait3A_126 = tpu.memref_squeeze %dma_wait3A_125 : memref<1x1x128xi32, #tpu.memory_space<vmem>> -> memref<128xi32, #tpu.memory_space<vmem>>
    %dma_wait3A_127 = arith.constant 0 : i32
    %dma_wait3A_128 = arith.constant 0 : i32
    %dma_wait3A_129 = tpu.memref_slice %arg2[%dma_wait3A_127, %dma_wait3A_128] : memref<10112x128xf32, #tpu.memory_space<hbm>> -> memref<10112x128xf32, #tpu.memory_space<hbm>>
    tpu.wait_indirect_dma semaphore(%arg10 : memref<!tpu.dma_semaphore, #tpu.memory_space<semaphore_mem>>) src(%dma_wait3A_129 : memref<10112x128xf32, #tpu.memory_space<hbm>>) dst(%dma_wait3A_123 : memref<128x128xf32, #tpu.memory_space<vmem>>)
    %dma_start3A_130 = arith.constant 0 : i32
    %dma_start3A_131 = arith.constant 0 : i32
    %dma_start3A_132 = arith.constant 1 : i32
    %dma_start3A_133 = arith.constant 0 : i32
    %dma_start3A_134 = arith.constant 0 : i32
    %dma_start3A_135 = tpu.memref_slice %arg7[%dma_start3A_130, %dma_start3A_133, %dma_start3A_134] : memref<4x128x128xf32, #tpu.memory_space<vmem>> -> memref<1x128x128xf32, #tpu.memory_space<vmem>>
    %dma_start3A_136 = tpu.memref_squeeze %dma_start3A_135 : memref<1x128x128xf32, #tpu.memory_space<vmem>> -> memref<128x128xf32, #tpu.memory_space<vmem>>
    %dma_start3A_137 = arith.constant 0 : i32
    %dma_start3A_138 = tpu.memref_slice %arg6[%dma_start3A_131, %dma_start3A_132, %dma_start3A_137] : memref<4x2x128xi32, #tpu.memory_space<vmem>> -> memref<1x1x128xi32, #tpu.memory_space<vmem>>
    %dma_start3A_139 = tpu.memref_squeeze %dma_start3A_138 : memref<1x1x128xi32, #tpu.memory_space<vmem>> -> memref<128xi32, #tpu.memory_space<vmem>>
    %dma_start3A_140 = arith.constant 0 : i32
    %dma_start3A_141 = arith.constant 0 : i32
    %dma_start3A_142 = tpu.memref_slice %arg8[%dma_start3A_140, %dma_start3A_141] : memref<5120x128xf32, #tpu.memory_space<vmem_shared>> -> memref<5120x128xf32, #tpu.memory_space<vmem_shared>>
    tpu.enqueue_indirect_dma source(%dma_start3A_136 : memref<128x128xf32, #tpu.memory_space<vmem>>) target(%dma_start3A_142 : memref<5120x128xf32, #tpu.memory_space<vmem_shared>>) offsets(%dma_start3A_139 : memref<128xi32, #tpu.memory_space<vmem>>) semaphore(%arg12 : memref<!tpu.dma_semaphore, #tpu.memory_space<semaphore_mem>>) {add = true}
    %dma_wait3A_143 = arith.constant 2 : i32
    %dma_wait3A_144 = arith.constant 2 : i32
    %dma_wait3A_145 = arith.constant 0 : i32
    %dma_wait3A_146 = arith.constant 0 : i32
    %dma_wait3A_147 = tpu.memref_slice %arg6[%dma_wait3A_144, %dma_wait3A_145, %dma_wait3A_146] : memref<4x2x128xi32, #tpu.memory_space<vmem>> -> memref<1x2x128xi32, #tpu.memory_space<vmem>>
    %dma_wait3A_148 = tpu.memref_squeeze %dma_wait3A_147 : memref<1x2x128xi32, #tpu.memory_space<vmem>> -> memref<2x128xi32, #tpu.memory_space<vmem>>
    %dma_wait3A_149 = arith.constant 0 : i32
    %dma_wait3A_150 = arith.constant 0 : i32
    %dma_wait3A_151 = tpu.memref_slice %arg3[%add3A, %dma_wait3A_143, %dma_wait3A_149, %dma_wait3A_150] : memref<32x79x2x128xi32, #tpu.memory_space<hbm>> -> memref<1x1x2x128xi32, #tpu.memory_space<hbm>>
    %dma_wait3A_152 = tpu.memref_squeeze %dma_wait3A_151 : memref<1x1x2x128xi32, #tpu.memory_space<hbm>> -> memref<2x128xi32, #tpu.memory_space<hbm>>
    %dma_wait3A_153 = arith.constant 0 : i32
    %dma_wait3A_154 = arith.constant 0 : i32
    %dma_wait3A_155 = tpu.memref_slice %arg6[%dma_wait3A_144, %dma_wait3A_153, %dma_wait3A_154] : memref<4x2x128xi32, #tpu.memory_space<vmem>> -> memref<1x2x128xi32, #tpu.memory_space<vmem>>
    %dma_wait3A_156 = tpu.memref_squeeze %dma_wait3A_155 : memref<1x2x128xi32, #tpu.memory_space<vmem>> -> memref<2x128xi32, #tpu.memory_space<vmem>>
    %dma_wait3A_157 = arith.constant 0 : i32
    %dma_wait3A_158 = arith.constant 0 : i32
    %dma_wait3A_159 = tpu.memref_slice %arg3[%add3A, %dma_wait3A_143, %dma_wait3A_157, %dma_wait3A_158] : memref<32x79x2x128xi32, #tpu.memory_space<hbm>> -> memref<1x1x2x128xi32, #tpu.memory_space<hbm>>
    %dma_wait3A_160 = tpu.memref_squeeze %dma_wait3A_159 : memref<1x1x2x128xi32, #tpu.memory_space<hbm>> -> memref<2x128xi32, #tpu.memory_space<hbm>>
    tpu.wait_dma2 semaphore(%arg9 : memref<!tpu.dma_semaphore, #tpu.memory_space<semaphore_mem>>) src(%dma_wait3A_160 : memref<2x128xi32, #tpu.memory_space<hbm>>) dst(%dma_wait3A_156 : memref<2x128xi32, #tpu.memory_space<vmem>>)
    %dma_start3A_161 = arith.constant 2 : i32
    %dma_start3A_162 = arith.constant 0 : i32
    %dma_start3A_163 = arith.constant 2 : i32
    %dma_start3A_164 = arith.constant 0 : i32
    %dma_start3A_165 = arith.constant 0 : i32
    %dma_start3A_166 = tpu.memref_slice %arg7[%dma_start3A_163, %dma_start3A_164, %dma_start3A_165] : memref<4x128x128xf32, #tpu.memory_space<vmem>> -> memref<1x128x128xf32, #tpu.memory_space<vmem>>
    %dma_start3A_167 = tpu.memref_squeeze %dma_start3A_166 : memref<1x128x128xf32, #tpu.memory_space<vmem>> -> memref<128x128xf32, #tpu.memory_space<vmem>>
    %dma_start3A_168 = arith.constant 0 : i32
    %dma_start3A_169 = tpu.memref_slice %arg6[%dma_start3A_161, %dma_start3A_162, %dma_start3A_168] : memref<4x2x128xi32, #tpu.memory_space<vmem>> -> memref<1x1x128xi32, #tpu.memory_space<vmem>>
    %dma_start3A_170 = tpu.memref_squeeze %dma_start3A_169 : memref<1x1x128xi32, #tpu.memory_space<vmem>> -> memref<128xi32, #tpu.memory_space<vmem>>
    %dma_start3A_171 = arith.constant 0 : i32
    %dma_start3A_172 = arith.constant 0 : i32
    %dma_start3A_173 = tpu.memref_slice %arg2[%dma_start3A_171, %dma_start3A_172] : memref<10112x128xf32, #tpu.memory_space<hbm>> -> memref<10112x128xf32, #tpu.memory_space<hbm>>
    tpu.enqueue_indirect_dma source(%dma_start3A_173 : memref<10112x128xf32, #tpu.memory_space<hbm>>) target(%dma_start3A_167 : memref<128x128xf32, #tpu.memory_space<vmem>>) offsets(%dma_start3A_170 : memref<128xi32, #tpu.memory_space<vmem>>) semaphore(%arg10 : memref<!tpu.dma_semaphore, #tpu.memory_space<semaphore_mem>>)
    %dma_start3A_174 = arith.constant 3 : i32
    %dma_start3A_175 = arith.constant 3 : i32
    %dma_start3A_176 = arith.constant 0 : i32
    %dma_start3A_177 = arith.constant 0 : i32
    %dma_start3A_178 = tpu.memref_slice %arg6[%dma_start3A_175, %dma_start3A_176, %dma_start3A_177] : memref<4x2x128xi32, #tpu.memory_space<vmem>> -> memref<1x2x128xi32, #tpu.memory_space<vmem>>
    %dma_start3A_179 = tpu.memref_squeeze %dma_start3A_178 : memref<1x2x128xi32, #tpu.memory_space<vmem>> -> memref<2x128xi32, #tpu.memory_space<vmem>>
    %dma_start3A_180 = arith.constant 0 : i32
    %dma_start3A_181 = arith.constant 0 : i32
    %dma_start3A_182 = tpu.memref_slice %arg3[%add3A, %dma_start3A_174, %dma_start3A_180, %dma_start3A_181] : memref<32x79x2x128xi32, #tpu.memory_space<hbm>> -> memref<1x1x2x128xi32, #tpu.memory_space<hbm>>
    %dma_start3A_183 = tpu.memref_squeeze %dma_start3A_182 : memref<1x1x2x128xi32, #tpu.memory_space<hbm>> -> memref<2x128xi32, #tpu.memory_space<hbm>>
    %dma_start3A_184 = arith.constant 0 : i32
    %dma_start3A_185 = arith.constant 0 : i32
    %dma_start3A_186 = tpu.memref_slice %arg6[%dma_start3A_175, %dma_start3A_184, %dma_start3A_185] : memref<4x2x128xi32, #tpu.memory_space<vmem>> -> memref<1x2x128xi32, #tpu.memory_space<vmem>>
    %dma_start3A_187 = tpu.memref_squeeze %dma_start3A_186 : memref<1x2x128xi32, #tpu.memory_space<vmem>> -> memref<2x128xi32, #tpu.memory_space<vmem>>
    %dma_start3A_188 = arith.constant 0 : i32
    %dma_start3A_189 = arith.constant 0 : i32
    %dma_start3A_190 = tpu.memref_slice %arg3[%add3A, %dma_start3A_174, %dma_start3A_188, %dma_start3A_189] : memref<32x79x2x128xi32, #tpu.memory_space<hbm>> -> memref<1x1x2x128xi32, #tpu.memory_space<hbm>>
    %dma_start3A_191 = tpu.memref_squeeze %dma_start3A_190 : memref<1x1x2x128xi32, #tpu.memory_space<hbm>> -> memref<2x128xi32, #tpu.memory_space<hbm>>
    tpu.enqueue_dma source(%dma_start3A_191 : memref<2x128xi32, #tpu.memory_space<hbm>>) target(%dma_start3A_187 : memref<2x128xi32, #tpu.memory_space<vmem>>) target_semaphore(%arg9 : memref<!tpu.dma_semaphore, #tpu.memory_space<semaphore_mem>>)
    %dma_wait3A_192 = arith.constant 1 : i32
    %dma_wait3A_193 = arith.constant 0 : i32
    %dma_wait3A_194 = arith.constant 1 : i32
    %dma_wait3A_195 = arith.constant 0 : i32
    %dma_wait3A_196 = arith.constant 0 : i32
    %dma_wait3A_197 = tpu.memref_slice %arg7[%dma_wait3A_194, %dma_wait3A_195, %dma_wait3A_196] : memref<4x128x128xf32, #tpu.memory_space<vmem>> -> memref<1x128x128xf32, #tpu.memory_space<vmem>>
    %dma_wait3A_198 = tpu.memref_squeeze %dma_wait3A_197 : memref<1x128x128xf32, #tpu.memory_space<vmem>> -> memref<128x128xf32, #tpu.memory_space<vmem>>
    %dma_wait3A_199 = arith.constant 0 : i32
    %dma_wait3A_200 = tpu.memref_slice %arg6[%dma_wait3A_192, %dma_wait3A_193, %dma_wait3A_199] : memref<4x2x128xi32, #tpu.memory_space<vmem>> -> memref<1x1x128xi32, #tpu.memory_space<vmem>>
    %dma_wait3A_201 = tpu.memref_squeeze %dma_wait3A_200 : memref<1x1x128xi32, #tpu.memory_space<vmem>> -> memref<128xi32, #tpu.memory_space<vmem>>
    %dma_wait3A_202 = arith.constant 0 : i32
    %dma_wait3A_203 = arith.constant 0 : i32
    %dma_wait3A_204 = tpu.memref_slice %arg2[%dma_wait3A_202, %dma_wait3A_203] : memref<10112x128xf32, #tpu.memory_space<hbm>> -> memref<10112x128xf32, #tpu.memory_space<hbm>>
    tpu.wait_indirect_dma semaphore(%arg11 : memref<!tpu.dma_semaphore, #tpu.memory_space<semaphore_mem>>) src(%dma_wait3A_204 : memref<10112x128xf32, #tpu.memory_space<hbm>>) dst(%dma_wait3A_198 : memref<128x128xf32, #tpu.memory_space<vmem>>)
    %dma_start3A_205 = arith.constant 1 : i32
    %dma_start3A_206 = arith.constant 1 : i32
    %dma_start3A_207 = arith.constant 1 : i32
    %dma_start3A_208 = arith.constant 0 : i32
    %dma_start3A_209 = arith.constant 0 : i32
    %dma_start3A_210 = tpu.memref_slice %arg7[%dma_start3A_205, %dma_start3A_208, %dma_start3A_209] : memref<4x128x128xf32, #tpu.memory_space<vmem>> -> memref<1x128x128xf32, #tpu.memory_space<vmem>>
    %dma_start3A_211 = tpu.memref_squeeze %dma_start3A_210 : memref<1x128x128xf32, #tpu.memory_space<vmem>> -> memref<128x128xf32, #tpu.memory_space<vmem>>
    %dma_start3A_212 = arith.constant 0 : i32
    %dma_start3A_213 = tpu.memref_slice %arg6[%dma_start3A_206, %dma_start3A_207, %dma_start3A_212] : memref<4x2x128xi32, #tpu.memory_space<vmem>> -> memref<1x1x128xi32, #tpu.memory_space<vmem>>
    %dma_start3A_214 = tpu.memref_squeeze %dma_start3A_213 : memref<1x1x128xi32, #tpu.memory_space<vmem>> -> memref<128xi32, #tpu.memory_space<vmem>>
    %dma_start3A_215 = arith.constant 0 : i32
    %dma_start3A_216 = arith.constant 0 : i32
    %dma_start3A_217 = tpu.memref_slice %arg8[%dma_start3A_215, %dma_start3A_216] : memref<5120x128xf32, #tpu.memory_space<vmem_shared>> -> memref<5120x128xf32, #tpu.memory_space<vmem_shared>>
    tpu.enqueue_indirect_dma source(%dma_start3A_211 : memref<128x128xf32, #tpu.memory_space<vmem>>) target(%dma_start3A_217 : memref<5120x128xf32, #tpu.memory_space<vmem_shared>>) offsets(%dma_start3A_214 : memref<128xi32, #tpu.memory_space<vmem>>) semaphore(%arg12 : memref<!tpu.dma_semaphore, #tpu.memory_space<semaphore_mem>>) {add = true}
    %scan3A = arith.constant 0 : i32
    %scan3A_218 = arith.constant 18 : i32
    %scan3A_219 = arith.addi %scan3A, %scan3A_218 : i32
    %scan3A_220 = arith.constant 1 : i32
    scf.for %scan3A_626 = %scan3A to %scan3A_219 step %scan3A_220  : i32 {
      %mul3A_627 = arith.constant 1 : i32
      %mul3A_628 = arith.muli %scan3A_626, %mul3A_627 : i32
      %add3A_629 = arith.constant 0 : i32
      %add3A_630 = arith.addi %add3A_629, %mul3A_628 : i32
      %mul3A_631 = arith.constant 4 : i32
      %mul3A_632 = arith.muli %add3A_630, %mul3A_631 : i32
      %add3A_633 = arith.constant 2 : i32
      %add3A_634 = arith.addi %add3A_633, %mul3A_632 : i32
      %add3A_635 = arith.constant 0 : i32
      %add3A_636 = arith.addi %add3A_634, %add3A_635 : i32
      %sub3A = arith.constant 2 : i32
      %sub3A_637 = arith.subi %add3A_636, %sub3A : i32
      %dma_wait3A_638 = arith.constant 0 : i32
      %dma_wait3A_639 = arith.constant 0 : i32
      %dma_wait3A_640 = arith.constant 1 : i32
      %dma_wait3A_641 = arith.constant 0 : i32
      %dma_wait3A_642 = arith.constant 0 : i32
      %dma_wait3A_643 = tpu.memref_slice %arg7[%dma_wait3A_638, %dma_wait3A_641, %dma_wait3A_642] : memref<4x128x128xf32, #tpu.memory_space<vmem>> -> memref<1x128x128xf32, #tpu.memory_space<vmem>>
      %dma_wait3A_644 = tpu.memref_squeeze %dma_wait3A_643 : memref<1x128x128xf32, #tpu.memory_space<vmem>> -> memref<128x128xf32, #tpu.memory_space<vmem>>
      %dma_wait3A_645 = arith.constant 0 : i32
      %dma_wait3A_646 = tpu.memref_slice %arg6[%dma_wait3A_639, %dma_wait3A_640, %dma_wait3A_645] : memref<4x2x128xi32, #tpu.memory_space<vmem>> -> memref<1x1x128xi32, #tpu.memory_space<vmem>>
      %dma_wait3A_647 = tpu.memref_squeeze %dma_wait3A_646 : memref<1x1x128xi32, #tpu.memory_space<vmem>> -> memref<128xi32, #tpu.memory_space<vmem>>
      %dma_wait3A_648 = arith.constant 0 : i32
      %dma_wait3A_649 = arith.constant 0 : i32
      %dma_wait3A_650 = tpu.memref_slice %arg8[%dma_wait3A_648, %dma_wait3A_649] : memref<5120x128xf32, #tpu.memory_space<vmem_shared>> -> memref<5120x128xf32, #tpu.memory_space<vmem_shared>>
      tpu.wait_indirect_dma semaphore(%arg12 : memref<!tpu.dma_semaphore, #tpu.memory_space<semaphore_mem>>) src(%dma_wait3A_644 : memref<128x128xf32, #tpu.memory_space<vmem>>) dst(%dma_wait3A_650 : memref<5120x128xf32, #tpu.memory_space<vmem_shared>>)
      %add3A_651 = arith.constant 1 : i32
      %add3A_652 = arith.addi %add3A_636, %add3A_651 : i32
      %dma_wait3A_653 = arith.constant 3 : i32
      %dma_wait3A_654 = arith.constant 0 : i32
      %dma_wait3A_655 = arith.constant 0 : i32
      %dma_wait3A_656 = tpu.memref_slice %arg6[%dma_wait3A_653, %dma_wait3A_654, %dma_wait3A_655] : memref<4x2x128xi32, #tpu.memory_space<vmem>> -> memref<1x2x128xi32, #tpu.memory_space<vmem>>
      %dma_wait3A_657 = tpu.memref_squeeze %dma_wait3A_656 : memref<1x2x128xi32, #tpu.memory_space<vmem>> -> memref<2x128xi32, #tpu.memory_space<vmem>>
      %dma_wait3A_658 = arith.constant 0 : i32
      %dma_wait3A_659 = arith.constant 0 : i32
      %dma_wait3A_660 = tpu.memref_slice %arg3[%add3A, %add3A_652, %dma_wait3A_658, %dma_wait3A_659] : memref<32x79x2x128xi32, #tpu.memory_space<hbm>> -> memref<1x1x2x128xi32, #tpu.memory_space<hbm>>
      %dma_wait3A_661 = tpu.memref_squeeze %dma_wait3A_660 : memref<1x1x2x128xi32, #tpu.memory_space<hbm>> -> memref<2x128xi32, #tpu.memory_space<hbm>>
      %dma_wait3A_662 = arith.constant 0 : i32
      %dma_wait3A_663 = arith.constant 0 : i32
      %dma_wait3A_664 = tpu.memref_slice %arg6[%dma_wait3A_653, %dma_wait3A_662, %dma_wait3A_663] : memref<4x2x128xi32, #tpu.memory_space<vmem>> -> memref<1x2x128xi32, #tpu.memory_space<vmem>>
      %dma_wait3A_665 = tpu.memref_squeeze %dma_wait3A_664 : memref<1x2x128xi32, #tpu.memory_space<vmem>> -> memref<2x128xi32, #tpu.memory_space<vmem>>
      %dma_wait3A_666 = arith.constant 0 : i32
      %dma_wait3A_667 = arith.constant 0 : i32
      %dma_wait3A_668 = tpu.memref_slice %arg3[%add3A, %add3A_652, %dma_wait3A_666, %dma_wait3A_667] : memref<32x79x2x128xi32, #tpu.memory_space<hbm>> -> memref<1x1x2x128xi32, #tpu.memory_space<hbm>>
      %dma_wait3A_669 = tpu.memref_squeeze %dma_wait3A_668 : memref<1x1x2x128xi32, #tpu.memory_space<hbm>> -> memref<2x128xi32, #tpu.memory_space<hbm>>
      tpu.wait_dma2 semaphore(%arg9 : memref<!tpu.dma_semaphore, #tpu.memory_space<semaphore_mem>>) src(%dma_wait3A_669 : memref<2x128xi32, #tpu.memory_space<hbm>>) dst(%dma_wait3A_665 : memref<2x128xi32, #tpu.memory_space<vmem>>)
      %add3A_670 = arith.constant 1 : i32
      %add3A_671 = arith.addi %add3A_636, %add3A_670 : i32
      %dma_start3A_672 = arith.constant 3 : i32
      %dma_start3A_673 = arith.constant 0 : i32
      %dma_start3A_674 = arith.constant 3 : i32
      %dma_start3A_675 = arith.constant 0 : i32
      %dma_start3A_676 = arith.constant 0 : i32
      %dma_start3A_677 = tpu.memref_slice %arg7[%dma_start3A_674, %dma_start3A_675, %dma_start3A_676] : memref<4x128x128xf32, #tpu.memory_space<vmem>> -> memref<1x128x128xf32, #tpu.memory_space<vmem>>
      %dma_start3A_678 = tpu.memref_squeeze %dma_start3A_677 : memref<1x128x128xf32, #tpu.memory_space<vmem>> -> memref<128x128xf32, #tpu.memory_space<vmem>>
      %dma_start3A_679 = arith.constant 0 : i32
      %dma_start3A_680 = tpu.memref_slice %arg6[%dma_start3A_672, %dma_start3A_673, %dma_start3A_679] : memref<4x2x128xi32, #tpu.memory_space<vmem>> -> memref<1x1x128xi32, #tpu.memory_space<vmem>>
      %dma_start3A_681 = tpu.memref_squeeze %dma_start3A_680 : memref<1x1x128xi32, #tpu.memory_space<vmem>> -> memref<128xi32, #tpu.memory_space<vmem>>
      %dma_start3A_682 = arith.constant 0 : i32
      %dma_start3A_683 = arith.constant 0 : i32
      %dma_start3A_684 = tpu.memref_slice %arg2[%dma_start3A_682, %dma_start3A_683] : memref<10112x128xf32, #tpu.memory_space<hbm>> -> memref<10112x128xf32, #tpu.memory_space<hbm>>
      tpu.enqueue_indirect_dma source(%dma_start3A_684 : memref<10112x128xf32, #tpu.memory_space<hbm>>) target(%dma_start3A_678 : memref<128x128xf32, #tpu.memory_space<vmem>>) offsets(%dma_start3A_681 : memref<128xi32, #tpu.memory_space<vmem>>) semaphore(%arg11 : memref<!tpu.dma_semaphore, #tpu.memory_space<semaphore_mem>>)
      %add3A_685 = arith.constant 2 : i32
      %add3A_686 = arith.addi %add3A_636, %add3A_685 : i32
      %dma_start3A_687 = arith.constant 0 : i32
      %dma_start3A_688 = arith.constant 0 : i32
      %dma_start3A_689 = arith.constant 0 : i32
      %dma_start3A_690 = tpu.memref_slice %arg6[%dma_start3A_687, %dma_start3A_688, %dma_start3A_689] : memref<4x2x128xi32, #tpu.memory_space<vmem>> -> memref<1x2x128xi32, #tpu.memory_space<vmem>>
      %dma_start3A_691 = tpu.memref_squeeze %dma_start3A_690 : memref<1x2x128xi32, #tpu.memory_space<vmem>> -> memref<2x128xi32, #tpu.memory_space<vmem>>
      %dma_start3A_692 = arith.constant 0 : i32
      %dma_start3A_693 = arith.constant 0 : i32
      %dma_start3A_694 = tpu.memref_slice %arg3[%add3A, %add3A_686, %dma_start3A_692, %dma_start3A_693] : memref<32x79x2x128xi32, #tpu.memory_space<hbm>> -> memref<1x1x2x128xi32, #tpu.memory_space<hbm>>
      %dma_start3A_695 = tpu.memref_squeeze %dma_start3A_694 : memref<1x1x2x128xi32, #tpu.memory_space<hbm>> -> memref<2x128xi32, #tpu.memory_space<hbm>>
      %dma_start3A_696 = arith.constant 0 : i32
      %dma_start3A_697 = arith.constant 0 : i32
      %dma_start3A_698 = tpu.memref_slice %arg6[%dma_start3A_687, %dma_start3A_696, %dma_start3A_697] : memref<4x2x128xi32, #tpu.memory_space<vmem>> -> memref<1x2x128xi32, #tpu.memory_space<vmem>>
      %dma_start3A_699 = tpu.memref_squeeze %dma_start3A_698 : memref<1x2x128xi32, #tpu.memory_space<vmem>> -> memref<2x128xi32, #tpu.memory_space<vmem>>
      %dma_start3A_700 = arith.constant 0 : i32
      %dma_start3A_701 = arith.constant 0 : i32
      %dma_start3A_702 = tpu.memref_slice %arg3[%add3A, %add3A_686, %dma_start3A_700, %dma_start3A_701] : memref<32x79x2x128xi32, #tpu.memory_space<hbm>> -> memref<1x1x2x128xi32, #tpu.memory_space<hbm>>
      %dma_start3A_703 = tpu.memref_squeeze %dma_start3A_702 : memref<1x1x2x128xi32, #tpu.memory_space<hbm>> -> memref<2x128xi32, #tpu.memory_space<hbm>>
      tpu.enqueue_dma source(%dma_start3A_703 : memref<2x128xi32, #tpu.memory_space<hbm>>) target(%dma_start3A_699 : memref<2x128xi32, #tpu.memory_space<vmem>>) target_semaphore(%arg9 : memref<!tpu.dma_semaphore, #tpu.memory_space<semaphore_mem>>)
      %dma_wait3A_704 = arith.constant 2 : i32
      %dma_wait3A_705 = arith.constant 0 : i32
      %dma_wait3A_706 = arith.constant 2 : i32
      %dma_wait3A_707 = arith.constant 0 : i32
      %dma_wait3A_708 = arith.constant 0 : i32
      %dma_wait3A_709 = tpu.memref_slice %arg7[%dma_wait3A_706, %dma_wait3A_707, %dma_wait3A_708] : memref<4x128x128xf32, #tpu.memory_space<vmem>> -> memref<1x128x128xf32, #tpu.memory_space<vmem>>
      %dma_wait3A_710 = tpu.memref_squeeze %dma_wait3A_709 : memref<1x128x128xf32, #tpu.memory_space<vmem>> -> memref<128x128xf32, #tpu.memory_space<vmem>>
      %dma_wait3A_711 = arith.constant 0 : i32
      %dma_wait3A_712 = tpu.memref_slice %arg6[%dma_wait3A_704, %dma_wait3A_705, %dma_wait3A_711] : memref<4x2x128xi32, #tpu.memory_space<vmem>> -> memref<1x1x128xi32, #tpu.memory_space<vmem>>
      %dma_wait3A_713 = tpu.memref_squeeze %dma_wait3A_712 : memref<1x1x128xi32, #tpu.memory_space<vmem>> -> memref<128xi32, #tpu.memory_space<vmem>>
      %dma_wait3A_714 = arith.constant 0 : i32
      %dma_wait3A_715 = arith.constant 0 : i32
      %dma_wait3A_716 = tpu.memref_slice %arg2[%dma_wait3A_714, %dma_wait3A_715] : memref<10112x128xf32, #tpu.memory_space<hbm>> -> memref<10112x128xf32, #tpu.memory_space<hbm>>
      tpu.wait_indirect_dma semaphore(%arg10 : memref<!tpu.dma_semaphore, #tpu.memory_space<semaphore_mem>>) src(%dma_wait3A_716 : memref<10112x128xf32, #tpu.memory_space<hbm>>) dst(%dma_wait3A_710 : memref<128x128xf32, #tpu.memory_space<vmem>>)
      %dma_start3A_717 = arith.constant 2 : i32
      %dma_start3A_718 = arith.constant 2 : i32
      %dma_start3A_719 = arith.constant 1 : i32
      %dma_start3A_720 = arith.constant 0 : i32
      %dma_start3A_721 = arith.constant 0 : i32
      %dma_start3A_722 = tpu.memref_slice %arg7[%dma_start3A_717, %dma_start3A_720, %dma_start3A_721] : memref<4x128x128xf32, #tpu.memory_space<vmem>> -> memref<1x128x128xf32, #tpu.memory_space<vmem>>
      %dma_start3A_723 = tpu.memref_squeeze %dma_start3A_722 : memref<1x128x128xf32, #tpu.memory_space<vmem>> -> memref<128x128xf32, #tpu.memory_space<vmem>>
      %dma_start3A_724 = arith.constant 0 : i32
      %dma_start3A_725 = tpu.memref_slice %arg6[%dma_start3A_718, %dma_start3A_719, %dma_start3A_724] : memref<4x2x128xi32, #tpu.memory_space<vmem>> -> memref<1x1x128xi32, #tpu.memory_space<vmem>>
      %dma_start3A_726 = tpu.memref_squeeze %dma_start3A_725 : memref<1x1x128xi32, #tpu.memory_space<vmem>> -> memref<128xi32, #tpu.memory_space<vmem>>
      %dma_start3A_727 = arith.constant 0 : i32
      %dma_start3A_728 = arith.constant 0 : i32
      %dma_start3A_729 = tpu.memref_slice %arg8[%dma_start3A_727, %dma_start3A_728] : memref<5120x128xf32, #tpu.memory_space<vmem_shared>> -> memref<5120x128xf32, #tpu.memory_space<vmem_shared>>
      tpu.enqueue_indirect_dma source(%dma_start3A_723 : memref<128x128xf32, #tpu.memory_space<vmem>>) target(%dma_start3A_729 : memref<5120x128xf32, #tpu.memory_space<vmem_shared>>) offsets(%dma_start3A_726 : memref<128xi32, #tpu.memory_space<vmem>>) semaphore(%arg12 : memref<!tpu.dma_semaphore, #tpu.memory_space<semaphore_mem>>) {add = true}
      %mul3A_730 = arith.constant 4 : i32
      %mul3A_731 = arith.muli %add3A_630, %mul3A_730 : i32
      %add3A_732 = arith.constant 2 : i32
      %add3A_733 = arith.addi %add3A_732, %mul3A_731 : i32
      %add3A_734 = arith.constant 1 : i32
      %add3A_735 = arith.addi %add3A_733, %add3A_734 : i32
      %sub3A_736 = arith.constant 2 : i32
      %sub3A_737 = arith.subi %add3A_735, %sub3A_736 : i32
      %dma_wait3A_738 = arith.constant 1 : i32
      %dma_wait3A_739 = arith.constant 1 : i32
      %dma_wait3A_740 = arith.constant 1 : i32
      %dma_wait3A_741 = arith.constant 0 : i32
      %dma_wait3A_742 = arith.constant 0 : i32
      %dma_wait3A_743 = tpu.memref_slice %arg7[%dma_wait3A_738, %dma_wait3A_741, %dma_wait3A_742] : memref<4x128x128xf32, #tpu.memory_space<vmem>> -> memref<1x128x128xf32, #tpu.memory_space<vmem>>
      %dma_wait3A_744 = tpu.memref_squeeze %dma_wait3A_743 : memref<1x128x128xf32, #tpu.memory_space<vmem>> -> memref<128x128xf32, #tpu.memory_space<vmem>>
      %dma_wait3A_745 = arith.constant 0 : i32
      %dma_wait3A_746 = tpu.memref_slice %arg6[%dma_wait3A_739, %dma_wait3A_740, %dma_wait3A_745] : memref<4x2x128xi32, #tpu.memory_space<vmem>> -> memref<1x1x128xi32, #tpu.memory_space<vmem>>
      %dma_wait3A_747 = tpu.memref_squeeze %dma_wait3A_746 : memref<1x1x128xi32, #tpu.memory_space<vmem>> -> memref<128xi32, #tpu.memory_space<vmem>>
      %dma_wait3A_748 = arith.constant 0 : i32
      %dma_wait3A_749 = arith.constant 0 : i32
      %dma_wait3A_750 = tpu.memref_slice %arg8[%dma_wait3A_748, %dma_wait3A_749] : memref<5120x128xf32, #tpu.memory_space<vmem_shared>> -> memref<5120x128xf32, #tpu.memory_space<vmem_shared>>
      tpu.wait_indirect_dma semaphore(%arg12 : memref<!tpu.dma_semaphore, #tpu.memory_space<semaphore_mem>>) src(%dma_wait3A_744 : memref<128x128xf32, #tpu.memory_space<vmem>>) dst(%dma_wait3A_750 : memref<5120x128xf32, #tpu.memory_space<vmem_shared>>)
      %add3A_751 = arith.constant 1 : i32
      %add3A_752 = arith.addi %add3A_735, %add3A_751 : i32
      %dma_wait3A_753 = arith.constant 0 : i32
      %dma_wait3A_754 = arith.constant 0 : i32
      %dma_wait3A_755 = arith.constant 0 : i32
      %dma_wait3A_756 = tpu.memref_slice %arg6[%dma_wait3A_753, %dma_wait3A_754, %dma_wait3A_755] : memref<4x2x128xi32, #tpu.memory_space<vmem>> -> memref<1x2x128xi32, #tpu.memory_space<vmem>>
      %dma_wait3A_757 = tpu.memref_squeeze %dma_wait3A_756 : memref<1x2x128xi32, #tpu.memory_space<vmem>> -> memref<2x128xi32, #tpu.memory_space<vmem>>
      %dma_wait3A_758 = arith.constant 0 : i32
      %dma_wait3A_759 = arith.constant 0 : i32
      %dma_wait3A_760 = tpu.memref_slice %arg3[%add3A, %add3A_752, %dma_wait3A_758, %dma_wait3A_759] : memref<32x79x2x128xi32, #tpu.memory_space<hbm>> -> memref<1x1x2x128xi32, #tpu.memory_space<hbm>>
      %dma_wait3A_761 = tpu.memref_squeeze %dma_wait3A_760 : memref<1x1x2x128xi32, #tpu.memory_space<hbm>> -> memref<2x128xi32, #tpu.memory_space<hbm>>
      %dma_wait3A_762 = arith.constant 0 : i32
      %dma_wait3A_763 = arith.constant 0 : i32
      %dma_wait3A_764 = tpu.memref_slice %arg6[%dma_wait3A_753, %dma_wait3A_762, %dma_wait3A_763] : memref<4x2x128xi32, #tpu.memory_space<vmem>> -> memref<1x2x128xi32, #tpu.memory_space<vmem>>
      %dma_wait3A_765 = tpu.memref_squeeze %dma_wait3A_764 : memref<1x2x128xi32, #tpu.memory_space<vmem>> -> memref<2x128xi32, #tpu.memory_space<vmem>>
      %dma_wait3A_766 = arith.constant 0 : i32
      %dma_wait3A_767 = arith.constant 0 : i32
      %dma_wait3A_768 = tpu.memref_slice %arg3[%add3A, %add3A_752, %dma_wait3A_766, %dma_wait3A_767] : memref<32x79x2x128xi32, #tpu.memory_space<hbm>> -> memref<1x1x2x128xi32, #tpu.memory_space<hbm>>
      %dma_wait3A_769 = tpu.memref_squeeze %dma_wait3A_768 : memref<1x1x2x128xi32, #tpu.memory_space<hbm>> -> memref<2x128xi32, #tpu.memory_space<hbm>>
      tpu.wait_dma2 semaphore(%arg9 : memref<!tpu.dma_semaphore, #tpu.memory_space<semaphore_mem>>) src(%dma_wait3A_769 : memref<2x128xi32, #tpu.memory_space<hbm>>) dst(%dma_wait3A_765 : memref<2x128xi32, #tpu.memory_space<vmem>>)
      %add3A_770 = arith.constant 1 : i32
      %add3A_771 = arith.addi %add3A_735, %add3A_770 : i32
      %dma_start3A_772 = arith.constant 0 : i32
      %dma_start3A_773 = arith.constant 0 : i32
      %dma_start3A_774 = arith.constant 0 : i32
      %dma_start3A_775 = arith.constant 0 : i32
      %dma_start3A_776 = arith.constant 0 : i32
      %dma_start3A_777 = tpu.memref_slice %arg7[%dma_start3A_774, %dma_start3A_775, %dma_start3A_776] : memref<4x128x128xf32, #tpu.memory_space<vmem>> -> memref<1x128x128xf32, #tpu.memory_space<vmem>>
      %dma_start3A_778 = tpu.memref_squeeze %dma_start3A_777 : memref<1x128x128xf32, #tpu.memory_space<vmem>> -> memref<128x128xf32, #tpu.memory_space<vmem>>
      %dma_start3A_779 = arith.constant 0 : i32
      %dma_start3A_780 = tpu.memref_slice %arg6[%dma_start3A_772, %dma_start3A_773, %dma_start3A_779] : memref<4x2x128xi32, #tpu.memory_space<vmem>> -> memref<1x1x128xi32, #tpu.memory_space<vmem>>
      %dma_start3A_781 = tpu.memref_squeeze %dma_start3A_780 : memref<1x1x128xi32, #tpu.memory_space<vmem>> -> memref<128xi32, #tpu.memory_space<vmem>>
      %dma_start3A_782 = arith.constant 0 : i32
      %dma_start3A_783 = arith.constant 0 : i32
      %dma_start3A_784 = tpu.memref_slice %arg2[%dma_start3A_782, %dma_start3A_783] : memref<10112x128xf32, #tpu.memory_space<hbm>> -> memref<10112x128xf32, #tpu.memory_space<hbm>>
      tpu.enqueue_indirect_dma source(%dma_start3A_784 : memref<10112x128xf32, #tpu.memory_space<hbm>>) target(%dma_start3A_778 : memref<128x128xf32, #tpu.memory_space<vmem>>) offsets(%dma_start3A_781 : memref<128xi32, #tpu.memory_space<vmem>>) semaphore(%arg10 : memref<!tpu.dma_semaphore, #tpu.memory_space<semaphore_mem>>)
      %add3A_785 = arith.constant 2 : i32
      %add3A_786 = arith.addi %add3A_735, %add3A_785 : i32
      %dma_start3A_787 = arith.constant 1 : i32
      %dma_start3A_788 = arith.constant 0 : i32
      %dma_start3A_789 = arith.constant 0 : i32
      %dma_start3A_790 = tpu.memref_slice %arg6[%dma_start3A_787, %dma_start3A_788, %dma_start3A_789] : memref<4x2x128xi32, #tpu.memory_space<vmem>> -> memref<1x2x128xi32, #tpu.memory_space<vmem>>
      %dma_start3A_791 = tpu.memref_squeeze %dma_start3A_790 : memref<1x2x128xi32, #tpu.memory_space<vmem>> -> memref<2x128xi32, #tpu.memory_space<vmem>>
      %dma_start3A_792 = arith.constant 0 : i32
      %dma_start3A_793 = arith.constant 0 : i32
      %dma_start3A_794 = tpu.memref_slice %arg3[%add3A, %add3A_786, %dma_start3A_792, %dma_start3A_793] : memref<32x79x2x128xi32, #tpu.memory_space<hbm>> -> memref<1x1x2x128xi32, #tpu.memory_space<hbm>>
      %dma_start3A_795 = tpu.memref_squeeze %dma_start3A_794 : memref<1x1x2x128xi32, #tpu.memory_space<hbm>> -> memref<2x128xi32, #tpu.memory_space<hbm>>
      %dma_start3A_796 = arith.constant 0 : i32
      %dma_start3A_797 = arith.constant 0 : i32
      %dma_start3A_798 = tpu.memref_slice %arg6[%dma_start3A_787, %dma_start3A_796, %dma_start3A_797] : memref<4x2x128xi32, #tpu.memory_space<vmem>> -> memref<1x2x128xi32, #tpu.memory_space<vmem>>
      %dma_start3A_799 = tpu.memref_squeeze %dma_start3A_798 : memref<1x2x128xi32, #tpu.memory_space<vmem>> -> memref<2x128xi32, #tpu.memory_space<vmem>>
      %dma_start3A_800 = arith.constant 0 : i32
      %dma_start3A_801 = arith.constant 0 : i32
      %dma_start3A_802 = tpu.memref_slice %arg3[%add3A, %add3A_786, %dma_start3A_800, %dma_start3A_801] : memref<32x79x2x128xi32, #tpu.memory_space<hbm>> -> memref<1x1x2x128xi32, #tpu.memory_space<hbm>>
      %dma_start3A_803 = tpu.memref_squeeze %dma_start3A_802 : memref<1x1x2x128xi32, #tpu.memory_space<hbm>> -> memref<2x128xi32, #tpu.memory_space<hbm>>
      tpu.enqueue_dma source(%dma_start3A_803 : memref<2x128xi32, #tpu.memory_space<hbm>>) target(%dma_start3A_799 : memref<2x128xi32, #tpu.memory_space<vmem>>) target_semaphore(%arg9 : memref<!tpu.dma_semaphore, #tpu.memory_space<semaphore_mem>>)
      %dma_wait3A_804 = arith.constant 3 : i32
      %dma_wait3A_805 = arith.constant 0 : i32
      %dma_wait3A_806 = arith.constant 3 : i32
      %dma_wait3A_807 = arith.constant 0 : i32
      %dma_wait3A_808 = arith.constant 0 : i32
      %dma_wait3A_809 = tpu.memref_slice %arg7[%dma_wait3A_806, %dma_wait3A_807, %dma_wait3A_808] : memref<4x128x128xf32, #tpu.memory_space<vmem>> -> memref<1x128x128xf32, #tpu.memory_space<vmem>>
      %dma_wait3A_810 = tpu.memref_squeeze %dma_wait3A_809 : memref<1x128x128xf32, #tpu.memory_space<vmem>> -> memref<128x128xf32, #tpu.memory_space<vmem>>
      %dma_wait3A_811 = arith.constant 0 : i32
      %dma_wait3A_812 = tpu.memref_slice %arg6[%dma_wait3A_804, %dma_wait3A_805, %dma_wait3A_811] : memref<4x2x128xi32, #tpu.memory_space<vmem>> -> memref<1x1x128xi32, #tpu.memory_space<vmem>>
      %dma_wait3A_813 = tpu.memref_squeeze %dma_wait3A_812 : memref<1x1x128xi32, #tpu.memory_space<vmem>> -> memref<128xi32, #tpu.memory_space<vmem>>
      %dma_wait3A_814 = arith.constant 0 : i32
      %dma_wait3A_815 = arith.constant 0 : i32
      %dma_wait3A_816 = tpu.memref_slice %arg2[%dma_wait3A_814, %dma_wait3A_815] : memref<10112x128xf32, #tpu.memory_space<hbm>> -> memref<10112x128xf32, #tpu.memory_space<hbm>>
      tpu.wait_indirect_dma semaphore(%arg11 : memref<!tpu.dma_semaphore, #tpu.memory_space<semaphore_mem>>) src(%dma_wait3A_816 : memref<10112x128xf32, #tpu.memory_space<hbm>>) dst(%dma_wait3A_810 : memref<128x128xf32, #tpu.memory_space<vmem>>)
      %dma_start3A_817 = arith.constant 3 : i32
      %dma_start3A_818 = arith.constant 3 : i32
      %dma_start3A_819 = arith.constant 1 : i32
      %dma_start3A_820 = arith.constant 0 : i32
      %dma_start3A_821 = arith.constant 0 : i32
      %dma_start3A_822 = tpu.memref_slice %arg7[%dma_start3A_817, %dma_start3A_820, %dma_start3A_821] : memref<4x128x128xf32, #tpu.memory_space<vmem>> -> memref<1x128x128xf32, #tpu.memory_space<vmem>>
      %dma_start3A_823 = tpu.memref_squeeze %dma_start3A_822 : memref<1x128x128xf32, #tpu.memory_space<vmem>> -> memref<128x128xf32, #tpu.memory_space<vmem>>
      %dma_start3A_824 = arith.constant 0 : i32
      %dma_start3A_825 = tpu.memref_slice %arg6[%dma_start3A_818, %dma_start3A_819, %dma_start3A_824] : memref<4x2x128xi32, #tpu.memory_space<vmem>> -> memref<1x1x128xi32, #tpu.memory_space<vmem>>
      %dma_start3A_826 = tpu.memref_squeeze %dma_start3A_825 : memref<1x1x128xi32, #tpu.memory_space<vmem>> -> memref<128xi32, #tpu.memory_space<vmem>>
      %dma_start3A_827 = arith.constant 0 : i32
      %dma_start3A_828 = arith.constant 0 : i32
      %dma_start3A_829 = tpu.memref_slice %arg8[%dma_start3A_827, %dma_start3A_828] : memref<5120x128xf32, #tpu.memory_space<vmem_shared>> -> memref<5120x128xf32, #tpu.memory_space<vmem_shared>>
      tpu.enqueue_indirect_dma source(%dma_start3A_823 : memref<128x128xf32, #tpu.memory_space<vmem>>) target(%dma_start3A_829 : memref<5120x128xf32, #tpu.memory_space<vmem_shared>>) offsets(%dma_start3A_826 : memref<128xi32, #tpu.memory_space<vmem>>) semaphore(%arg12 : memref<!tpu.dma_semaphore, #tpu.memory_space<semaphore_mem>>) {add = true}
      %mul3A_830 = arith.constant 4 : i32
      %mul3A_831 = arith.muli %add3A_630, %mul3A_830 : i32
      %add3A_832 = arith.constant 2 : i32
      %add3A_833 = arith.addi %add3A_832, %mul3A_831 : i32
      %add3A_834 = arith.constant 2 : i32
      %add3A_835 = arith.addi %add3A_833, %add3A_834 : i32
      %sub3A_836 = arith.constant 2 : i32
      %sub3A_837 = arith.subi %add3A_835, %sub3A_836 : i32
      %dma_wait3A_838 = arith.constant 2 : i32
      %dma_wait3A_839 = arith.constant 2 : i32
      %dma_wait3A_840 = arith.constant 1 : i32
      %dma_wait3A_841 = arith.constant 0 : i32
      %dma_wait3A_842 = arith.constant 0 : i32
      %dma_wait3A_843 = tpu.memref_slice %arg7[%dma_wait3A_838, %dma_wait3A_841, %dma_wait3A_842] : memref<4x128x128xf32, #tpu.memory_space<vmem>> -> memref<1x128x128xf32, #tpu.memory_space<vmem>>
      %dma_wait3A_844 = tpu.memref_squeeze %dma_wait3A_843 : memref<1x128x128xf32, #tpu.memory_space<vmem>> -> memref<128x128xf32, #tpu.memory_space<vmem>>
      %dma_wait3A_845 = arith.constant 0 : i32
      %dma_wait3A_846 = tpu.memref_slice %arg6[%dma_wait3A_839, %dma_wait3A_840, %dma_wait3A_845] : memref<4x2x128xi32, #tpu.memory_space<vmem>> -> memref<1x1x128xi32, #tpu.memory_space<vmem>>
      %dma_wait3A_847 = tpu.memref_squeeze %dma_wait3A_846 : memref<1x1x128xi32, #tpu.memory_space<vmem>> -> memref<128xi32, #tpu.memory_space<vmem>>
      %dma_wait3A_848 = arith.constant 0 : i32
      %dma_wait3A_849 = arith.constant 0 : i32
      %dma_wait3A_850 = tpu.memref_slice %arg8[%dma_wait3A_848, %dma_wait3A_849] : memref<5120x128xf32, #tpu.memory_space<vmem_shared>> -> memref<5120x128xf32, #tpu.memory_space<vmem_shared>>
      tpu.wait_indirect_dma semaphore(%arg12 : memref<!tpu.dma_semaphore, #tpu.memory_space<semaphore_mem>>) src(%dma_wait3A_844 : memref<128x128xf32, #tpu.memory_space<vmem>>) dst(%dma_wait3A_850 : memref<5120x128xf32, #tpu.memory_space<vmem_shared>>)
      %add3A_851 = arith.constant 1 : i32
      %add3A_852 = arith.addi %add3A_835, %add3A_851 : i32
      %dma_wait3A_853 = arith.constant 1 : i32
      %dma_wait3A_854 = arith.constant 0 : i32
      %dma_wait3A_855 = arith.constant 0 : i32
      %dma_wait3A_856 = tpu.memref_slice %arg6[%dma_wait3A_853, %dma_wait3A_854, %dma_wait3A_855] : memref<4x2x128xi32, #tpu.memory_space<vmem>> -> memref<1x2x128xi32, #tpu.memory_space<vmem>>
      %dma_wait3A_857 = tpu.memref_squeeze %dma_wait3A_856 : memref<1x2x128xi32, #tpu.memory_space<vmem>> -> memref<2x128xi32, #tpu.memory_space<vmem>>
      %dma_wait3A_858 = arith.constant 0 : i32
      %dma_wait3A_859 = arith.constant 0 : i32
      %dma_wait3A_860 = tpu.memref_slice %arg3[%add3A, %add3A_852, %dma_wait3A_858, %dma_wait3A_859] : memref<32x79x2x128xi32, #tpu.memory_space<hbm>> -> memref<1x1x2x128xi32, #tpu.memory_space<hbm>>
      %dma_wait3A_861 = tpu.memref_squeeze %dma_wait3A_860 : memref<1x1x2x128xi32, #tpu.memory_space<hbm>> -> memref<2x128xi32, #tpu.memory_space<hbm>>
      %dma_wait3A_862 = arith.constant 0 : i32
      %dma_wait3A_863 = arith.constant 0 : i32
      %dma_wait3A_864 = tpu.memref_slice %arg6[%dma_wait3A_853, %dma_wait3A_862, %dma_wait3A_863] : memref<4x2x128xi32, #tpu.memory_space<vmem>> -> memref<1x2x128xi32, #tpu.memory_space<vmem>>
      %dma_wait3A_865 = tpu.memref_squeeze %dma_wait3A_864 : memref<1x2x128xi32, #tpu.memory_space<vmem>> -> memref<2x128xi32, #tpu.memory_space<vmem>>
      %dma_wait3A_866 = arith.constant 0 : i32
      %dma_wait3A_867 = arith.constant 0 : i32
      %dma_wait3A_868 = tpu.memref_slice %arg3[%add3A, %add3A_852, %dma_wait3A_866, %dma_wait3A_867] : memref<32x79x2x128xi32, #tpu.memory_space<hbm>> -> memref<1x1x2x128xi32, #tpu.memory_space<hbm>>
      %dma_wait3A_869 = tpu.memref_squeeze %dma_wait3A_868 : memref<1x1x2x128xi32, #tpu.memory_space<hbm>> -> memref<2x128xi32, #tpu.memory_space<hbm>>
      tpu.wait_dma2 semaphore(%arg9 : memref<!tpu.dma_semaphore, #tpu.memory_space<semaphore_mem>>) src(%dma_wait3A_869 : memref<2x128xi32, #tpu.memory_space<hbm>>) dst(%dma_wait3A_865 : memref<2x128xi32, #tpu.memory_space<vmem>>)
      %add3A_870 = arith.constant 1 : i32
      %add3A_871 = arith.addi %add3A_835, %add3A_870 : i32
      %dma_start3A_872 = arith.constant 1 : i32
      %dma_start3A_873 = arith.constant 0 : i32
      %dma_start3A_874 = arith.constant 1 : i32
      %dma_start3A_875 = arith.constant 0 : i32
      %dma_start3A_876 = arith.constant 0 : i32
      %dma_start3A_877 = tpu.memref_slice %arg7[%dma_start3A_874, %dma_start3A_875, %dma_start3A_876] : memref<4x128x128xf32, #tpu.memory_space<vmem>> -> memref<1x128x128xf32, #tpu.memory_space<vmem>>
      %dma_start3A_878 = tpu.memref_squeeze %dma_start3A_877 : memref<1x128x128xf32, #tpu.memory_space<vmem>> -> memref<128x128xf32, #tpu.memory_space<vmem>>
      %dma_start3A_879 = arith.constant 0 : i32
      %dma_start3A_880 = tpu.memref_slice %arg6[%dma_start3A_872, %dma_start3A_873, %dma_start3A_879] : memref<4x2x128xi32, #tpu.memory_space<vmem>> -> memref<1x1x128xi32, #tpu.memory_space<vmem>>
      %dma_start3A_881 = tpu.memref_squeeze %dma_start3A_880 : memref<1x1x128xi32, #tpu.memory_space<vmem>> -> memref<128xi32, #tpu.memory_space<vmem>>
      %dma_start3A_882 = arith.constant 0 : i32
      %dma_start3A_883 = arith.constant 0 : i32
      %dma_start3A_884 = tpu.memref_slice %arg2[%dma_start3A_882, %dma_start3A_883] : memref<10112x128xf32, #tpu.memory_space<hbm>> -> memref<10112x128xf32, #tpu.memory_space<hbm>>
      tpu.enqueue_indirect_dma source(%dma_start3A_884 : memref<10112x128xf32, #tpu.memory_space<hbm>>) target(%dma_start3A_878 : memref<128x128xf32, #tpu.memory_space<vmem>>) offsets(%dma_start3A_881 : memref<128xi32, #tpu.memory_space<vmem>>) semaphore(%arg11 : memref<!tpu.dma_semaphore, #tpu.memory_space<semaphore_mem>>)
      %add3A_885 = arith.constant 2 : i32
      %add3A_886 = arith.addi %add3A_835, %add3A_885 : i32
      %dma_start3A_887 = arith.constant 2 : i32
      %dma_start3A_888 = arith.constant 0 : i32
      %dma_start3A_889 = arith.constant 0 : i32
      %dma_start3A_890 = tpu.memref_slice %arg6[%dma_start3A_887, %dma_start3A_888, %dma_start3A_889] : memref<4x2x128xi32, #tpu.memory_space<vmem>> -> memref<1x2x128xi32, #tpu.memory_space<vmem>>
      %dma_start3A_891 = tpu.memref_squeeze %dma_start3A_890 : memref<1x2x128xi32, #tpu.memory_space<vmem>> -> memref<2x128xi32, #tpu.memory_space<vmem>>
      %dma_start3A_892 = arith.constant 0 : i32
      %dma_start3A_893 = arith.constant 0 : i32
      %dma_start3A_894 = tpu.memref_slice %arg3[%add3A, %add3A_886, %dma_start3A_892, %dma_start3A_893] : memref<32x79x2x128xi32, #tpu.memory_space<hbm>> -> memref<1x1x2x128xi32, #tpu.memory_space<hbm>>
      %dma_start3A_895 = tpu.memref_squeeze %dma_start3A_894 : memref<1x1x2x128xi32, #tpu.memory_space<hbm>> -> memref<2x128xi32, #tpu.memory_space<hbm>>
      %dma_start3A_896 = arith.constant 0 : i32
      %dma_start3A_897 = arith.constant 0 : i32
      %dma_start3A_898 = tpu.memref_slice %arg6[%dma_start3A_887, %dma_start3A_896, %dma_start3A_897] : memref<4x2x128xi32, #tpu.memory_space<vmem>> -> memref<1x2x128xi32, #tpu.memory_space<vmem>>
      %dma_start3A_899 = tpu.memref_squeeze %dma_start3A_898 : memref<1x2x128xi32, #tpu.memory_space<vmem>> -> memref<2x128xi32, #tpu.memory_space<vmem>>
      %dma_start3A_900 = arith.constant 0 : i32
      %dma_start3A_901 = arith.constant 0 : i32
      %dma_start3A_902 = tpu.memref_slice %arg3[%add3A, %add3A_886, %dma_start3A_900, %dma_start3A_901] : memref<32x79x2x128xi32, #tpu.memory_space<hbm>> -> memref<1x1x2x128xi32, #tpu.memory_space<hbm>>
      %dma_start3A_903 = tpu.memref_squeeze %dma_start3A_902 : memref<1x1x2x128xi32, #tpu.memory_space<hbm>> -> memref<2x128xi32, #tpu.memory_space<hbm>>
      tpu.enqueue_dma source(%dma_start3A_903 : memref<2x128xi32, #tpu.memory_space<hbm>>) target(%dma_start3A_899 : memref<2x128xi32, #tpu.memory_space<vmem>>) target_semaphore(%arg9 : memref<!tpu.dma_semaphore, #tpu.memory_space<semaphore_mem>>)
      %dma_wait3A_904 = arith.constant 0 : i32
      %dma_wait3A_905 = arith.constant 0 : i32
      %dma_wait3A_906 = arith.constant 0 : i32
      %dma_wait3A_907 = arith.constant 0 : i32
      %dma_wait3A_908 = arith.constant 0 : i32
      %dma_wait3A_909 = tpu.memref_slice %arg7[%dma_wait3A_906, %dma_wait3A_907, %dma_wait3A_908] : memref<4x128x128xf32, #tpu.memory_space<vmem>> -> memref<1x128x128xf32, #tpu.memory_space<vmem>>
      %dma_wait3A_910 = tpu.memref_squeeze %dma_wait3A_909 : memref<1x128x128xf32, #tpu.memory_space<vmem>> -> memref<128x128xf32, #tpu.memory_space<vmem>>
      %dma_wait3A_911 = arith.constant 0 : i32
      %dma_wait3A_912 = tpu.memref_slice %arg6[%dma_wait3A_904, %dma_wait3A_905, %dma_wait3A_911] : memref<4x2x128xi32, #tpu.memory_space<vmem>> -> memref<1x1x128xi32, #tpu.memory_space<vmem>>
      %dma_wait3A_913 = tpu.memref_squeeze %dma_wait3A_912 : memref<1x1x128xi32, #tpu.memory_space<vmem>> -> memref<128xi32, #tpu.memory_space<vmem>>
      %dma_wait3A_914 = arith.constant 0 : i32
      %dma_wait3A_915 = arith.constant 0 : i32
      %dma_wait3A_916 = tpu.memref_slice %arg2[%dma_wait3A_914, %dma_wait3A_915] : memref<10112x128xf32, #tpu.memory_space<hbm>> -> memref<10112x128xf32, #tpu.memory_space<hbm>>
      tpu.wait_indirect_dma semaphore(%arg10 : memref<!tpu.dma_semaphore, #tpu.memory_space<semaphore_mem>>) src(%dma_wait3A_916 : memref<10112x128xf32, #tpu.memory_space<hbm>>) dst(%dma_wait3A_910 : memref<128x128xf32, #tpu.memory_space<vmem>>)
      %dma_start3A_917 = arith.constant 0 : i32
      %dma_start3A_918 = arith.constant 0 : i32
      %dma_start3A_919 = arith.constant 1 : i32
      %dma_start3A_920 = arith.constant 0 : i32
      %dma_start3A_921 = arith.constant 0 : i32
      %dma_start3A_922 = tpu.memref_slice %arg7[%dma_start3A_917, %dma_start3A_920, %dma_start3A_921] : memref<4x128x128xf32, #tpu.memory_space<vmem>> -> memref<1x128x128xf32, #tpu.memory_space<vmem>>
      %dma_start3A_923 = tpu.memref_squeeze %dma_start3A_922 : memref<1x128x128xf32, #tpu.memory_space<vmem>> -> memref<128x128xf32, #tpu.memory_space<vmem>>
      %dma_start3A_924 = arith.constant 0 : i32
      %dma_start3A_925 = tpu.memref_slice %arg6[%dma_start3A_918, %dma_start3A_919, %dma_start3A_924] : memref<4x2x128xi32, #tpu.memory_space<vmem>> -> memref<1x1x128xi32, #tpu.memory_space<vmem>>
      %dma_start3A_926 = tpu.memref_squeeze %dma_start3A_925 : memref<1x1x128xi32, #tpu.memory_space<vmem>> -> memref<128xi32, #tpu.memory_space<vmem>>
      %dma_start3A_927 = arith.constant 0 : i32
      %dma_start3A_928 = arith.constant 0 : i32
      %dma_start3A_929 = tpu.memref_slice %arg8[%dma_start3A_927, %dma_start3A_928] : memref<5120x128xf32, #tpu.memory_space<vmem_shared>> -> memref<5120x128xf32, #tpu.memory_space<vmem_shared>>
      tpu.enqueue_indirect_dma source(%dma_start3A_923 : memref<128x128xf32, #tpu.memory_space<vmem>>) target(%dma_start3A_929 : memref<5120x128xf32, #tpu.memory_space<vmem_shared>>) offsets(%dma_start3A_926 : memref<128xi32, #tpu.memory_space<vmem>>) semaphore(%arg12 : memref<!tpu.dma_semaphore, #tpu.memory_space<semaphore_mem>>) {add = true}
      %mul3A_930 = arith.constant 4 : i32
      %mul3A_931 = arith.muli %add3A_630, %mul3A_930 : i32
      %add3A_932 = arith.constant 2 : i32
      %add3A_933 = arith.addi %add3A_932, %mul3A_931 : i32
      %add3A_934 = arith.constant 3 : i32
      %add3A_935 = arith.addi %add3A_933, %add3A_934 : i32
      %sub3A_936 = arith.constant 2 : i32
      %sub3A_937 = arith.subi %add3A_935, %sub3A_936 : i32
      %dma_wait3A_938 = arith.constant 3 : i32
      %dma_wait3A_939 = arith.constant 3 : i32
      %dma_wait3A_940 = arith.constant 1 : i32
      %dma_wait3A_941 = arith.constant 0 : i32
      %dma_wait3A_942 = arith.constant 0 : i32
      %dma_wait3A_943 = tpu.memref_slice %arg7[%dma_wait3A_938, %dma_wait3A_941, %dma_wait3A_942] : memref<4x128x128xf32, #tpu.memory_space<vmem>> -> memref<1x128x128xf32, #tpu.memory_space<vmem>>
      %dma_wait3A_944 = tpu.memref_squeeze %dma_wait3A_943 : memref<1x128x128xf32, #tpu.memory_space<vmem>> -> memref<128x128xf32, #tpu.memory_space<vmem>>
      %dma_wait3A_945 = arith.constant 0 : i32
      %dma_wait3A_946 = tpu.memref_slice %arg6[%dma_wait3A_939, %dma_wait3A_940, %dma_wait3A_945] : memref<4x2x128xi32, #tpu.memory_space<vmem>> -> memref<1x1x128xi32, #tpu.memory_space<vmem>>
      %dma_wait3A_947 = tpu.memref_squeeze %dma_wait3A_946 : memref<1x1x128xi32, #tpu.memory_space<vmem>> -> memref<128xi32, #tpu.memory_space<vmem>>
      %dma_wait3A_948 = arith.constant 0 : i32
      %dma_wait3A_949 = arith.constant 0 : i32
      %dma_wait3A_950 = tpu.memref_slice %arg8[%dma_wait3A_948, %dma_wait3A_949] : memref<5120x128xf32, #tpu.memory_space<vmem_shared>> -> memref<5120x128xf32, #tpu.memory_space<vmem_shared>>
      tpu.wait_indirect_dma semaphore(%arg12 : memref<!tpu.dma_semaphore, #tpu.memory_space<semaphore_mem>>) src(%dma_wait3A_944 : memref<128x128xf32, #tpu.memory_space<vmem>>) dst(%dma_wait3A_950 : memref<5120x128xf32, #tpu.memory_space<vmem_shared>>)
      %add3A_951 = arith.constant 1 : i32
      %add3A_952 = arith.addi %add3A_935, %add3A_951 : i32
      %dma_wait3A_953 = arith.constant 2 : i32
      %dma_wait3A_954 = arith.constant 0 : i32
      %dma_wait3A_955 = arith.constant 0 : i32
      %dma_wait3A_956 = tpu.memref_slice %arg6[%dma_wait3A_953, %dma_wait3A_954, %dma_wait3A_955] : memref<4x2x128xi32, #tpu.memory_space<vmem>> -> memref<1x2x128xi32, #tpu.memory_space<vmem>>
      %dma_wait3A_957 = tpu.memref_squeeze %dma_wait3A_956 : memref<1x2x128xi32, #tpu.memory_space<vmem>> -> memref<2x128xi32, #tpu.memory_space<vmem>>
      %dma_wait3A_958 = arith.constant 0 : i32
      %dma_wait3A_959 = arith.constant 0 : i32
      %dma_wait3A_960 = tpu.memref_slice %arg3[%add3A, %add3A_952, %dma_wait3A_958, %dma_wait3A_959] : memref<32x79x2x128xi32, #tpu.memory_space<hbm>> -> memref<1x1x2x128xi32, #tpu.memory_space<hbm>>
      %dma_wait3A_961 = tpu.memref_squeeze %dma_wait3A_960 : memref<1x1x2x128xi32, #tpu.memory_space<hbm>> -> memref<2x128xi32, #tpu.memory_space<hbm>>
      %dma_wait3A_962 = arith.constant 0 : i32
      %dma_wait3A_963 = arith.constant 0 : i32
      %dma_wait3A_964 = tpu.memref_slice %arg6[%dma_wait3A_953, %dma_wait3A_962, %dma_wait3A_963] : memref<4x2x128xi32, #tpu.memory_space<vmem>> -> memref<1x2x128xi32, #tpu.memory_space<vmem>>
      %dma_wait3A_965 = tpu.memref_squeeze %dma_wait3A_964 : memref<1x2x128xi32, #tpu.memory_space<vmem>> -> memref<2x128xi32, #tpu.memory_space<vmem>>
      %dma_wait3A_966 = arith.constant 0 : i32
      %dma_wait3A_967 = arith.constant 0 : i32
      %dma_wait3A_968 = tpu.memref_slice %arg3[%add3A, %add3A_952, %dma_wait3A_966, %dma_wait3A_967] : memref<32x79x2x128xi32, #tpu.memory_space<hbm>> -> memref<1x1x2x128xi32, #tpu.memory_space<hbm>>
      %dma_wait3A_969 = tpu.memref_squeeze %dma_wait3A_968 : memref<1x1x2x128xi32, #tpu.memory_space<hbm>> -> memref<2x128xi32, #tpu.memory_space<hbm>>
      tpu.wait_dma2 semaphore(%arg9 : memref<!tpu.dma_semaphore, #tpu.memory_space<semaphore_mem>>) src(%dma_wait3A_969 : memref<2x128xi32, #tpu.memory_space<hbm>>) dst(%dma_wait3A_965 : memref<2x128xi32, #tpu.memory_space<vmem>>)
      %add3A_970 = arith.constant 1 : i32
      %add3A_971 = arith.addi %add3A_935, %add3A_970 : i32
      %dma_start3A_972 = arith.constant 2 : i32
      %dma_start3A_973 = arith.constant 0 : i32
      %dma_start3A_974 = arith.constant 2 : i32
      %dma_start3A_975 = arith.constant 0 : i32
      %dma_start3A_976 = arith.constant 0 : i32
      %dma_start3A_977 = tpu.memref_slice %arg7[%dma_start3A_974, %dma_start3A_975, %dma_start3A_976] : memref<4x128x128xf32, #tpu.memory_space<vmem>> -> memref<1x128x128xf32, #tpu.memory_space<vmem>>
      %dma_start3A_978 = tpu.memref_squeeze %dma_start3A_977 : memref<1x128x128xf32, #tpu.memory_space<vmem>> -> memref<128x128xf32, #tpu.memory_space<vmem>>
      %dma_start3A_979 = arith.constant 0 : i32
      %dma_start3A_980 = tpu.memref_slice %arg6[%dma_start3A_972, %dma_start3A_973, %dma_start3A_979] : memref<4x2x128xi32, #tpu.memory_space<vmem>> -> memref<1x1x128xi32, #tpu.memory_space<vmem>>
      %dma_start3A_981 = tpu.memref_squeeze %dma_start3A_980 : memref<1x1x128xi32, #tpu.memory_space<vmem>> -> memref<128xi32, #tpu.memory_space<vmem>>
      %dma_start3A_982 = arith.constant 0 : i32
      %dma_start3A_983 = arith.constant 0 : i32
      %dma_start3A_984 = tpu.memref_slice %arg2[%dma_start3A_982, %dma_start3A_983] : memref<10112x128xf32, #tpu.memory_space<hbm>> -> memref<10112x128xf32, #tpu.memory_space<hbm>>
      tpu.enqueue_indirect_dma source(%dma_start3A_984 : memref<10112x128xf32, #tpu.memory_space<hbm>>) target(%dma_start3A_978 : memref<128x128xf32, #tpu.memory_space<vmem>>) offsets(%dma_start3A_981 : memref<128xi32, #tpu.memory_space<vmem>>) semaphore(%arg10 : memref<!tpu.dma_semaphore, #tpu.memory_space<semaphore_mem>>)
      %add3A_985 = arith.constant 2 : i32
      %add3A_986 = arith.addi %add3A_935, %add3A_985 : i32
      %dma_start3A_987 = arith.constant 3 : i32
      %dma_start3A_988 = arith.constant 0 : i32
      %dma_start3A_989 = arith.constant 0 : i32
      %dma_start3A_990 = tpu.memref_slice %arg6[%dma_start3A_987, %dma_start3A_988, %dma_start3A_989] : memref<4x2x128xi32, #tpu.memory_space<vmem>> -> memref<1x2x128xi32, #tpu.memory_space<vmem>>
      %dma_start3A_991 = tpu.memref_squeeze %dma_start3A_990 : memref<1x2x128xi32, #tpu.memory_space<vmem>> -> memref<2x128xi32, #tpu.memory_space<vmem>>
      %dma_start3A_992 = arith.constant 0 : i32
      %dma_start3A_993 = arith.constant 0 : i32
      %dma_start3A_994 = tpu.memref_slice %arg3[%add3A, %add3A_986, %dma_start3A_992, %dma_start3A_993] : memref<32x79x2x128xi32, #tpu.memory_space<hbm>> -> memref<1x1x2x128xi32, #tpu.memory_space<hbm>>
      %dma_start3A_995 = tpu.memref_squeeze %dma_start3A_994 : memref<1x1x2x128xi32, #tpu.memory_space<hbm>> -> memref<2x128xi32, #tpu.memory_space<hbm>>
      %dma_start3A_996 = arith.constant 0 : i32
      %dma_start3A_997 = arith.constant 0 : i32
      %dma_start3A_998 = tpu.memref_slice %arg6[%dma_start3A_987, %dma_start3A_996, %dma_start3A_997] : memref<4x2x128xi32, #tpu.memory_space<vmem>> -> memref<1x2x128xi32, #tpu.memory_space<vmem>>
      %dma_start3A_999 = tpu.memref_squeeze %dma_start3A_998 : memref<1x2x128xi32, #tpu.memory_space<vmem>> -> memref<2x128xi32, #tpu.memory_space<vmem>>
      %dma_start3A_1000 = arith.constant 0 : i32
      %dma_start3A_1001 = arith.constant 0 : i32
      %dma_start3A_1002 = tpu.memref_slice %arg3[%add3A, %add3A_986, %dma_start3A_1000, %dma_start3A_1001] : memref<32x79x2x128xi32, #tpu.memory_space<hbm>> -> memref<1x1x2x128xi32, #tpu.memory_space<hbm>>
      %dma_start3A_1003 = tpu.memref_squeeze %dma_start3A_1002 : memref<1x1x2x128xi32, #tpu.memory_space<hbm>> -> memref<2x128xi32, #tpu.memory_space<hbm>>
      tpu.enqueue_dma source(%dma_start3A_1003 : memref<2x128xi32, #tpu.memory_space<hbm>>) target(%dma_start3A_999 : memref<2x128xi32, #tpu.memory_space<vmem>>) target_semaphore(%arg9 : memref<!tpu.dma_semaphore, #tpu.memory_space<semaphore_mem>>)
      %dma_wait3A_1004 = arith.constant 1 : i32
      %dma_wait3A_1005 = arith.constant 0 : i32
      %dma_wait3A_1006 = arith.constant 1 : i32
      %dma_wait3A_1007 = arith.constant 0 : i32
      %dma_wait3A_1008 = arith.constant 0 : i32
      %dma_wait3A_1009 = tpu.memref_slice %arg7[%dma_wait3A_1006, %dma_wait3A_1007, %dma_wait3A_1008] : memref<4x128x128xf32, #tpu.memory_space<vmem>> -> memref<1x128x128xf32, #tpu.memory_space<vmem>>
      %dma_wait3A_1010 = tpu.memref_squeeze %dma_wait3A_1009 : memref<1x128x128xf32, #tpu.memory_space<vmem>> -> memref<128x128xf32, #tpu.memory_space<vmem>>
      %dma_wait3A_1011 = arith.constant 0 : i32
      %dma_wait3A_1012 = tpu.memref_slice %arg6[%dma_wait3A_1004, %dma_wait3A_1005, %dma_wait3A_1011] : memref<4x2x128xi32, #tpu.memory_space<vmem>> -> memref<1x1x128xi32, #tpu.memory_space<vmem>>
      %dma_wait3A_1013 = tpu.memref_squeeze %dma_wait3A_1012 : memref<1x1x128xi32, #tpu.memory_space<vmem>> -> memref<128xi32, #tpu.memory_space<vmem>>
      %dma_wait3A_1014 = arith.constant 0 : i32
      %dma_wait3A_1015 = arith.constant 0 : i32
      %dma_wait3A_1016 = tpu.memref_slice %arg2[%dma_wait3A_1014, %dma_wait3A_1015] : memref<10112x128xf32, #tpu.memory_space<hbm>> -> memref<10112x128xf32, #tpu.memory_space<hbm>>
      tpu.wait_indirect_dma semaphore(%arg11 : memref<!tpu.dma_semaphore, #tpu.memory_space<semaphore_mem>>) src(%dma_wait3A_1016 : memref<10112x128xf32, #tpu.memory_space<hbm>>) dst(%dma_wait3A_1010 : memref<128x128xf32, #tpu.memory_space<vmem>>)
      %dma_start3A_1017 = arith.constant 1 : i32
      %dma_start3A_1018 = arith.constant 1 : i32
      %dma_start3A_1019 = arith.constant 1 : i32
      %dma_start3A_1020 = arith.constant 0 : i32
      %dma_start3A_1021 = arith.constant 0 : i32
      %dma_start3A_1022 = tpu.memref_slice %arg7[%dma_start3A_1017, %dma_start3A_1020, %dma_start3A_1021] : memref<4x128x128xf32, #tpu.memory_space<vmem>> -> memref<1x128x128xf32, #tpu.memory_space<vmem>>
      %dma_start3A_1023 = tpu.memref_squeeze %dma_start3A_1022 : memref<1x128x128xf32, #tpu.memory_space<vmem>> -> memref<128x128xf32, #tpu.memory_space<vmem>>
      %dma_start3A_1024 = arith.constant 0 : i32
      %dma_start3A_1025 = tpu.memref_slice %arg6[%dma_start3A_1018, %dma_start3A_1019, %dma_start3A_1024] : memref<4x2x128xi32, #tpu.memory_space<vmem>> -> memref<1x1x128xi32, #tpu.memory_space<vmem>>
      %dma_start3A_1026 = tpu.memref_squeeze %dma_start3A_1025 : memref<1x1x128xi32, #tpu.memory_space<vmem>> -> memref<128xi32, #tpu.memory_space<vmem>>
      %dma_start3A_1027 = arith.constant 0 : i32
      %dma_start3A_1028 = arith.constant 0 : i32
      %dma_start3A_1029 = tpu.memref_slice %arg8[%dma_start3A_1027, %dma_start3A_1028] : memref<5120x128xf32, #tpu.memory_space<vmem_shared>> -> memref<5120x128xf32, #tpu.memory_space<vmem_shared>>
      tpu.enqueue_indirect_dma source(%dma_start3A_1023 : memref<128x128xf32, #tpu.memory_space<vmem>>) target(%dma_start3A_1029 : memref<5120x128xf32, #tpu.memory_space<vmem_shared>>) offsets(%dma_start3A_1026 : memref<128xi32, #tpu.memory_space<vmem>>) semaphore(%arg12 : memref<!tpu.dma_semaphore, #tpu.memory_space<semaphore_mem>>) {add = true}
    }
    %scan3A_221 = arith.constant 18 : i32
    %dma_wait3A_222 = arith.constant 0 : i32
    %dma_wait3A_223 = arith.constant 0 : i32
    %dma_wait3A_224 = arith.constant 1 : i32
    %dma_wait3A_225 = arith.constant 0 : i32
    %dma_wait3A_226 = arith.constant 0 : i32
    %dma_wait3A_227 = tpu.memref_slice %arg7[%dma_wait3A_222, %dma_wait3A_225, %dma_wait3A_226] : memref<4x128x128xf32, #tpu.memory_space<vmem>> -> memref<1x128x128xf32, #tpu.memory_space<vmem>>
    %dma_wait3A_228 = tpu.memref_squeeze %dma_wait3A_227 : memref<1x128x128xf32, #tpu.memory_space<vmem>> -> memref<128x128xf32, #tpu.memory_space<vmem>>
    %dma_wait3A_229 = arith.constant 0 : i32
    %dma_wait3A_230 = tpu.memref_slice %arg6[%dma_wait3A_223, %dma_wait3A_224, %dma_wait3A_229] : memref<4x2x128xi32, #tpu.memory_space<vmem>> -> memref<1x1x128xi32, #tpu.memory_space<vmem>>
    %dma_wait3A_231 = tpu.memref_squeeze %dma_wait3A_230 : memref<1x1x128xi32, #tpu.memory_space<vmem>> -> memref<128xi32, #tpu.memory_space<vmem>>
    %dma_wait3A_232 = arith.constant 0 : i32
    %dma_wait3A_233 = arith.constant 0 : i32
    %dma_wait3A_234 = tpu.memref_slice %arg8[%dma_wait3A_232, %dma_wait3A_233] : memref<5120x128xf32, #tpu.memory_space<vmem_shared>> -> memref<5120x128xf32, #tpu.memory_space<vmem_shared>>
    tpu.wait_indirect_dma semaphore(%arg12 : memref<!tpu.dma_semaphore, #tpu.memory_space<semaphore_mem>>) src(%dma_wait3A_228 : memref<128x128xf32, #tpu.memory_space<vmem>>) dst(%dma_wait3A_234 : memref<5120x128xf32, #tpu.memory_space<vmem_shared>>)
    %dma_wait3A_235 = arith.constant 75 : i32
    %dma_wait3A_236 = arith.constant 3 : i32
    %dma_wait3A_237 = arith.constant 0 : i32
    %dma_wait3A_238 = arith.constant 0 : i32
    %dma_wait3A_239 = tpu.memref_slice %arg6[%dma_wait3A_236, %dma_wait3A_237, %dma_wait3A_238] : memref<4x2x128xi32, #tpu.memory_space<vmem>> -> memref<1x2x128xi32, #tpu.memory_space<vmem>>
    %dma_wait3A_240 = tpu.memref_squeeze %dma_wait3A_239 : memref<1x2x128xi32, #tpu.memory_space<vmem>> -> memref<2x128xi32, #tpu.memory_space<vmem>>
    %dma_wait3A_241 = arith.constant 0 : i32
    %dma_wait3A_242 = arith.constant 0 : i32
    %dma_wait3A_243 = tpu.memref_slice %arg3[%add3A, %dma_wait3A_235, %dma_wait3A_241, %dma_wait3A_242] : memref<32x79x2x128xi32, #tpu.memory_space<hbm>> -> memref<1x1x2x128xi32, #tpu.memory_space<hbm>>
    %dma_wait3A_244 = tpu.memref_squeeze %dma_wait3A_243 : memref<1x1x2x128xi32, #tpu.memory_space<hbm>> -> memref<2x128xi32, #tpu.memory_space<hbm>>
    %dma_wait3A_245 = arith.constant 0 : i32
    %dma_wait3A_246 = arith.constant 0 : i32
    %dma_wait3A_247 = tpu.memref_slice %arg6[%dma_wait3A_236, %dma_wait3A_245, %dma_wait3A_246] : memref<4x2x128xi32, #tpu.memory_space<vmem>> -> memref<1x2x128xi32, #tpu.memory_space<vmem>>
    %dma_wait3A_248 = tpu.memref_squeeze %dma_wait3A_247 : memref<1x2x128xi32, #tpu.memory_space<vmem>> -> memref<2x128xi32, #tpu.memory_space<vmem>>
    %dma_wait3A_249 = arith.constant 0 : i32
    %dma_wait3A_250 = arith.constant 0 : i32
    %dma_wait3A_251 = tpu.memref_slice %arg3[%add3A, %dma_wait3A_235, %dma_wait3A_249, %dma_wait3A_250] : memref<32x79x2x128xi32, #tpu.memory_space<hbm>> -> memref<1x1x2x128xi32, #tpu.memory_space<hbm>>
    %dma_wait3A_252 = tpu.memref_squeeze %dma_wait3A_251 : memref<1x1x2x128xi32, #tpu.memory_space<hbm>> -> memref<2x128xi32, #tpu.memory_space<hbm>>
    tpu.wait_dma2 semaphore(%arg9 : memref<!tpu.dma_semaphore, #tpu.memory_space<semaphore_mem>>) src(%dma_wait3A_252 : memref<2x128xi32, #tpu.memory_space<hbm>>) dst(%dma_wait3A_248 : memref<2x128xi32, #tpu.memory_space<vmem>>)
    %dma_start3A_253 = arith.constant 3 : i32
    %dma_start3A_254 = arith.constant 0 : i32
    %dma_start3A_255 = arith.constant 3 : i32
    %dma_start3A_256 = arith.constant 0 : i32
    %dma_start3A_257 = arith.constant 0 : i32
    %dma_start3A_258 = tpu.memref_slice %arg7[%dma_start3A_255, %dma_start3A_256, %dma_start3A_257] : memref<4x128x128xf32, #tpu.memory_space<vmem>> -> memref<1x128x128xf32, #tpu.memory_space<vmem>>
    %dma_start3A_259 = tpu.memref_squeeze %dma_start3A_258 : memref<1x128x128xf32, #tpu.memory_space<vmem>> -> memref<128x128xf32, #tpu.memory_space<vmem>>
    %dma_start3A_260 = arith.constant 0 : i32
    %dma_start3A_261 = tpu.memref_slice %arg6[%dma_start3A_253, %dma_start3A_254, %dma_start3A_260] : memref<4x2x128xi32, #tpu.memory_space<vmem>> -> memref<1x1x128xi32, #tpu.memory_space<vmem>>
    %dma_start3A_262 = tpu.memref_squeeze %dma_start3A_261 : memref<1x1x128xi32, #tpu.memory_space<vmem>> -> memref<128xi32, #tpu.memory_space<vmem>>
    %dma_start3A_263 = arith.constant 0 : i32
    %dma_start3A_264 = arith.constant 0 : i32
    %dma_start3A_265 = tpu.memref_slice %arg2[%dma_start3A_263, %dma_start3A_264] : memref<10112x128xf32, #tpu.memory_space<hbm>> -> memref<10112x128xf32, #tpu.memory_space<hbm>>
    tpu.enqueue_indirect_dma source(%dma_start3A_265 : memref<10112x128xf32, #tpu.memory_space<hbm>>) target(%dma_start3A_259 : memref<128x128xf32, #tpu.memory_space<vmem>>) offsets(%dma_start3A_262 : memref<128xi32, #tpu.memory_space<vmem>>) semaphore(%arg11 : memref<!tpu.dma_semaphore, #tpu.memory_space<semaphore_mem>>)
    %dma_start3A_266 = arith.constant 76 : i32
    %dma_start3A_267 = arith.constant 0 : i32
    %dma_start3A_268 = arith.constant 0 : i32
    %dma_start3A_269 = arith.constant 0 : i32
    %dma_start3A_270 = tpu.memref_slice %arg6[%dma_start3A_267, %dma_start3A_268, %dma_start3A_269] : memref<4x2x128xi32, #tpu.memory_space<vmem>> -> memref<1x2x128xi32, #tpu.memory_space<vmem>>
    %dma_start3A_271 = tpu.memref_squeeze %dma_start3A_270 : memref<1x2x128xi32, #tpu.memory_space<vmem>> -> memref<2x128xi32, #tpu.memory_space<vmem>>
    %dma_start3A_272 = arith.constant 0 : i32
    %dma_start3A_273 = arith.constant 0 : i32
    %dma_start3A_274 = tpu.memref_slice %arg3[%add3A, %dma_start3A_266, %dma_start3A_272, %dma_start3A_273] : memref<32x79x2x128xi32, #tpu.memory_space<hbm>> -> memref<1x1x2x128xi32, #tpu.memory_space<hbm>>
    %dma_start3A_275 = tpu.memref_squeeze %dma_start3A_274 : memref<1x1x2x128xi32, #tpu.memory_space<hbm>> -> memref<2x128xi32, #tpu.memory_space<hbm>>
    %dma_start3A_276 = arith.constant 0 : i32
    %dma_start3A_277 = arith.constant 0 : i32
    %dma_start3A_278 = tpu.memref_slice %arg6[%dma_start3A_267, %dma_start3A_276, %dma_start3A_277] : memref<4x2x128xi32, #tpu.memory_space<vmem>> -> memref<1x2x128xi32, #tpu.memory_space<vmem>>
    %dma_start3A_279 = tpu.memref_squeeze %dma_start3A_278 : memref<1x2x128xi32, #tpu.memory_space<vmem>> -> memref<2x128xi32, #tpu.memory_space<vmem>>
    %dma_start3A_280 = arith.constant 0 : i32
    %dma_start3A_281 = arith.constant 0 : i32
    %dma_start3A_282 = tpu.memref_slice %arg3[%add3A, %dma_start3A_266, %dma_start3A_280, %dma_start3A_281] : memref<32x79x2x128xi32, #tpu.memory_space<hbm>> -> memref<1x1x2x128xi32, #tpu.memory_space<hbm>>
    %dma_start3A_283 = tpu.memref_squeeze %dma_start3A_282 : memref<1x1x2x128xi32, #tpu.memory_space<hbm>> -> memref<2x128xi32, #tpu.memory_space<hbm>>
    tpu.enqueue_dma source(%dma_start3A_283 : memref<2x128xi32, #tpu.memory_space<hbm>>) target(%dma_start3A_279 : memref<2x128xi32, #tpu.memory_space<vmem>>) target_semaphore(%arg9 : memref<!tpu.dma_semaphore, #tpu.memory_space<semaphore_mem>>)
    %dma_wait3A_284 = arith.constant 2 : i32
    %dma_wait3A_285 = arith.constant 0 : i32
    %dma_wait3A_286 = arith.constant 2 : i32
    %dma_wait3A_287 = arith.constant 0 : i32
    %dma_wait3A_288 = arith.constant 0 : i32
    %dma_wait3A_289 = tpu.memref_slice %arg7[%dma_wait3A_286, %dma_wait3A_287, %dma_wait3A_288] : memref<4x128x128xf32, #tpu.memory_space<vmem>> -> memref<1x128x128xf32, #tpu.memory_space<vmem>>
    %dma_wait3A_290 = tpu.memref_squeeze %dma_wait3A_289 : memref<1x128x128xf32, #tpu.memory_space<vmem>> -> memref<128x128xf32, #tpu.memory_space<vmem>>
    %dma_wait3A_291 = arith.constant 0 : i32
    %dma_wait3A_292 = tpu.memref_slice %arg6[%dma_wait3A_284, %dma_wait3A_285, %dma_wait3A_291] : memref<4x2x128xi32, #tpu.memory_space<vmem>> -> memref<1x1x128xi32, #tpu.memory_space<vmem>>
    %dma_wait3A_293 = tpu.memref_squeeze %dma_wait3A_292 : memref<1x1x128xi32, #tpu.memory_space<vmem>> -> memref<128xi32, #tpu.memory_space<vmem>>
    %dma_wait3A_294 = arith.constant 0 : i32
    %dma_wait3A_295 = arith.constant 0 : i32
    %dma_wait3A_296 = tpu.memref_slice %arg2[%dma_wait3A_294, %dma_wait3A_295] : memref<10112x128xf32, #tpu.memory_space<hbm>> -> memref<10112x128xf32, #tpu.memory_space<hbm>>
    tpu.wait_indirect_dma semaphore(%arg10 : memref<!tpu.dma_semaphore, #tpu.memory_space<semaphore_mem>>) src(%dma_wait3A_296 : memref<10112x128xf32, #tpu.memory_space<hbm>>) dst(%dma_wait3A_290 : memref<128x128xf32, #tpu.memory_space<vmem>>)
    %dma_start3A_297 = arith.constant 2 : i32
    %dma_start3A_298 = arith.constant 2 : i32
    %dma_start3A_299 = arith.constant 1 : i32
    %dma_start3A_300 = arith.constant 0 : i32
    %dma_start3A_301 = arith.constant 0 : i32
    %dma_start3A_302 = tpu.memref_slice %arg7[%dma_start3A_297, %dma_start3A_300, %dma_start3A_301] : memref<4x128x128xf32, #tpu.memory_space<vmem>> -> memref<1x128x128xf32, #tpu.memory_space<vmem>>
    %dma_start3A_303 = tpu.memref_squeeze %dma_start3A_302 : memref<1x128x128xf32, #tpu.memory_space<vmem>> -> memref<128x128xf32, #tpu.memory_space<vmem>>
    %dma_start3A_304 = arith.constant 0 : i32
    %dma_start3A_305 = tpu.memref_slice %arg6[%dma_start3A_298, %dma_start3A_299, %dma_start3A_304] : memref<4x2x128xi32, #tpu.memory_space<vmem>> -> memref<1x1x128xi32, #tpu.memory_space<vmem>>
    %dma_start3A_306 = tpu.memref_squeeze %dma_start3A_305 : memref<1x1x128xi32, #tpu.memory_space<vmem>> -> memref<128xi32, #tpu.memory_space<vmem>>
    %dma_start3A_307 = arith.constant 0 : i32
    %dma_start3A_308 = arith.constant 0 : i32
    %dma_start3A_309 = tpu.memref_slice %arg8[%dma_start3A_307, %dma_start3A_308] : memref<5120x128xf32, #tpu.memory_space<vmem_shared>> -> memref<5120x128xf32, #tpu.memory_space<vmem_shared>>
    tpu.enqueue_indirect_dma source(%dma_start3A_303 : memref<128x128xf32, #tpu.memory_space<vmem>>) target(%dma_start3A_309 : memref<5120x128xf32, #tpu.memory_space<vmem_shared>>) offsets(%dma_start3A_306 : memref<128xi32, #tpu.memory_space<vmem>>) semaphore(%arg12 : memref<!tpu.dma_semaphore, #tpu.memory_space<semaphore_mem>>) {add = true}
    %dma_wait3A_310 = arith.constant 1 : i32
    %dma_wait3A_311 = arith.constant 1 : i32
    %dma_wait3A_312 = arith.constant 1 : i32
    %dma_wait3A_313 = arith.constant 0 : i32
    %dma_wait3A_314 = arith.constant 0 : i32
    %dma_wait3A_315 = tpu.memref_slice %arg7[%dma_wait3A_310, %dma_wait3A_313, %dma_wait3A_314] : memref<4x128x128xf32, #tpu.memory_space<vmem>> -> memref<1x128x128xf32, #tpu.memory_space<vmem>>
    %dma_wait3A_316 = tpu.memref_squeeze %dma_wait3A_315 : memref<1x128x128xf32, #tpu.memory_space<vmem>> -> memref<128x128xf32, #tpu.memory_space<vmem>>
    %dma_wait3A_317 = arith.constant 0 : i32
    %dma_wait3A_318 = tpu.memref_slice %arg6[%dma_wait3A_311, %dma_wait3A_312, %dma_wait3A_317] : memref<4x2x128xi32, #tpu.memory_space<vmem>> -> memref<1x1x128xi32, #tpu.memory_space<vmem>>
    %dma_wait3A_319 = tpu.memref_squeeze %dma_wait3A_318 : memref<1x1x128xi32, #tpu.memory_space<vmem>> -> memref<128xi32, #tpu.memory_space<vmem>>
    %dma_wait3A_320 = arith.constant 0 : i32
    %dma_wait3A_321 = arith.constant 0 : i32
    %dma_wait3A_322 = tpu.memref_slice %arg8[%dma_wait3A_320, %dma_wait3A_321] : memref<5120x128xf32, #tpu.memory_space<vmem_shared>> -> memref<5120x128xf32, #tpu.memory_space<vmem_shared>>
    tpu.wait_indirect_dma semaphore(%arg12 : memref<!tpu.dma_semaphore, #tpu.memory_space<semaphore_mem>>) src(%dma_wait3A_316 : memref<128x128xf32, #tpu.memory_space<vmem>>) dst(%dma_wait3A_322 : memref<5120x128xf32, #tpu.memory_space<vmem_shared>>)
    %dma_wait3A_323 = arith.constant 76 : i32
    %dma_wait3A_324 = arith.constant 0 : i32
    %dma_wait3A_325 = arith.constant 0 : i32
    %dma_wait3A_326 = arith.constant 0 : i32
    %dma_wait3A_327 = tpu.memref_slice %arg6[%dma_wait3A_324, %dma_wait3A_325, %dma_wait3A_326] : memref<4x2x128xi32, #tpu.memory_space<vmem>> -> memref<1x2x128xi32, #tpu.memory_space<vmem>>
    %dma_wait3A_328 = tpu.memref_squeeze %dma_wait3A_327 : memref<1x2x128xi32, #tpu.memory_space<vmem>> -> memref<2x128xi32, #tpu.memory_space<vmem>>
    %dma_wait3A_329 = arith.constant 0 : i32
    %dma_wait3A_330 = arith.constant 0 : i32
    %dma_wait3A_331 = tpu.memref_slice %arg3[%add3A, %dma_wait3A_323, %dma_wait3A_329, %dma_wait3A_330] : memref<32x79x2x128xi32, #tpu.memory_space<hbm>> -> memref<1x1x2x128xi32, #tpu.memory_space<hbm>>
    %dma_wait3A_332 = tpu.memref_squeeze %dma_wait3A_331 : memref<1x1x2x128xi32, #tpu.memory_space<hbm>> -> memref<2x128xi32, #tpu.memory_space<hbm>>
    %dma_wait3A_333 = arith.constant 0 : i32
    %dma_wait3A_334 = arith.constant 0 : i32
    %dma_wait3A_335 = tpu.memref_slice %arg6[%dma_wait3A_324, %dma_wait3A_333, %dma_wait3A_334] : memref<4x2x128xi32, #tpu.memory_space<vmem>> -> memref<1x2x128xi32, #tpu.memory_space<vmem>>
    %dma_wait3A_336 = tpu.memref_squeeze %dma_wait3A_335 : memref<1x2x128xi32, #tpu.memory_space<vmem>> -> memref<2x128xi32, #tpu.memory_space<vmem>>
    %dma_wait3A_337 = arith.constant 0 : i32
    %dma_wait3A_338 = arith.constant 0 : i32
    %dma_wait3A_339 = tpu.memref_slice %arg3[%add3A, %dma_wait3A_323, %dma_wait3A_337, %dma_wait3A_338] : memref<32x79x2x128xi32, #tpu.memory_space<hbm>> -> memref<1x1x2x128xi32, #tpu.memory_space<hbm>>
    %dma_wait3A_340 = tpu.memref_squeeze %dma_wait3A_339 : memref<1x1x2x128xi32, #tpu.memory_space<hbm>> -> memref<2x128xi32, #tpu.memory_space<hbm>>
    tpu.wait_dma2 semaphore(%arg9 : memref<!tpu.dma_semaphore, #tpu.memory_space<semaphore_mem>>) src(%dma_wait3A_340 : memref<2x128xi32, #tpu.memory_space<hbm>>) dst(%dma_wait3A_336 : memref<2x128xi32, #tpu.memory_space<vmem>>)
    %dma_start3A_341 = arith.constant 0 : i32
    %dma_start3A_342 = arith.constant 0 : i32
    %dma_start3A_343 = arith.constant 0 : i32
    %dma_start3A_344 = arith.constant 0 : i32
    %dma_start3A_345 = arith.constant 0 : i32
    %dma_start3A_346 = tpu.memref_slice %arg7[%dma_start3A_343, %dma_start3A_344, %dma_start3A_345] : memref<4x128x128xf32, #tpu.memory_space<vmem>> -> memref<1x128x128xf32, #tpu.memory_space<vmem>>
    %dma_start3A_347 = tpu.memref_squeeze %dma_start3A_346 : memref<1x128x128xf32, #tpu.memory_space<vmem>> -> memref<128x128xf32, #tpu.memory_space<vmem>>
    %dma_start3A_348 = arith.constant 0 : i32
    %dma_start3A_349 = tpu.memref_slice %arg6[%dma_start3A_341, %dma_start3A_342, %dma_start3A_348] : memref<4x2x128xi32, #tpu.memory_space<vmem>> -> memref<1x1x128xi32, #tpu.memory_space<vmem>>
    %dma_start3A_350 = tpu.memref_squeeze %dma_start3A_349 : memref<1x1x128xi32, #tpu.memory_space<vmem>> -> memref<128xi32, #tpu.memory_space<vmem>>
    %dma_start3A_351 = arith.constant 0 : i32
    %dma_start3A_352 = arith.constant 0 : i32
    %dma_start3A_353 = tpu.memref_slice %arg2[%dma_start3A_351, %dma_start3A_352] : memref<10112x128xf32, #tpu.memory_space<hbm>> -> memref<10112x128xf32, #tpu.memory_space<hbm>>
    tpu.enqueue_indirect_dma source(%dma_start3A_353 : memref<10112x128xf32, #tpu.memory_space<hbm>>) target(%dma_start3A_347 : memref<128x128xf32, #tpu.memory_space<vmem>>) offsets(%dma_start3A_350 : memref<128xi32, #tpu.memory_space<vmem>>) semaphore(%arg10 : memref<!tpu.dma_semaphore, #tpu.memory_space<semaphore_mem>>)
    %dma_start3A_354 = arith.constant 77 : i32
    %dma_start3A_355 = arith.constant 1 : i32
    %dma_start3A_356 = arith.constant 0 : i32
    %dma_start3A_357 = arith.constant 0 : i32
    %dma_start3A_358 = tpu.memref_slice %arg6[%dma_start3A_355, %dma_start3A_356, %dma_start3A_357] : memref<4x2x128xi32, #tpu.memory_space<vmem>> -> memref<1x2x128xi32, #tpu.memory_space<vmem>>
    %dma_start3A_359 = tpu.memref_squeeze %dma_start3A_358 : memref<1x2x128xi32, #tpu.memory_space<vmem>> -> memref<2x128xi32, #tpu.memory_space<vmem>>
    %dma_start3A_360 = arith.constant 0 : i32
    %dma_start3A_361 = arith.constant 0 : i32
    %dma_start3A_362 = tpu.memref_slice %arg3[%add3A, %dma_start3A_354, %dma_start3A_360, %dma_start3A_361] : memref<32x79x2x128xi32, #tpu.memory_space<hbm>> -> memref<1x1x2x128xi32, #tpu.memory_space<hbm>>
    %dma_start3A_363 = tpu.memref_squeeze %dma_start3A_362 : memref<1x1x2x128xi32, #tpu.memory_space<hbm>> -> memref<2x128xi32, #tpu.memory_space<hbm>>
    %dma_start3A_364 = arith.constant 0 : i32
    %dma_start3A_365 = arith.constant 0 : i32
    %dma_start3A_366 = tpu.memref_slice %arg6[%dma_start3A_355, %dma_start3A_364, %dma_start3A_365] : memref<4x2x128xi32, #tpu.memory_space<vmem>> -> memref<1x2x128xi32, #tpu.memory_space<vmem>>
    %dma_start3A_367 = tpu.memref_squeeze %dma_start3A_366 : memref<1x2x128xi32, #tpu.memory_space<vmem>> -> memref<2x128xi32, #tpu.memory_space<vmem>>
    %dma_start3A_368 = arith.constant 0 : i32
    %dma_start3A_369 = arith.constant 0 : i32
    %dma_start3A_370 = tpu.memref_slice %arg3[%add3A, %dma_start3A_354, %dma_start3A_368, %dma_start3A_369] : memref<32x79x2x128xi32, #tpu.memory_space<hbm>> -> memref<1x1x2x128xi32, #tpu.memory_space<hbm>>
    %dma_start3A_371 = tpu.memref_squeeze %dma_start3A_370 : memref<1x1x2x128xi32, #tpu.memory_space<hbm>> -> memref<2x128xi32, #tpu.memory_space<hbm>>
    tpu.enqueue_dma source(%dma_start3A_371 : memref<2x128xi32, #tpu.memory_space<hbm>>) target(%dma_start3A_367 : memref<2x128xi32, #tpu.memory_space<vmem>>) target_semaphore(%arg9 : memref<!tpu.dma_semaphore, #tpu.memory_space<semaphore_mem>>)
    %dma_wait3A_372 = arith.constant 3 : i32
    %dma_wait3A_373 = arith.constant 0 : i32
    %dma_wait3A_374 = arith.constant 3 : i32
    %dma_wait3A_375 = arith.constant 0 : i32
    %dma_wait3A_376 = arith.constant 0 : i32
    %dma_wait3A_377 = tpu.memref_slice %arg7[%dma_wait3A_374, %dma_wait3A_375, %dma_wait3A_376] : memref<4x128x128xf32, #tpu.memory_space<vmem>> -> memref<1x128x128xf32, #tpu.memory_space<vmem>>
    %dma_wait3A_378 = tpu.memref_squeeze %dma_wait3A_377 : memref<1x128x128xf32, #tpu.memory_space<vmem>> -> memref<128x128xf32, #tpu.memory_space<vmem>>
    %dma_wait3A_379 = arith.constant 0 : i32
    %dma_wait3A_380 = tpu.memref_slice %arg6[%dma_wait3A_372, %dma_wait3A_373, %dma_wait3A_379] : memref<4x2x128xi32, #tpu.memory_space<vmem>> -> memref<1x1x128xi32, #tpu.memory_space<vmem>>
    %dma_wait3A_381 = tpu.memref_squeeze %dma_wait3A_380 : memref<1x1x128xi32, #tpu.memory_space<vmem>> -> memref<128xi32, #tpu.memory_space<vmem>>
    %dma_wait3A_382 = arith.constant 0 : i32
    %dma_wait3A_383 = arith.constant 0 : i32
    %dma_wait3A_384 = tpu.memref_slice %arg2[%dma_wait3A_382, %dma_wait3A_383] : memref<10112x128xf32, #tpu.memory_space<hbm>> -> memref<10112x128xf32, #tpu.memory_space<hbm>>
    tpu.wait_indirect_dma semaphore(%arg11 : memref<!tpu.dma_semaphore, #tpu.memory_space<semaphore_mem>>) src(%dma_wait3A_384 : memref<10112x128xf32, #tpu.memory_space<hbm>>) dst(%dma_wait3A_378 : memref<128x128xf32, #tpu.memory_space<vmem>>)
    %dma_start3A_385 = arith.constant 3 : i32
    %dma_start3A_386 = arith.constant 3 : i32
    %dma_start3A_387 = arith.constant 1 : i32
    %dma_start3A_388 = arith.constant 0 : i32
    %dma_start3A_389 = arith.constant 0 : i32
    %dma_start3A_390 = tpu.memref_slice %arg7[%dma_start3A_385, %dma_start3A_388, %dma_start3A_389] : memref<4x128x128xf32, #tpu.memory_space<vmem>> -> memref<1x128x128xf32, #tpu.memory_space<vmem>>
    %dma_start3A_391 = tpu.memref_squeeze %dma_start3A_390 : memref<1x128x128xf32, #tpu.memory_space<vmem>> -> memref<128x128xf32, #tpu.memory_space<vmem>>
    %dma_start3A_392 = arith.constant 0 : i32
    %dma_start3A_393 = tpu.memref_slice %arg6[%dma_start3A_386, %dma_start3A_387, %dma_start3A_392] : memref<4x2x128xi32, #tpu.memory_space<vmem>> -> memref<1x1x128xi32, #tpu.memory_space<vmem>>
    %dma_start3A_394 = tpu.memref_squeeze %dma_start3A_393 : memref<1x1x128xi32, #tpu.memory_space<vmem>> -> memref<128xi32, #tpu.memory_space<vmem>>
    %dma_start3A_395 = arith.constant 0 : i32
    %dma_start3A_396 = arith.constant 0 : i32
    %dma_start3A_397 = tpu.memref_slice %arg8[%dma_start3A_395, %dma_start3A_396] : memref<5120x128xf32, #tpu.memory_space<vmem_shared>> -> memref<5120x128xf32, #tpu.memory_space<vmem_shared>>
    tpu.enqueue_indirect_dma source(%dma_start3A_391 : memref<128x128xf32, #tpu.memory_space<vmem>>) target(%dma_start3A_397 : memref<5120x128xf32, #tpu.memory_space<vmem_shared>>) offsets(%dma_start3A_394 : memref<128xi32, #tpu.memory_space<vmem>>) semaphore(%arg12 : memref<!tpu.dma_semaphore, #tpu.memory_space<semaphore_mem>>) {add = true}
    %dma_wait3A_398 = arith.constant 2 : i32
    %dma_wait3A_399 = arith.constant 2 : i32
    %dma_wait3A_400 = arith.constant 1 : i32
    %dma_wait3A_401 = arith.constant 0 : i32
    %dma_wait3A_402 = arith.constant 0 : i32
    %dma_wait3A_403 = tpu.memref_slice %arg7[%dma_wait3A_398, %dma_wait3A_401, %dma_wait3A_402] : memref<4x128x128xf32, #tpu.memory_space<vmem>> -> memref<1x128x128xf32, #tpu.memory_space<vmem>>
    %dma_wait3A_404 = tpu.memref_squeeze %dma_wait3A_403 : memref<1x128x128xf32, #tpu.memory_space<vmem>> -> memref<128x128xf32, #tpu.memory_space<vmem>>
    %dma_wait3A_405 = arith.constant 0 : i32
    %dma_wait3A_406 = tpu.memref_slice %arg6[%dma_wait3A_399, %dma_wait3A_400, %dma_wait3A_405] : memref<4x2x128xi32, #tpu.memory_space<vmem>> -> memref<1x1x128xi32, #tpu.memory_space<vmem>>
    %dma_wait3A_407 = tpu.memref_squeeze %dma_wait3A_406 : memref<1x1x128xi32, #tpu.memory_space<vmem>> -> memref<128xi32, #tpu.memory_space<vmem>>
    %dma_wait3A_408 = arith.constant 0 : i32
    %dma_wait3A_409 = arith.constant 0 : i32
    %dma_wait3A_410 = tpu.memref_slice %arg8[%dma_wait3A_408, %dma_wait3A_409] : memref<5120x128xf32, #tpu.memory_space<vmem_shared>> -> memref<5120x128xf32, #tpu.memory_space<vmem_shared>>
    tpu.wait_indirect_dma semaphore(%arg12 : memref<!tpu.dma_semaphore, #tpu.memory_space<semaphore_mem>>) src(%dma_wait3A_404 : memref<128x128xf32, #tpu.memory_space<vmem>>) dst(%dma_wait3A_410 : memref<5120x128xf32, #tpu.memory_space<vmem_shared>>)
    %dma_wait3A_411 = arith.constant 77 : i32
    %dma_wait3A_412 = arith.constant 1 : i32
    %dma_wait3A_413 = arith.constant 0 : i32
    %dma_wait3A_414 = arith.constant 0 : i32
    %dma_wait3A_415 = tpu.memref_slice %arg6[%dma_wait3A_412, %dma_wait3A_413, %dma_wait3A_414] : memref<4x2x128xi32, #tpu.memory_space<vmem>> -> memref<1x2x128xi32, #tpu.memory_space<vmem>>
    %dma_wait3A_416 = tpu.memref_squeeze %dma_wait3A_415 : memref<1x2x128xi32, #tpu.memory_space<vmem>> -> memref<2x128xi32, #tpu.memory_space<vmem>>
    %dma_wait3A_417 = arith.constant 0 : i32
    %dma_wait3A_418 = arith.constant 0 : i32
    %dma_wait3A_419 = tpu.memref_slice %arg3[%add3A, %dma_wait3A_411, %dma_wait3A_417, %dma_wait3A_418] : memref<32x79x2x128xi32, #tpu.memory_space<hbm>> -> memref<1x1x2x128xi32, #tpu.memory_space<hbm>>
    %dma_wait3A_420 = tpu.memref_squeeze %dma_wait3A_419 : memref<1x1x2x128xi32, #tpu.memory_space<hbm>> -> memref<2x128xi32, #tpu.memory_space<hbm>>
    %dma_wait3A_421 = arith.constant 0 : i32
    %dma_wait3A_422 = arith.constant 0 : i32
    %dma_wait3A_423 = tpu.memref_slice %arg6[%dma_wait3A_412, %dma_wait3A_421, %dma_wait3A_422] : memref<4x2x128xi32, #tpu.memory_space<vmem>> -> memref<1x2x128xi32, #tpu.memory_space<vmem>>
    %dma_wait3A_424 = tpu.memref_squeeze %dma_wait3A_423 : memref<1x2x128xi32, #tpu.memory_space<vmem>> -> memref<2x128xi32, #tpu.memory_space<vmem>>
    %dma_wait3A_425 = arith.constant 0 : i32
    %dma_wait3A_426 = arith.constant 0 : i32
    %dma_wait3A_427 = tpu.memref_slice %arg3[%add3A, %dma_wait3A_411, %dma_wait3A_425, %dma_wait3A_426] : memref<32x79x2x128xi32, #tpu.memory_space<hbm>> -> memref<1x1x2x128xi32, #tpu.memory_space<hbm>>
    %dma_wait3A_428 = tpu.memref_squeeze %dma_wait3A_427 : memref<1x1x2x128xi32, #tpu.memory_space<hbm>> -> memref<2x128xi32, #tpu.memory_space<hbm>>
    tpu.wait_dma2 semaphore(%arg9 : memref<!tpu.dma_semaphore, #tpu.memory_space<semaphore_mem>>) src(%dma_wait3A_428 : memref<2x128xi32, #tpu.memory_space<hbm>>) dst(%dma_wait3A_424 : memref<2x128xi32, #tpu.memory_space<vmem>>)
    %dma_start3A_429 = arith.constant 1 : i32
    %dma_start3A_430 = arith.constant 0 : i32
    %dma_start3A_431 = arith.constant 1 : i32
    %dma_start3A_432 = arith.constant 0 : i32
    %dma_start3A_433 = arith.constant 0 : i32
    %dma_start3A_434 = tpu.memref_slice %arg7[%dma_start3A_431, %dma_start3A_432, %dma_start3A_433] : memref<4x128x128xf32, #tpu.memory_space<vmem>> -> memref<1x128x128xf32, #tpu.memory_space<vmem>>
    %dma_start3A_435 = tpu.memref_squeeze %dma_start3A_434 : memref<1x128x128xf32, #tpu.memory_space<vmem>> -> memref<128x128xf32, #tpu.memory_space<vmem>>
    %dma_start3A_436 = arith.constant 0 : i32
    %dma_start3A_437 = tpu.memref_slice %arg6[%dma_start3A_429, %dma_start3A_430, %dma_start3A_436] : memref<4x2x128xi32, #tpu.memory_space<vmem>> -> memref<1x1x128xi32, #tpu.memory_space<vmem>>
    %dma_start3A_438 = tpu.memref_squeeze %dma_start3A_437 : memref<1x1x128xi32, #tpu.memory_space<vmem>> -> memref<128xi32, #tpu.memory_space<vmem>>
    %dma_start3A_439 = arith.constant 0 : i32
    %dma_start3A_440 = arith.constant 0 : i32
    %dma_start3A_441 = tpu.memref_slice %arg2[%dma_start3A_439, %dma_start3A_440] : memref<10112x128xf32, #tpu.memory_space<hbm>> -> memref<10112x128xf32, #tpu.memory_space<hbm>>
    tpu.enqueue_indirect_dma source(%dma_start3A_441 : memref<10112x128xf32, #tpu.memory_space<hbm>>) target(%dma_start3A_435 : memref<128x128xf32, #tpu.memory_space<vmem>>) offsets(%dma_start3A_438 : memref<128xi32, #tpu.memory_space<vmem>>) semaphore(%arg11 : memref<!tpu.dma_semaphore, #tpu.memory_space<semaphore_mem>>)
    %dma_start3A_442 = arith.constant 78 : i32
    %dma_start3A_443 = arith.constant 2 : i32
    %dma_start3A_444 = arith.constant 0 : i32
    %dma_start3A_445 = arith.constant 0 : i32
    %dma_start3A_446 = tpu.memref_slice %arg6[%dma_start3A_443, %dma_start3A_444, %dma_start3A_445] : memref<4x2x128xi32, #tpu.memory_space<vmem>> -> memref<1x2x128xi32, #tpu.memory_space<vmem>>
    %dma_start3A_447 = tpu.memref_squeeze %dma_start3A_446 : memref<1x2x128xi32, #tpu.memory_space<vmem>> -> memref<2x128xi32, #tpu.memory_space<vmem>>
    %dma_start3A_448 = arith.constant 0 : i32
    %dma_start3A_449 = arith.constant 0 : i32
    %dma_start3A_450 = tpu.memref_slice %arg3[%add3A, %dma_start3A_442, %dma_start3A_448, %dma_start3A_449] : memref<32x79x2x128xi32, #tpu.memory_space<hbm>> -> memref<1x1x2x128xi32, #tpu.memory_space<hbm>>
    %dma_start3A_451 = tpu.memref_squeeze %dma_start3A_450 : memref<1x1x2x128xi32, #tpu.memory_space<hbm>> -> memref<2x128xi32, #tpu.memory_space<hbm>>
    %dma_start3A_452 = arith.constant 0 : i32
    %dma_start3A_453 = arith.constant 0 : i32
    %dma_start3A_454 = tpu.memref_slice %arg6[%dma_start3A_443, %dma_start3A_452, %dma_start3A_453] : memref<4x2x128xi32, #tpu.memory_space<vmem>> -> memref<1x2x128xi32, #tpu.memory_space<vmem>>
    %dma_start3A_455 = tpu.memref_squeeze %dma_start3A_454 : memref<1x2x128xi32, #tpu.memory_space<vmem>> -> memref<2x128xi32, #tpu.memory_space<vmem>>
    %dma_start3A_456 = arith.constant 0 : i32
    %dma_start3A_457 = arith.constant 0 : i32
    %dma_start3A_458 = tpu.memref_slice %arg3[%add3A, %dma_start3A_442, %dma_start3A_456, %dma_start3A_457] : memref<32x79x2x128xi32, #tpu.memory_space<hbm>> -> memref<1x1x2x128xi32, #tpu.memory_space<hbm>>
    %dma_start3A_459 = tpu.memref_squeeze %dma_start3A_458 : memref<1x1x2x128xi32, #tpu.memory_space<hbm>> -> memref<2x128xi32, #tpu.memory_space<hbm>>
    tpu.enqueue_dma source(%dma_start3A_459 : memref<2x128xi32, #tpu.memory_space<hbm>>) target(%dma_start3A_455 : memref<2x128xi32, #tpu.memory_space<vmem>>) target_semaphore(%arg9 : memref<!tpu.dma_semaphore, #tpu.memory_space<semaphore_mem>>)
    %dma_wait3A_460 = arith.constant 0 : i32
    %dma_wait3A_461 = arith.constant 0 : i32
    %dma_wait3A_462 = arith.constant 0 : i32
    %dma_wait3A_463 = arith.constant 0 : i32
    %dma_wait3A_464 = arith.constant 0 : i32
    %dma_wait3A_465 = tpu.memref_slice %arg7[%dma_wait3A_462, %dma_wait3A_463, %dma_wait3A_464] : memref<4x128x128xf32, #tpu.memory_space<vmem>> -> memref<1x128x128xf32, #tpu.memory_space<vmem>>
    %dma_wait3A_466 = tpu.memref_squeeze %dma_wait3A_465 : memref<1x128x128xf32, #tpu.memory_space<vmem>> -> memref<128x128xf32, #tpu.memory_space<vmem>>
    %dma_wait3A_467 = arith.constant 0 : i32
    %dma_wait3A_468 = tpu.memref_slice %arg6[%dma_wait3A_460, %dma_wait3A_461, %dma_wait3A_467] : memref<4x2x128xi32, #tpu.memory_space<vmem>> -> memref<1x1x128xi32, #tpu.memory_space<vmem>>
    %dma_wait3A_469 = tpu.memref_squeeze %dma_wait3A_468 : memref<1x1x128xi32, #tpu.memory_space<vmem>> -> memref<128xi32, #tpu.memory_space<vmem>>
    %dma_wait3A_470 = arith.constant 0 : i32
    %dma_wait3A_471 = arith.constant 0 : i32
    %dma_wait3A_472 = tpu.memref_slice %arg2[%dma_wait3A_470, %dma_wait3A_471] : memref<10112x128xf32, #tpu.memory_space<hbm>> -> memref<10112x128xf32, #tpu.memory_space<hbm>>
    tpu.wait_indirect_dma semaphore(%arg10 : memref<!tpu.dma_semaphore, #tpu.memory_space<semaphore_mem>>) src(%dma_wait3A_472 : memref<10112x128xf32, #tpu.memory_space<hbm>>) dst(%dma_wait3A_466 : memref<128x128xf32, #tpu.memory_space<vmem>>)
    %dma_start3A_473 = arith.constant 0 : i32
    %dma_start3A_474 = arith.constant 0 : i32
    %dma_start3A_475 = arith.constant 1 : i32
    %dma_start3A_476 = arith.constant 0 : i32
    %dma_start3A_477 = arith.constant 0 : i32
    %dma_start3A_478 = tpu.memref_slice %arg7[%dma_start3A_473, %dma_start3A_476, %dma_start3A_477] : memref<4x128x128xf32, #tpu.memory_space<vmem>> -> memref<1x128x128xf32, #tpu.memory_space<vmem>>
    %dma_start3A_479 = tpu.memref_squeeze %dma_start3A_478 : memref<1x128x128xf32, #tpu.memory_space<vmem>> -> memref<128x128xf32, #tpu.memory_space<vmem>>
    %dma_start3A_480 = arith.constant 0 : i32
    %dma_start3A_481 = tpu.memref_slice %arg6[%dma_start3A_474, %dma_start3A_475, %dma_start3A_480] : memref<4x2x128xi32, #tpu.memory_space<vmem>> -> memref<1x1x128xi32, #tpu.memory_space<vmem>>
    %dma_start3A_482 = tpu.memref_squeeze %dma_start3A_481 : memref<1x1x128xi32, #tpu.memory_space<vmem>> -> memref<128xi32, #tpu.memory_space<vmem>>
    %dma_start3A_483 = arith.constant 0 : i32
    %dma_start3A_484 = arith.constant 0 : i32
    %dma_start3A_485 = tpu.memref_slice %arg8[%dma_start3A_483, %dma_start3A_484] : memref<5120x128xf32, #tpu.memory_space<vmem_shared>> -> memref<5120x128xf32, #tpu.memory_space<vmem_shared>>
    tpu.enqueue_indirect_dma source(%dma_start3A_479 : memref<128x128xf32, #tpu.memory_space<vmem>>) target(%dma_start3A_485 : memref<5120x128xf32, #tpu.memory_space<vmem_shared>>) offsets(%dma_start3A_482 : memref<128xi32, #tpu.memory_space<vmem>>) semaphore(%arg12 : memref<!tpu.dma_semaphore, #tpu.memory_space<semaphore_mem>>) {add = true}
    %dma_wait3A_486 = arith.constant 3 : i32
    %dma_wait3A_487 = arith.constant 3 : i32
    %dma_wait3A_488 = arith.constant 1 : i32
    %dma_wait3A_489 = arith.constant 0 : i32
    %dma_wait3A_490 = arith.constant 0 : i32
    %dma_wait3A_491 = tpu.memref_slice %arg7[%dma_wait3A_486, %dma_wait3A_489, %dma_wait3A_490] : memref<4x128x128xf32, #tpu.memory_space<vmem>> -> memref<1x128x128xf32, #tpu.memory_space<vmem>>
    %dma_wait3A_492 = tpu.memref_squeeze %dma_wait3A_491 : memref<1x128x128xf32, #tpu.memory_space<vmem>> -> memref<128x128xf32, #tpu.memory_space<vmem>>
    %dma_wait3A_493 = arith.constant 0 : i32
    %dma_wait3A_494 = tpu.memref_slice %arg6[%dma_wait3A_487, %dma_wait3A_488, %dma_wait3A_493] : memref<4x2x128xi32, #tpu.memory_space<vmem>> -> memref<1x1x128xi32, #tpu.memory_space<vmem>>
    %dma_wait3A_495 = tpu.memref_squeeze %dma_wait3A_494 : memref<1x1x128xi32, #tpu.memory_space<vmem>> -> memref<128xi32, #tpu.memory_space<vmem>>
    %dma_wait3A_496 = arith.constant 0 : i32
    %dma_wait3A_497 = arith.constant 0 : i32
    %dma_wait3A_498 = tpu.memref_slice %arg8[%dma_wait3A_496, %dma_wait3A_497] : memref<5120x128xf32, #tpu.memory_space<vmem_shared>> -> memref<5120x128xf32, #tpu.memory_space<vmem_shared>>
    tpu.wait_indirect_dma semaphore(%arg12 : memref<!tpu.dma_semaphore, #tpu.memory_space<semaphore_mem>>) src(%dma_wait3A_492 : memref<128x128xf32, #tpu.memory_space<vmem>>) dst(%dma_wait3A_498 : memref<5120x128xf32, #tpu.memory_space<vmem_shared>>)
    %dma_wait3A_499 = arith.constant 78 : i32
    %dma_wait3A_500 = arith.constant 2 : i32
    %dma_wait3A_501 = arith.constant 0 : i32
    %dma_wait3A_502 = arith.constant 0 : i32
    %dma_wait3A_503 = tpu.memref_slice %arg6[%dma_wait3A_500, %dma_wait3A_501, %dma_wait3A_502] : memref<4x2x128xi32, #tpu.memory_space<vmem>> -> memref<1x2x128xi32, #tpu.memory_space<vmem>>
    %dma_wait3A_504 = tpu.memref_squeeze %dma_wait3A_503 : memref<1x2x128xi32, #tpu.memory_space<vmem>> -> memref<2x128xi32, #tpu.memory_space<vmem>>
    %dma_wait3A_505 = arith.constant 0 : i32
    %dma_wait3A_506 = arith.constant 0 : i32
    %dma_wait3A_507 = tpu.memref_slice %arg3[%add3A, %dma_wait3A_499, %dma_wait3A_505, %dma_wait3A_506] : memref<32x79x2x128xi32, #tpu.memory_space<hbm>> -> memref<1x1x2x128xi32, #tpu.memory_space<hbm>>
    %dma_wait3A_508 = tpu.memref_squeeze %dma_wait3A_507 : memref<1x1x2x128xi32, #tpu.memory_space<hbm>> -> memref<2x128xi32, #tpu.memory_space<hbm>>
    %dma_wait3A_509 = arith.constant 0 : i32
    %dma_wait3A_510 = arith.constant 0 : i32
    %dma_wait3A_511 = tpu.memref_slice %arg6[%dma_wait3A_500, %dma_wait3A_509, %dma_wait3A_510] : memref<4x2x128xi32, #tpu.memory_space<vmem>> -> memref<1x2x128xi32, #tpu.memory_space<vmem>>
    %dma_wait3A_512 = tpu.memref_squeeze %dma_wait3A_511 : memref<1x2x128xi32, #tpu.memory_space<vmem>> -> memref<2x128xi32, #tpu.memory_space<vmem>>
    %dma_wait3A_513 = arith.constant 0 : i32
    %dma_wait3A_514 = arith.constant 0 : i32
    %dma_wait3A_515 = tpu.memref_slice %arg3[%add3A, %dma_wait3A_499, %dma_wait3A_513, %dma_wait3A_514] : memref<32x79x2x128xi32, #tpu.memory_space<hbm>> -> memref<1x1x2x128xi32, #tpu.memory_space<hbm>>
    %dma_wait3A_516 = tpu.memref_squeeze %dma_wait3A_515 : memref<1x1x2x128xi32, #tpu.memory_space<hbm>> -> memref<2x128xi32, #tpu.memory_space<hbm>>
    tpu.wait_dma2 semaphore(%arg9 : memref<!tpu.dma_semaphore, #tpu.memory_space<semaphore_mem>>) src(%dma_wait3A_516 : memref<2x128xi32, #tpu.memory_space<hbm>>) dst(%dma_wait3A_512 : memref<2x128xi32, #tpu.memory_space<vmem>>)
    %dma_start3A_517 = arith.constant 2 : i32
    %dma_start3A_518 = arith.constant 0 : i32
    %dma_start3A_519 = arith.constant 2 : i32
    %dma_start3A_520 = arith.constant 0 : i32
    %dma_start3A_521 = arith.constant 0 : i32
    %dma_start3A_522 = tpu.memref_slice %arg7[%dma_start3A_519, %dma_start3A_520, %dma_start3A_521] : memref<4x128x128xf32, #tpu.memory_space<vmem>> -> memref<1x128x128xf32, #tpu.memory_space<vmem>>
    %dma_start3A_523 = tpu.memref_squeeze %dma_start3A_522 : memref<1x128x128xf32, #tpu.memory_space<vmem>> -> memref<128x128xf32, #tpu.memory_space<vmem>>
    %dma_start3A_524 = arith.constant 0 : i32
    %dma_start3A_525 = tpu.memref_slice %arg6[%dma_start3A_517, %dma_start3A_518, %dma_start3A_524] : memref<4x2x128xi32, #tpu.memory_space<vmem>> -> memref<1x1x128xi32, #tpu.memory_space<vmem>>
    %dma_start3A_526 = tpu.memref_squeeze %dma_start3A_525 : memref<1x1x128xi32, #tpu.memory_space<vmem>> -> memref<128xi32, #tpu.memory_space<vmem>>
    %dma_start3A_527 = arith.constant 0 : i32
    %dma_start3A_528 = arith.constant 0 : i32
    %dma_start3A_529 = tpu.memref_slice %arg2[%dma_start3A_527, %dma_start3A_528] : memref<10112x128xf32, #tpu.memory_space<hbm>> -> memref<10112x128xf32, #tpu.memory_space<hbm>>
    tpu.enqueue_indirect_dma source(%dma_start3A_529 : memref<10112x128xf32, #tpu.memory_space<hbm>>) target(%dma_start3A_523 : memref<128x128xf32, #tpu.memory_space<vmem>>) offsets(%dma_start3A_526 : memref<128xi32, #tpu.memory_space<vmem>>) semaphore(%arg10 : memref<!tpu.dma_semaphore, #tpu.memory_space<semaphore_mem>>)
    %dma_wait3A_530 = arith.constant 1 : i32
    %dma_wait3A_531 = arith.constant 0 : i32
    %dma_wait3A_532 = arith.constant 1 : i32
    %dma_wait3A_533 = arith.constant 0 : i32
    %dma_wait3A_534 = arith.constant 0 : i32
    %dma_wait3A_535 = tpu.memref_slice %arg7[%dma_wait3A_532, %dma_wait3A_533, %dma_wait3A_534] : memref<4x128x128xf32, #tpu.memory_space<vmem>> -> memref<1x128x128xf32, #tpu.memory_space<vmem>>
    %dma_wait3A_536 = tpu.memref_squeeze %dma_wait3A_535 : memref<1x128x128xf32, #tpu.memory_space<vmem>> -> memref<128x128xf32, #tpu.memory_space<vmem>>
    %dma_wait3A_537 = arith.constant 0 : i32
    %dma_wait3A_538 = tpu.memref_slice %arg6[%dma_wait3A_530, %dma_wait3A_531, %dma_wait3A_537] : memref<4x2x128xi32, #tpu.memory_space<vmem>> -> memref<1x1x128xi32, #tpu.memory_space<vmem>>
    %dma_wait3A_539 = tpu.memref_squeeze %dma_wait3A_538 : memref<1x1x128xi32, #tpu.memory_space<vmem>> -> memref<128xi32, #tpu.memory_space<vmem>>
    %dma_wait3A_540 = arith.constant 0 : i32
    %dma_wait3A_541 = arith.constant 0 : i32
    %dma_wait3A_542 = tpu.memref_slice %arg2[%dma_wait3A_540, %dma_wait3A_541] : memref<10112x128xf32, #tpu.memory_space<hbm>> -> memref<10112x128xf32, #tpu.memory_space<hbm>>
    tpu.wait_indirect_dma semaphore(%arg11 : memref<!tpu.dma_semaphore, #tpu.memory_space<semaphore_mem>>) src(%dma_wait3A_542 : memref<10112x128xf32, #tpu.memory_space<hbm>>) dst(%dma_wait3A_536 : memref<128x128xf32, #tpu.memory_space<vmem>>)
    %dma_start3A_543 = arith.constant 1 : i32
    %dma_start3A_544 = arith.constant 1 : i32
    %dma_start3A_545 = arith.constant 1 : i32
    %dma_start3A_546 = arith.constant 0 : i32
    %dma_start3A_547 = arith.constant 0 : i32
    %dma_start3A_548 = tpu.memref_slice %arg7[%dma_start3A_543, %dma_start3A_546, %dma_start3A_547] : memref<4x128x128xf32, #tpu.memory_space<vmem>> -> memref<1x128x128xf32, #tpu.memory_space<vmem>>
    %dma_start3A_549 = tpu.memref_squeeze %dma_start3A_548 : memref<1x128x128xf32, #tpu.memory_space<vmem>> -> memref<128x128xf32, #tpu.memory_space<vmem>>
    %dma_start3A_550 = arith.constant 0 : i32
    %dma_start3A_551 = tpu.memref_slice %arg6[%dma_start3A_544, %dma_start3A_545, %dma_start3A_550] : memref<4x2x128xi32, #tpu.memory_space<vmem>> -> memref<1x1x128xi32, #tpu.memory_space<vmem>>
    %dma_start3A_552 = tpu.memref_squeeze %dma_start3A_551 : memref<1x1x128xi32, #tpu.memory_space<vmem>> -> memref<128xi32, #tpu.memory_space<vmem>>
    %dma_start3A_553 = arith.constant 0 : i32
    %dma_start3A_554 = arith.constant 0 : i32
    %dma_start3A_555 = tpu.memref_slice %arg8[%dma_start3A_553, %dma_start3A_554] : memref<5120x128xf32, #tpu.memory_space<vmem_shared>> -> memref<5120x128xf32, #tpu.memory_space<vmem_shared>>
    tpu.enqueue_indirect_dma source(%dma_start3A_549 : memref<128x128xf32, #tpu.memory_space<vmem>>) target(%dma_start3A_555 : memref<5120x128xf32, #tpu.memory_space<vmem_shared>>) offsets(%dma_start3A_552 : memref<128xi32, #tpu.memory_space<vmem>>) semaphore(%arg12 : memref<!tpu.dma_semaphore, #tpu.memory_space<semaphore_mem>>) {add = true}
    %dma_wait3A_556 = arith.constant 0 : i32
    %dma_wait3A_557 = arith.constant 0 : i32
    %dma_wait3A_558 = arith.constant 1 : i32
    %dma_wait3A_559 = arith.constant 0 : i32
    %dma_wait3A_560 = arith.constant 0 : i32
    %dma_wait3A_561 = tpu.memref_slice %arg7[%dma_wait3A_556, %dma_wait3A_559, %dma_wait3A_560] : memref<4x128x128xf32, #tpu.memory_space<vmem>> -> memref<1x128x128xf32, #tpu.memory_space<vmem>>
    %dma_wait3A_562 = tpu.memref_squeeze %dma_wait3A_561 : memref<1x128x128xf32, #tpu.memory_space<vmem>> -> memref<128x128xf32, #tpu.memory_space<vmem>>
    %dma_wait3A_563 = arith.constant 0 : i32
    %dma_wait3A_564 = tpu.memref_slice %arg6[%dma_wait3A_557, %dma_wait3A_558, %dma_wait3A_563] : memref<4x2x128xi32, #tpu.memory_space<vmem>> -> memref<1x1x128xi32, #tpu.memory_space<vmem>>
    %dma_wait3A_565 = tpu.memref_squeeze %dma_wait3A_564 : memref<1x1x128xi32, #tpu.memory_space<vmem>> -> memref<128xi32, #tpu.memory_space<vmem>>
    %dma_wait3A_566 = arith.constant 0 : i32
    %dma_wait3A_567 = arith.constant 0 : i32
    %dma_wait3A_568 = tpu.memref_slice %arg8[%dma_wait3A_566, %dma_wait3A_567] : memref<5120x128xf32, #tpu.memory_space<vmem_shared>> -> memref<5120x128xf32, #tpu.memory_space<vmem_shared>>
    tpu.wait_indirect_dma semaphore(%arg12 : memref<!tpu.dma_semaphore, #tpu.memory_space<semaphore_mem>>) src(%dma_wait3A_562 : memref<128x128xf32, #tpu.memory_space<vmem>>) dst(%dma_wait3A_568 : memref<5120x128xf32, #tpu.memory_space<vmem_shared>>)
    %dma_wait3A_569 = arith.constant 2 : i32
    %dma_wait3A_570 = arith.constant 0 : i32
    %dma_wait3A_571 = arith.constant 2 : i32
    %dma_wait3A_572 = arith.constant 0 : i32
    %dma_wait3A_573 = arith.constant 0 : i32
    %dma_wait3A_574 = tpu.memref_slice %arg7[%dma_wait3A_571, %dma_wait3A_572, %dma_wait3A_573] : memref<4x128x128xf32, #tpu.memory_space<vmem>> -> memref<1x128x128xf32, #tpu.memory_space<vmem>>
    %dma_wait3A_575 = tpu.memref_squeeze %dma_wait3A_574 : memref<1x128x128xf32, #tpu.memory_space<vmem>> -> memref<128x128xf32, #tpu.memory_space<vmem>>
    %dma_wait3A_576 = arith.constant 0 : i32
    %dma_wait3A_577 = tpu.memref_slice %arg6[%dma_wait3A_569, %dma_wait3A_570, %dma_wait3A_576] : memref<4x2x128xi32, #tpu.memory_space<vmem>> -> memref<1x1x128xi32, #tpu.memory_space<vmem>>
    %dma_wait3A_578 = tpu.memref_squeeze %dma_wait3A_577 : memref<1x1x128xi32, #tpu.memory_space<vmem>> -> memref<128xi32, #tpu.memory_space<vmem>>
    %dma_wait3A_579 = arith.constant 0 : i32
    %dma_wait3A_580 = arith.constant 0 : i32
    %dma_wait3A_581 = tpu.memref_slice %arg2[%dma_wait3A_579, %dma_wait3A_580] : memref<10112x128xf32, #tpu.memory_space<hbm>> -> memref<10112x128xf32, #tpu.memory_space<hbm>>
    tpu.wait_indirect_dma semaphore(%arg10 : memref<!tpu.dma_semaphore, #tpu.memory_space<semaphore_mem>>) src(%dma_wait3A_581 : memref<10112x128xf32, #tpu.memory_space<hbm>>) dst(%dma_wait3A_575 : memref<128x128xf32, #tpu.memory_space<vmem>>)
    %dma_start3A_582 = arith.constant 2 : i32
    %dma_start3A_583 = arith.constant 2 : i32
    %dma_start3A_584 = arith.constant 1 : i32
    %dma_start3A_585 = arith.constant 0 : i32
    %dma_start3A_586 = arith.constant 0 : i32
    %dma_start3A_587 = tpu.memref_slice %arg7[%dma_start3A_582, %dma_start3A_585, %dma_start3A_586] : memref<4x128x128xf32, #tpu.memory_space<vmem>> -> memref<1x128x128xf32, #tpu.memory_space<vmem>>
    %dma_start3A_588 = tpu.memref_squeeze %dma_start3A_587 : memref<1x128x128xf32, #tpu.memory_space<vmem>> -> memref<128x128xf32, #tpu.memory_space<vmem>>
    %dma_start3A_589 = arith.constant 0 : i32
    %dma_start3A_590 = tpu.memref_slice %arg6[%dma_start3A_583, %dma_start3A_584, %dma_start3A_589] : memref<4x2x128xi32, #tpu.memory_space<vmem>> -> memref<1x1x128xi32, #tpu.memory_space<vmem>>
    %dma_start3A_591 = tpu.memref_squeeze %dma_start3A_590 : memref<1x1x128xi32, #tpu.memory_space<vmem>> -> memref<128xi32, #tpu.memory_space<vmem>>
    %dma_start3A_592 = arith.constant 0 : i32
    %dma_start3A_593 = arith.constant 0 : i32
    %dma_start3A_594 = tpu.memref_slice %arg8[%dma_start3A_592, %dma_start3A_593] : memref<5120x128xf32, #tpu.memory_space<vmem_shared>> -> memref<5120x128xf32, #tpu.memory_space<vmem_shared>>
    tpu.enqueue_indirect_dma source(%dma_start3A_588 : memref<128x128xf32, #tpu.memory_space<vmem>>) target(%dma_start3A_594 : memref<5120x128xf32, #tpu.memory_space<vmem_shared>>) offsets(%dma_start3A_591 : memref<128xi32, #tpu.memory_space<vmem>>) semaphore(%arg12 : memref<!tpu.dma_semaphore, #tpu.memory_space<semaphore_mem>>) {add = true}
    %dma_wait3A_595 = arith.constant 1 : i32
    %dma_wait3A_596 = arith.constant 1 : i32
    %dma_wait3A_597 = arith.constant 1 : i32
    %dma_wait3A_598 = arith.constant 0 : i32
    %dma_wait3A_599 = arith.constant 0 : i32
    %dma_wait3A_600 = tpu.memref_slice %arg7[%dma_wait3A_595, %dma_wait3A_598, %dma_wait3A_599] : memref<4x128x128xf32, #tpu.memory_space<vmem>> -> memref<1x128x128xf32, #tpu.memory_space<vmem>>
    %dma_wait3A_601 = tpu.memref_squeeze %dma_wait3A_600 : memref<1x128x128xf32, #tpu.memory_space<vmem>> -> memref<128x128xf32, #tpu.memory_space<vmem>>
    %dma_wait3A_602 = arith.constant 0 : i32
    %dma_wait3A_603 = tpu.memref_slice %arg6[%dma_wait3A_596, %dma_wait3A_597, %dma_wait3A_602] : memref<4x2x128xi32, #tpu.memory_space<vmem>> -> memref<1x1x128xi32, #tpu.memory_space<vmem>>
    %dma_wait3A_604 = tpu.memref_squeeze %dma_wait3A_603 : memref<1x1x128xi32, #tpu.memory_space<vmem>> -> memref<128xi32, #tpu.memory_space<vmem>>
    %dma_wait3A_605 = arith.constant 0 : i32
    %dma_wait3A_606 = arith.constant 0 : i32
    %dma_wait3A_607 = tpu.memref_slice %arg8[%dma_wait3A_605, %dma_wait3A_606] : memref<5120x128xf32, #tpu.memory_space<vmem_shared>> -> memref<5120x128xf32, #tpu.memory_space<vmem_shared>>
    tpu.wait_indirect_dma semaphore(%arg12 : memref<!tpu.dma_semaphore, #tpu.memory_space<semaphore_mem>>) src(%dma_wait3A_601 : memref<128x128xf32, #tpu.memory_space<vmem>>) dst(%dma_wait3A_607 : memref<5120x128xf32, #tpu.memory_space<vmem_shared>>)
    %dma_wait3A_608 = arith.constant 2 : i32
    %dma_wait3A_609 = arith.constant 2 : i32
    %dma_wait3A_610 = arith.constant 1 : i32
    %dma_wait3A_611 = arith.constant 0 : i32
    %dma_wait3A_612 = arith.constant 0 : i32
    %dma_wait3A_613 = tpu.memref_slice %arg7[%dma_wait3A_608, %dma_wait3A_611, %dma_wait3A_612] : memref<4x128x128xf32, #tpu.memory_space<vmem>> -> memref<1x128x128xf32, #tpu.memory_space<vmem>>
    %dma_wait3A_614 = tpu.memref_squeeze %dma_wait3A_613 : memref<1x128x128xf32, #tpu.memory_space<vmem>> -> memref<128x128xf32, #tpu.memory_space<vmem>>
    %dma_wait3A_615 = arith.constant 0 : i32
    %dma_wait3A_616 = tpu.memref_slice %arg6[%dma_wait3A_609, %dma_wait3A_610, %dma_wait3A_615] : memref<4x2x128xi32, #tpu.memory_space<vmem>> -> memref<1x1x128xi32, #tpu.memory_space<vmem>>
    %dma_wait3A_617 = tpu.memref_squeeze %dma_wait3A_616 : memref<1x1x128xi32, #tpu.memory_space<vmem>> -> memref<128xi32, #tpu.memory_space<vmem>>
    %dma_wait3A_618 = arith.constant 0 : i32
    %dma_wait3A_619 = arith.constant 0 : i32
    %dma_wait3A_620 = tpu.memref_slice %arg8[%dma_wait3A_618, %dma_wait3A_619] : memref<5120x128xf32, #tpu.memory_space<vmem_shared>> -> memref<5120x128xf32, #tpu.memory_space<vmem_shared>>
    tpu.wait_indirect_dma semaphore(%arg12 : memref<!tpu.dma_semaphore, #tpu.memory_space<semaphore_mem>>) src(%dma_wait3A_614 : memref<128x128xf32, #tpu.memory_space<vmem>>) dst(%dma_wait3A_620 : memref<5120x128xf32, #tpu.memory_space<vmem_shared>>)
    %barrier3A_621 = arith.constant 0 : index
    tpu.barrier barrier_id(%barrier3A_621)
    %mul3A_622 = arith.constant 320 : i32
    %mul3A_623 = arith.muli %arg1, %mul3A_622 : i32
    %mul3A_624 = arith.constant 320 : i32
    %mul3A_625 = arith.muli %arg1, %mul3A_624 : i32
    "tpu.region"() ({
      %run_scoped3A = tpu.sem_alloc : memref<!tpu.dma_semaphore, #tpu.memory_space<semaphore_mem>>
      %dma_start3A_626 = arith.constant 0 : i32
      %dma_start3A_627 = tpu.memref_slice %arg5[%arg0, %mul3A_625, %dma_start3A_626] : memref<2x5120x128xf32, #tpu.memory_space<hbm>> -> memref<1x320x128xf32, #tpu.memory_space<hbm>>
      %dma_start3A_628 = tpu.memref_squeeze %dma_start3A_627 : memref<1x320x128xf32, #tpu.memory_space<hbm>> -> memref<320x128xf32, #tpu.memory_space<hbm>>
      %dma_start3A_629 = arith.constant 0 : i32
      %dma_start3A_630 = tpu.memref_slice %arg8[%mul3A_623, %dma_start3A_629] : memref<5120x128xf32, #tpu.memory_space<vmem_shared>> -> memref<320x128xf32, #tpu.memory_space<vmem_shared>>
      tpu.enqueue_dma source(%dma_start3A_630 : memref<320x128xf32, #tpu.memory_space<vmem_shared>>) target(%dma_start3A_628 : memref<320x128xf32, #tpu.memory_space<hbm>>) target_semaphore(%run_scoped3A : memref<!tpu.dma_semaphore, #tpu.memory_space<semaphore_mem>>)
      %dma_wait3A_631 = arith.constant 0 : i32
      %dma_wait3A_632 = tpu.memref_slice %arg5[%arg0, %mul3A_625, %dma_wait3A_631] : memref<2x5120x128xf32, #tpu.memory_space<hbm>> -> memref<1x320x128xf32, #tpu.memory_space<hbm>>
      %dma_wait3A_633 = tpu.memref_squeeze %dma_wait3A_632 : memref<1x320x128xf32, #tpu.memory_space<hbm>> -> memref<320x128xf32, #tpu.memory_space<hbm>>
      %dma_wait3A_634 = arith.constant 0 : i32
      %dma_wait3A_635 = tpu.memref_slice %arg8[%mul3A_623, %dma_wait3A_634] : memref<5120x128xf32, #tpu.memory_space<vmem_shared>> -> memref<320x128xf32, #tpu.memory_space<vmem_shared>>
      tpu.wait_dma2 semaphore(%run_scoped3A : memref<!tpu.dma_semaphore, #tpu.memory_space<semaphore_mem>>) src(%dma_wait3A_635 : memref<320x128xf32, #tpu.memory_space<vmem_shared>>) dst(%dma_wait3A_633 : memref<320x128xf32, #tpu.memory_space<hbm>>)
      tpu.yield
    }) : () -> ()
    return
  }
}

module attributes {stable_mosaic.version = 14 : i64} {
  func.func @_mm_body(%arg0: i32, %arg1: memref<632x128xf32, #tpu.memory_space<vmem>>, %arg2: memref<128x128xf32, #tpu.memory_space<vmem>>, %arg3: memref<1x128xf32, #tpu.memory_space<vmem>>, %arg4: memref<632x128xf32, #tpu.memory_space<vmem>>) attributes {dimension_semantics = [#tpu.dimension_semantics<arbitrary>], iteration_bounds = array<i64: 16>, scalar_prefetch = 0 : i64, scratch_operands = 0 : i64, tpu.core_type = #tpu.core_type<tc>, window_params = [{transform_indices = @transform_0, window_bounds = array<i64: 632, 128>}, {pipeline_mode = #tpu.pipeline_mode<synchronous>, transform_indices = @transform_1, window_bounds = array<i64: 128, 128>}, {pipeline_mode = #tpu.pipeline_mode<synchronous>, transform_indices = @transform_2, window_bounds = array<i64: 1, 128>}, {transform_indices = @transform_3, window_bounds = array<i64: 632, 128>}]} {
    %get3A = arith.constant 0 : index
    %get3A_0 = arith.constant 0 : index
    %get3A_1 = vector.load %arg1[%get3A, %get3A_0] : memref<632x128xf32, #tpu.memory_space<vmem>>, vector<632x128xf32>
    %get3A_2 = arith.constant 0 : index
    %get3A_3 = arith.constant 0 : index
    %get3A_4 = vector.load %arg2[%get3A_2, %get3A_3] : memref<128x128xf32, #tpu.memory_space<vmem>>, vector<128x128xf32>
    %dot_general3A = arith.constant dense<0.000000e+00> : vector<632x128xf32>
    %dot_general3A_5 = tpu.matmul %get3A_1, %get3A_4, %dot_general3A {dimension_numbers = #tpu.dot_dimension_numbers<[1], [0], [0], [1], [0, 0, 1, 1], [], []>, transpose_lhs_hint = false} : vector<632x128xf32>, vector<128x128xf32>, vector<632x128xf32> -> vector<632x128xf32>
    %get3A_6 = arith.constant 0 : index
    %get3A_7 = arith.constant 0 : index
    %get3A_8 = vector.load %arg3[%get3A_6, %get3A_7] : memref<1x128xf32, #tpu.memory_space<vmem>>, vector<1x128xf32>
    %add3A = vector.broadcast %get3A_8 : vector<1x128xf32> to vector<632x128xf32>
    %add3A_9 = arith.addf %dot_general3A_5, %add3A : vector<632x128xf32>
    %swap3A = arith.constant 0 : index
    %swap3A_10 = arith.constant 0 : index
    %swap3A_11 = vector.load %arg4[%swap3A, %swap3A_10] : memref<632x128xf32, #tpu.memory_space<vmem>>, vector<632x128xf32>
    tpu.vector_store %arg4[%swap3A, %swap3A_10], %add3A_9 {strides = array<i32>} : memref<632x128xf32, #tpu.memory_space<vmem>>, vector<632x128xf32>,
    return
  }
  func.func @transform_0(%arg0: i32) -> (i32, i32) {
    %c0_i32 = arith.constant 0 : i32
    %c0_i32_0 = arith.constant 0 : i32
    return %arg0, %c0_i32 : i32, i32
  }
  func.func @transform_1(%arg0: i32) -> (i32, i32) {
    %c0_i32 = arith.constant 0 : i32
    %c0_i32_0 = arith.constant 0 : i32
    %c0_i32_1 = arith.constant 0 : i32
    return %c0_i32, %c0_i32_0 : i32, i32
  }
  func.func @transform_2(%arg0: i32) -> (i32, i32) {
    %c0_i32 = arith.constant 0 : i32
    %c0_i32_0 = arith.constant 0 : i32
    %c0_i32_1 = arith.constant 0 : i32
    return %c0_i32, %c0_i32_0 : i32, i32
  }
  func.func @transform_3(%arg0: i32) -> (i32, i32) {
    %c0_i32 = arith.constant 0 : i32
    %c0_i32_0 = arith.constant 0 : i32
    return %arg0, %c0_i32 : i32, i32
  }
}

module attributes {stable_mosaic.version = 14 : i64} {
  func.func @_norm_body(%arg0: memref<2x5120x128xf32, #tpu.memory_space<vmem>>, %arg1: memref<32x5120xf32, #tpu.memory_space<vmem>>, %arg2: memref<5120x128xf32, #tpu.memory_space<vmem>>) attributes {dimension_semantics = [], scalar_prefetch = 0 : i64, scratch_operands = 0 : i64, tpu.core_type = #tpu.core_type<tc>} {
    %get3A = arith.constant 0 : index
    %get3A_0 = arith.constant 0 : index
    %get3A_1 = arith.constant 0 : index
    %get3A_2 = vector.load %arg0[%get3A, %get3A_0, %get3A_1] : memref<2x5120x128xf32, #tpu.memory_space<vmem>>, vector<1x5120x128xf32>
    %get3A_3 = vector.shape_cast %get3A_2 : vector<1x5120x128xf32> to vector<5120x128xf32>
    %get3A_4 = arith.constant 1 : index
    %get3A_5 = arith.constant 0 : index
    %get3A_6 = arith.constant 0 : index
    %get3A_7 = vector.load %arg0[%get3A_4, %get3A_5, %get3A_6] : memref<2x5120x128xf32, #tpu.memory_space<vmem>>, vector<1x5120x128xf32>
    %get3A_8 = vector.shape_cast %get3A_7 : vector<1x5120x128xf32> to vector<5120x128xf32>
    %add3A = arith.addf %get3A_3, %get3A_8 : vector<5120x128xf32>
    %get3A_9 = arith.constant 0 : index
    %get3A_10 = arith.constant 0 : index
    %get3A_11 = vector.load %arg1[%get3A_9, %get3A_10] : memref<32x5120xf32, #tpu.memory_space<vmem>>, vector<32x5120xf32>
    %reduce_sum3A = arith.constant dense<0.000000e+00> : vector<5120xf32>
    %reduce_sum3A_12 = vector.multi_reduction <add>, %get3A_11, %reduce_sum3A [0] : vector<32x5120xf32> to vector<5120xf32>
    %broadcast_in_dim3A = vector.shape_cast %reduce_sum3A_12 : vector<5120xf32> to vector<5120x1xf32>
    %max3A = arith.constant 1.000000e+00 : f32
    %max3A_13 = vector.broadcast %max3A : f32 to vector<5120x1xf32>
    %max3A_14 = arith.maximumf %broadcast_in_dim3A, %max3A_13 : vector<5120x1xf32>
    %div3A = vector.broadcast %max3A_14 : vector<5120x1xf32> to vector<5120x128xf32>
    %div3A_15 = arith.divf %add3A, %div3A : vector<5120x128xf32>
    %swap3A = arith.constant 0 : index
    %swap3A_16 = arith.constant 0 : index
    %swap3A_17 = vector.load %arg2[%swap3A, %swap3A_16] : memref<5120x128xf32, #tpu.memory_space<vmem>>, vector<5120x128xf32>
    tpu.vector_store %arg2[%swap3A, %swap3A_16], %div3A_15 {strides = array<i32>} : memref<5120x128xf32, #tpu.memory_space<vmem>>, vector<5120x128xf32>,
    return
  }
}

module attributes {stable_mosaic.version = 14 : i64} {
  func.func @_norm_body(%arg0: memref<2x10112x128xf32, #tpu.memory_space<vmem>>, %arg1: memref<32x10240xf32, #tpu.memory_space<vmem>>, %arg2: memref<10112x128xf32, #tpu.memory_space<vmem>>) attributes {dimension_semantics = [], scalar_prefetch = 0 : i64, scratch_operands = 0 : i64, tpu.core_type = #tpu.core_type<tc>} {
    %get3A = arith.constant 0 : index
    %get3A_0 = arith.constant 0 : index
    %get3A_1 = arith.constant 0 : index
    %get3A_2 = vector.load %arg0[%get3A, %get3A_0, %get3A_1] : memref<2x10112x128xf32, #tpu.memory_space<vmem>>, vector<1x10112x128xf32>
    %get3A_3 = vector.shape_cast %get3A_2 : vector<1x10112x128xf32> to vector<10112x128xf32>
    %get3A_4 = arith.constant 1 : index
    %get3A_5 = arith.constant 0 : index
    %get3A_6 = arith.constant 0 : index
    %get3A_7 = vector.load %arg0[%get3A_4, %get3A_5, %get3A_6] : memref<2x10112x128xf32, #tpu.memory_space<vmem>>, vector<1x10112x128xf32>
    %get3A_8 = vector.shape_cast %get3A_7 : vector<1x10112x128xf32> to vector<10112x128xf32>
    %add3A = arith.addf %get3A_3, %get3A_8 : vector<10112x128xf32>
    %get3A_9 = arith.constant 0 : index
    %get3A_10 = arith.constant 0 : index
    %get3A_11 = vector.load %arg1[%get3A_9, %get3A_10] : memref<32x10240xf32, #tpu.memory_space<vmem>>, vector<32x10240xf32>
    %reduce_sum3A = arith.constant dense<0.000000e+00> : vector<10240xf32>
    %reduce_sum3A_12 = vector.multi_reduction <add>, %get3A_11, %reduce_sum3A [0] : vector<32x10240xf32> to vector<10240xf32>
    %slice3A = vector.extract_strided_slice %reduce_sum3A_12 {offsets = [0], sizes = [10112], strides = [1]} : vector<10240xf32> to vector<10112xf32>
    %broadcast_in_dim3A = vector.shape_cast %slice3A : vector<10112xf32> to vector<10112x1xf32>
    %max3A = arith.constant 1.000000e+00 : f32
    %max3A_13 = vector.broadcast %max3A : f32 to vector<10112x1xf32>
    %max3A_14 = arith.maximumf %broadcast_in_dim3A, %max3A_13 : vector<10112x1xf32>
    %div3A = vector.broadcast %max3A_14 : vector<10112x1xf32> to vector<10112x128xf32>
    %div3A_15 = arith.divf %add3A, %div3A : vector<10112x128xf32>
    %max3A_16 = arith.constant 0.000000e+00 : f32
    %max3A_17 = vector.broadcast %max3A_16 : f32 to vector<10112x128xf32>
    %max3A_18 = arith.maximumf %div3A_15, %max3A_17 : vector<10112x128xf32>
    %swap3A = arith.constant 0 : index
    %swap3A_19 = arith.constant 0 : index
    %swap3A_20 = vector.load %arg2[%swap3A, %swap3A_19] : memref<10112x128xf32, #tpu.memory_space<vmem>>, vector<10112x128xf32>
    tpu.vector_store %arg2[%swap3A, %swap3A_19], %max3A_18 {strides = array<i32>} : memref<10112x128xf32, #tpu.memory_space<vmem>>, vector<10112x128xf32>,
    return
  }
}

</mosaic_0001>

<sc_bundles>
// kernel: kernel.11.cloned.1.call-start
scs
__scs_entry_jumppad:
0x0: {  	(pc) =	sbr.rel $0x88, $3  }
0x1: {  	(tag) =	ssettag $0x0;
	lr =	simm.s32 $0x1  }
0x2: {  	[smem:$0x3F9C] =	sst lr;
	_ =	strace $0xD0000000  }
0x3: {  	_ = 	snop  }
0x4: {  	_ = 	snop  }
0x5: {  	_ = 	snop  }
0x6: {  	_ = 	snop  }
0x7: {  	_ = 	snop  }
__scs_overlays_trampoline_lowered:
0x8: {  	[smem:$0x3FAB] =	sst s0  }
0x9: {  	[smem:$0x3FAC] =	sst s1  }
0xa: {  	[smem:$0x3FAD] =	sst s2  }
0xb: {  	[smem:$0x3FAE] =	sst s3  }
0xc: {  	[smem:$0x3FAF] =	sst s4  }
0xd: {  	[smem:$0x3FB0] =	sst s5  }
0xe: {  	[smem:$0x3FB1] =	sst s6  }
0xf: {  	[smem:$0x3FB2] =	sst s7  }
0x10: {  	[smem:$0x3FB3] =	sst s8  }
0x11: {  	[smem:$0x3FB4] =	sst s9;
	s0 =	simm.s32 @!p0 $0x0  }
0x12: {  	s1 =	sld [smem:$0x3F9A];
	s0 =	simm.s32 @p0 $0x1  }
0x13: {  	[smem:$0x3FB5] =	sst s0;
	s0 =	simm.s32 @!p1 $0x0  }
0x14: {  	s2 =	sld [smem:$0x3F99];
	s0 =	simm.s32 @p1 $0x1  }
0x15: {  	[smem:$0x3FB6] =	sst s0;
	s0 =	simm.s32 @!p2 $0x0  }
0x16: {  	s3 =	sld [smem:$0x3FDB];
	s0 =	simm.s32 @p2 $0x1  }
0x17: {  	s4 =	simm.s32 $0x1BF5;
	[smem:$0x3FB8] =	sst s0  }
0x18: {  	s0 =	sld [smem:$0x3F9B];
	_ =	swait.ge [sflag:s4], $0x0  }
0x19: {  	s7 =	sld [smem:$0x3F9C]  }
0x1a: {  	s8 =	sadd.s32 $0xFFFFE003, lr  }
0x1b: {  	s9 =	sadd.s32 $0xFFFFFEF7, lr;
	s5 =	simm.s32 $0xFFFFFFFF;
	p2 =	slt.u32 s8, $0xFFFFF086  }
0x1c: {  	p1 =	slt.u32 s9, $0xF7A;
	s5 =	simm.s32 @!p2 $0x0  }
0x1d: {  	s5 =	simm.s32 @p1 $0x1;
	p0 =	seq.s32 s7, s2  }
0x1e: {  	s7 =	smul.u32 @!p0 $0xF7A, s2;
	p2 =	seq.s32 @!p0 s5, $0x0  }
0x1f: {  	s9 =	smul.u32 $0xF7A, s1;
	s8 =	simm.s32 @!p0 $0x1BF5;
	p2 =	por !p2, p0  }
0x20: {  	[sflag:s8] =	ssyncset.s32 @!p0 $0xFFFFF086;
	s6 =	sadd.s32 @!p0 s3, s7;
	s7 =	simm.s32 @!p0 $0x108  }
0x21: {  	s3 =	sadd.s32 s3, s9;
	s6 =	sadd.s32 @!p0 $0x88, s6;
	s7 =	simm.s32 @p2 $0x1082  }
0x22: {  	[simem:s7], [sflag:s8] =	dma.local @!p0 [hbm:s6], $0xF7A  }
0x23: {  	s9 =	sor.u32 $0xD0000000, s2;
	s6 =	simm.s32 $0x108;
	_ =	swait.ge @!p0 [sflag:s8], $0x0  }
0x24: {  	s3 =	sadd.s32 $0x88, s3;
	s6 =	simm.s32 @!p1 $0x1082;
	[sflag:s4] =	ssyncset.s32 $0xFFFFF086  }
0x25: {  	[simem:s6], [sflag:s4] =	dma.local [hbm:s3], $0xF7A  }
0x26: {  	[smem:$0x3F9C] =	sst s1;
	(tag) =	ssettag s2;
	_ =	strace s9  }
0x27: {  	s1 =	sld [smem:$0x3FAC]  }
0x28: {  	s2 =	sld [smem:$0x3FAD]  }
0x29: {  	s4 =	sld [smem:$0x3FAF]  }
0x2a: {  	p0 =	seq.s32 s5, $0x0;
	s5 =	sld [smem:$0x3FB0]  }
0x2b: {  	s6 =	sld [smem:$0x3FB1]  }
0x2c: {  	s7 =	sld [smem:$0x3FB2]  }
0x2d: {  	s3 =	simm.s32 $0x108;
	s8 =	sld [smem:$0x3FB3]  }
0x2e: {  	s3 =	simm.s32 @!p0 $0x1082;
	s9 =	sld [smem:$0x3FB4]  }
0x2f: {  	lr =	sadd.s32 s0, s3;
	s0 =	sld [smem:$0x3FAB]  }
0x30: {  	s3 =	sld [smem:$0x3FAE]  }
0x31: {  	[smem:$0x3FB7] =	sst s10  }
0x32: {  	s10 =	sld [smem:$0x3FB5];
	_ =	sdelay $0x3  }
0x33: {  	p0 =	seq.s32 s10, $0x1;
	s10 =	sld [smem:$0x3FB7];
	_ =	sdelay $0x3  }
0x34: {  	[smem:$0x3FB7] =	sst s10  }
0x35: {  	s10 =	sld [smem:$0x3FB6];
	_ =	sdelay $0x3  }
0x36: {  	p1 =	seq.s32 s10, $0x1;
	s10 =	sld [smem:$0x3FB7];
	_ =	sdelay $0x3  }
0x37: {  	[smem:$0x3FB7] =	sst s10  }
0x38: {  	s10 =	sld [smem:$0x3FB8]  }
0x39: {  	_ = 	snop;
	(pc) =	sbr.ind lr, $3  }
0x3a: {  	_ = 	snop  }
0x3b: {  	_ = 	snop  }
0x3c: {  	p2 =	seq.s32 s10, $0x1;
	s10 =	sld [smem:$0x3FB7]  }
0x3d: {  	_ =	shalt  }
0x3e: {  	_ =	shalt  }
0x3f: {  	_ =	shalt  }
0x40: {  	_ =	shalt  }
0x41: {  	_ =	shalt  }
0x42: {  	_ =	shalt  }
0x43: {  	_ =	shalt  }
0x44: {  	_ =	shalt  }
0x45: {  	_ =	shalt  }
0x46: {  	_ =	shalt  }
0x47: {  	_ =	shalt  }
0x48: {  	_ =	shalt  }
0x49: {  	_ =	shalt  }
0x4a: {  	_ =	shalt  }
0x4b: {  	_ =	shalt  }
0x4c: {  	_ =	shalt  }
0x4d: {  	_ =	shalt  }
0x4e: {  	_ =	shalt  }
0x4f: {  	_ =	shalt  }
0x50: {  	_ =	shalt  }
0x51: {  	_ =	shalt  }
0x52: {  	_ =	shalt  }
0x53: {  	_ =	shalt  }
0x54: {  	_ =	shalt  }
0x55: {  	_ =	shalt  }
0x56: {  	_ =	shalt  }
0x57: {  	_ =	shalt  }
0x58: {  	_ =	shalt  }
0x59: {  	_ =	shalt  }
0x5a: {  	_ =	shalt  }
0x5b: {  	_ =	shalt  }
0x5c: {  	_ =	shalt  }
0x5d: {  	_ =	shalt  }
0x5e: {  	_ =	shalt  }
0x5f: {  	_ =	shalt  }
0x60: {  	_ =	shalt  }
0x61: {  	_ =	shalt  }
0x62: {  	_ =	shalt  }
0x63: {  	_ =	shalt  }
0x64: {  	_ =	shalt  }
0x65: {  	_ =	shalt  }
0x66: {  	_ =	shalt  }
0x67: {  	_ =	shalt  }
0x68: {  	_ =	shalt  }
0x69: {  	_ =	shalt  }
0x6a: {  	_ =	shalt  }
0x6b: {  	_ =	shalt  }
0x6c: {  	_ =	shalt  }
0x6d: {  	_ =	shalt  }
0x6e: {  	_ =	shalt  }
0x6f: {  	_ =	shalt  }
0x70: {  	_ =	shalt  }
0x71: {  	_ =	shalt  }
0x72: {  	_ =	shalt  }
0x73: {  	_ =	shalt  }
0x74: {  	_ =	shalt  }
0x75: {  	_ =	shalt  }
0x76: {  	_ =	shalt  }
0x77: {  	_ =	shalt  }
0x78: {  	_ =	shalt  }
0x79: {  	_ =	shalt  }
0x7a: {  	_ =	shalt  }
0x7b: {  	_ =	shalt  }
0x7c: {  	_ =	shalt  }
0x7d: {  	_ =	shalt  }
0x7e: {  	_ =	shalt  }
0x7f: {  	_ =	shalt  }
0x80: {  	_ =	shalt  }
0x81: {  	_ =	shalt  }
0x82: {  	_ =	shalt  }
0x83: {  	_ =	shalt  }
0x84: {  	_ =	shalt  }
0x85: {  	_ =	shalt  }
0x86: {  	_ =	shalt  }
0x87: {  	_ =	shalt  }
.Lfunc_end0:
.L_simem_size_0:
called_computation.1_lowered:
.L_overlay_start_0:
0x88: {  	s2 =	sld [smem:$0x3FD9]  }
0x89: {  	s3 =	sld [smem:$0x3FFE];
	_ =	sdelay $0x1  }
0x8a: {  	s1 =	srdreg.scid  }
0x8b: {  	s0 =	sand.u32 $0x1, s1  }
0x8c: {  	s17 =	sshll.u32 s0, $0xA;
	s2 =	sadd.s32 s3, s2  }
0x8d: {  	s2 =	sadd.s32 s2, s17  }
0x8e: {  	[smem:$0x3FC3] =	sst s2  }
0x8f: {  	_ = 	snop  }
0x90: {  	(tm) =	ssettm $0x1  }
0x91: {  	s18 =	sld [smem:$0x3FFB];
	_ =	sdelay $0x3  }
0x92: {  	_ =	strace s18  }
0x93: {  	s2 =	sld [smem:$0x3FFC];
	_ =	sdelay $0x3  }
0x94: {  	_ =	strace s2  }
0x95: {  	s2 =	sld [smem:$0x3FFD];
	_ =	sdelay $0x3  }
0x96: {  	_ =	strace s2  }
0x97: {  	_ =	strace $0x8FFFFFFF  }
0x98: {  	s19 =	sld [smem:$0x3FDB];
	_ =	sdelay $0x1  }
0x99: {  	s20 =	simm.s32 $_scs_section_size  }
0x9a: {  	s4 =	simm.s32 $_size__tile_overlayer_lowered;
	s5 =	simm.s32 $_tile_overlayer_lowered  }
0x9b: {  	s6 =	simm.s32 $0x1BFF;
	s21 =	sshll.u32 s5, $0x1;
	s3 =	sadd.s32 s20, s19  }
0x9c: {  	s22 =	simm.s32 $0x0;
	s4 =	sshll.u32 s4, $0x1;
	s5 =	sadd.s32 s21, s3  }
0x9d: {  	[timem:s22], [sflag:s6] =	dma.local [hbm:s5], s4  }
0x9e: {  	_ =	swait.ge [sflag:s6], s4  }
0x9f: {  	s4 =	ssub.s32 $0x0, s4;
	[sflag:s6] =	ssyncset.done $0x0  }
0xa0: {  	[sflag:s6] =	ssyncadd.s32 s4;
	_ =	sdelay $0x1  }
0xa1: {  	s23 =	simm.s32 $0x1B8B  }
0xa2: {  	_ =	swait.ge [sflag:s23], $0x1  }
0xa3: {  	[sflag:s23] =	ssyncset.done $0x0  }
0xa4: {  	[sflag:s23] =	ssyncadd.s32 $0xFFFFFFFF  }
0xa5: {  	s4 =	sld [smem:$0x0]  }
0xa6: {  	s5 =	sand.u32 $0xFFFFFFFE, s1  }
0xa7: {  	p0 =	sne.s32 s1, s5  }
0xa8: {  	s5 =	sshll.u32 @p0 s5, $0xE  }
0xa9: {  	s5 =	sadd.s32 @p0 $0x11B8D, s5;
	s6 =	sshll.u32 @p0 s4, $0x11  }
0xaa: {  	s5 =	sor.u32 @p0 s6, s5  }
0xab: {  	[sflag:s5] =	ssyncadd.remote.s32 @p0 $0x1;
	_ =	sdelay $0x1  }
0xac: {  	s5 =	simm.s32 @p0 $0x1B8D  }
0xad: {  	_ =	swait.eq @p0 [sflag:s5], $0x1  }
0xae: {  	[sflag:s5] =	ssyncadd.s32 @p0 $0xFFFFFFFF  }
0xaf: {  	s6 =	sshll.u32 @!p0 s1, $0xE  }
0xb0: {  	s6 =	sor.u32 @!p0 $0x4000, s6;
	s5 =	simm.s32 @!p0 $0x1B8D  }
0xb1: {  	s4 =	sshll.u32 @!p0 s4, $0x11;
	s6 =	sadd.s32 @!p0 $0x11B8D, s6;
	_ =	swait.eq @!p0 [sflag:s5], $0x1  }
0xb2: {  	s4 =	sor.u32 @!p0 s4, s6;
	[sflag:s5] =	ssyncadd.s32 @!p0 $0xFFFFFFFF  }
0xb3: {  	s25 =	simm.s32 $0x1B8E;
	s24 =	sld [smem:$0x3FFE];
	[sflag:s4] =	ssyncadd.remote.s32 @!p0 $0x1  }
0xb4: {  	s26 =	simm.s32 $execute0_lowered;
	[smem:$0x3FD2] =	sst s25  }
0xb5: {  	s5 =	sshll.u32 s26, $0x1;
	_ =	strace $0x80000049;
	[dreg:$0x1] =	wrdreg $0xFFFFFFFF  }
0xb6: {  	s28 =	simm.s32 $_size_execute0_lowered;
	s3 =	sadd.s32 s3, s5;
	[dreg:$0x0] =	wrdreg $0x0  }
0xb7: {  	s5 =	sshll.u32 s28, $0x1;
	[dreg:$0x2] =	wrdreg s3  }
0xb8: {  	[dreg:$0x3] =	wrdreg s5  }
0xb9: {  	[dreg:$0x4] =	wrdreg $0xC0  }
0xba: {  	_ =	task [dreg:s22], $0x5FFFF  }
0xbb: {  	[dreg:$0x1] =	wrdreg $0xFFFFFFFF  }
0xbc: {  	[dreg:$0x0] =	wrdreg $0x60  }
0xbd: {  	[dreg:$0x2] =	wrdreg s24  }
0xbe: {  	[dreg:$0x3] =	wrdreg $0x104000  }
0xbf: {  	[dreg:$0x4] =	wrdreg $0xA  }
0xc0: {  	_ =	task.clear_ibuf [dreg:s22], $0x5FFFF;
	_ =	strace $0x90000049  }
0xc1: {  	s29 =	simm.s32 $0xA;
	_ =	strace $0x8000004B  }
0xc2: {  	_ =	swait.ge [sflag:s29], $0x1  }
0xc3: {  	[sflag:s29] =	ssyncadd.s32 $0xFFFFFFFF  }
0xc4: {  	_ =	strace $0x9000004B  }
0xc5: {  	_ =	sfence  }
0xc6: {  	s30 =	sld [smem:$0x0];
	_ =	sdelay $0x2  }
0xc7: {  	s31 =	sshll.u32 s1, $0xD;
	s1 =	sshrl.u32 s1, $0x2  }
0xc8: {  	s4 =	sand.u32 $0x4000, s31;
	s1 =	sadd.s32 s1, s30  }
0xc9: {  	s0 =	sor.u32 s4, s0;
	s1 =	sshll.u32 s1, $0x11  }
0xca: {  	s0 =	sor.u32 s1, s0  }
0xcb: {  	s0 =	sadd.s32 $0x8F2B, s0  }
0xcc: {  	[sflag:s0] =	ssyncadd.remote.s32 $0x1  }
0xcd: {  	_ =	sfence.sel $0xFFFF  }
0xce: {  	[dreg:$0x0] =	wrdreg $0xFFFFFFFF;
	(pc) =	sbr.abs _section_cstart, $3  }
0xcf: {  	[dreg:$0x1] =	wrdreg $0xFFFFFFFF  }
0xd0: {  	_ =	task.clear_ibuf [dreg:s22], $0x2FFFF;
	_ =	strace $0x9FFFFFFF  }
0xd1: {  	(tm) =	ssettm $0x7FFFFFFF  }
tec
execute0_lowered:
.L_overlay_start_1:
0x0: {  	(tag) =	ssettag $0x1  }
0x1: {  	s0 =	rddreg [dreg:$0x0]  }
0x2: {  	s1 =	rddreg [dreg:$0x1];
	s3 =	simm.s32 $0x0  }
0x3: {  	s2 =	srdreg.scid;
	s10 =	stileid.u32;
	s28 =	simm.s32 $0x4400  }
0x4: {  	s29 =	simm.s32 $0x200;
	s30 =	simm.s32 $0x2;
	s31 =	simm.s32 $0x8400  }
0x5: {  	[smem:$0x7FF] =	sst s3;
	s2 =	sand.u32 $0x1, s2;
	s7 =	smul.u32 $0xA000, s10  }
0x6: {  	s4 =	sadd.s32 $0xCA00, s0;
	s5 =	sadd.s32 $0x34200, s0;
	s13 =	smul.u32 $0x28000, s10  }
0x7: {  	s8 =	sadd.s32 $0x47E00, s0;
	s17 =	sshll.u32 s10, $0x6;
	s6 =	smul.u32 $0xA0000, s2  }
0x8: {  	_ =	strace $0x8000004A;
	[dreg:$0x3] =	wrdreg s8;
	s12 =	sshll.u32 s2, $0x4  }
0x9: {  	s9 =	ssub.s32 $0x2, s2;
	s2 =	smul.u32 $0x4F000, s2;
	s8 =	sor.u32 s10, s12  }
0xa: {  	s14 =	sshrl.u32 s9, $0x1;
	s10 =	smul.u32 $0x4F00, s10;
	s12 =	simm.s32 $0x380  }
0xb: {  	s6 =	sadd.s32 s7, s6;
	s8 =	smul.u32 $0x4F00, s8;
	s7 =	sshrl.u32 s13, $0x2  }
0xc: {  	s13 =	simm.s32 $0x0;
	s6 =	sshrl.u32 s6, $0x3;
	s15 =	sadd.s32 s7, s1  }
0xd: {  	s2 =	sadd.s32 s10, s2;
	s0 =	sadd.s32 s6, s0;
	s6 =	ssub.s32 s9, s14  }
0xe: {  	s16 =	sshrl.u32 s8, $0x3;
	s8 =	sor.u32 $0x1C05, s17;
	s23 =	sadd.s32 $0x700, s2  }
0xf: {  	s24 =	sadd.s32 $0x600, s2;
	s10 =	sadd.s32 $0x500, s2;
	s7 =	sadd.s32 s5, s16  }
0x10: {  	s9 =	simm.s32 $0x4;
	s0 =	sadd.s32 $0x4A600, s0;
	[dreg:$0x4] =	wrdreg s7  }
0x11: {  	s22 =	smax.u32 s6, $0x1;
	s25 =	sshrl.u32 s24, $0x3;
	[dreg:$0xb] =	wrdreg s0  }
0x12: {  	s26 =	sshrl.u32 s10, $0x3;
	s11 =	sadd.s32 $0x20, s7;
	[dreg:$0xc] =	wrdreg s22  }
0x13: {  	s24 =	simm.s32 $0x1;
	s18 =	sadd.s32 $0x40, s7;
	[dreg:$0x5] =	wrdreg s11  }
0x14: {  	s6 =	simm.s32 $0x180;
	s19 =	sadd.s32 $0x60, s7;
	[dreg:$0x6] =	wrdreg s18  }
0x15: {  	s10 =	simm.s32 $0xC400;
	s20 =	sadd.s32 $0x980, s7;
	[dreg:$0x7] =	wrdreg s19  }
0x16: {  	s21 =	sadd.s32 $0x9A0, s7;
	s7 =	sadd.s32 $0x9C0, s7;
	[dreg:$0x8] =	wrdreg s20  }
0x17: {  	s0 =	sshrl.u32 s23, $0x3;
	s22 =	simm.s32 $0x5;
	[dreg:$0x9] =	wrdreg s21  }
0x18: {  	s23 =	simm.s32 $0x100;
	[dreg:$0xa] =	wrdreg s7;
	s17 =	sadd.s32 s0, s5  }
0x19: {  	s18 =	sadd.s32 s25, s5;
	s19 =	sadd.s32 s26, s5;
	s20 =	sadd.s32 $0x400, s2  }
0x1a: {  	s21 =	sshrl.u32 s15, $0x3;
	s25 =	simm.s32 $0x80;
	s26 =	simm.s32 $0x400  }
0x1b: {  	s0 =	simm.s32 $0x300;
	s2 =	simm.s32 $0x3;
	s11 =	simm.s32 $0x280  }
.LBB2_1:
0x1c: {  	s7 =	rddreg [dreg:$0x3]  }
0x1d: {  	[spmem:s21], [sflag:s8] =	dma.local [hbm:s7], $0x1400  }
0x1e: {  	_ =	swait.ge [sflag:s22], $0x1400  }
0x1f: {  	[sflag:s22] =	ssyncset.done $0x0  }
0x20: {  	[sflag:s22] =	ssyncadd.s32 $0xFFFFEC00  }
0x21: {  	[bflag:$0x0] =	sbarrier.arrive $0xFFFF  }
0x22: {  	s16 =	rddreg [dreg:$0x4]  }
0x23: {  	[tilespmem:s3], [sflag:$0x1] =	stream.linear.gather [hbm4b:s16+s3], $0x100, $0x38;
	[tilespmem:$0x1A400] =	vst v63  }
0x24: {  	s14 =	rddreg [dreg:$0x5]  }
0x25: {  	[tilespmem:s23], [sflag:$0x1] =	stream.linear.gather [hbm4b:s14+s3], $0x100, $0x38;
	[tilespmem:$0x1A400] =	vst v63  }
0x26: {  	_ =	swait.ge [sflag:s24], $0x100  }
0x27: {  	[sflag:s24] =	ssyncset.done $0x0  }
0x28: {  	[sflag:s24] =	ssyncadd.s32 $0xFFFFFF00  }
0x29: {  	[tilespmem:s26], [sflag:$0x2] =	stream.indirect.gather [hbm4b:s4+s25], $0x80, s3, s25, $0xb8;
	[tilespmem:$0x1A400] =	vst v63  }
0x2a: {  	_ =	swait.ge [sflag:s24], $0x100  }
0x2b: {  	[sflag:s24] =	ssyncset.done $0x0  }
0x2c: {  	[sflag:s24] =	ssyncadd.s32 $0xFFFFFF00  }
0x2d: {  	[tilespmem:s28], [sflag:$0x3] =	stream.indirect.gather [hbm4b:s4+s25], $0x80, s23, s25, $0xb8;
	[tilespmem:$0x1A400] =	vst v63  }
0x2e: {  	s15 =	rddreg [dreg:$0x6]  }
0x2f: {  	[tilespmem:s29], [sflag:$0x1] =	stream.linear.gather [hbm4b:s15+s3], $0x100, $0x38;
	[tilespmem:$0x1A400] =	vst v63  }
0x30: {  	_ =	swait.ge [sflag:s30], $0x4000  }
0x31: {  	[sflag:s30] =	ssyncset.done $0x0  }
0x32: {  	[sflag:s30] =	ssyncadd.s32 $0xFFFFC000  }
0x33: {  	[spmem:s1] =	stream.indirect.scatter.add.f32 [tilespmem:s26], [sflag:$0x4], $0x80, s25, s25, $0xb8;
	[tilespmem:$0x1A400] =	vst v63  }
0x34: {  	_ =	swait.ge [sflag:s24], $0x100  }
0x35: {  	[sflag:s24] =	ssyncset.done $0x0  }
0x36: {  	[sflag:s24] =	ssyncadd.s32 $0xFFFFFF00  }
0x37: {  	[tilespmem:s31], [sflag:$0x2] =	stream.indirect.gather [hbm4b:s4+s25], $0x80, s29, s25, $0xb8;
	[tilespmem:$0x1A400] =	vst v63  }
0x38: {  	s16 =	rddreg [dreg:$0x7]  }
0x39: {  	[tilespmem:s0], [sflag:$0x1] =	stream.linear.gather [hbm4b:s16+s3], $0x100, $0x38;
	[tilespmem:$0x1A400] =	vst v63  }
0x3a: {  	_ =	swait.ge [sflag:s2], $0x4000  }
0x3b: {  	[sflag:s2] =	ssyncset.done $0x0  }
0x3c: {  	[sflag:s2] =	ssyncadd.s32 $0xFFFFC000  }
0x3d: {  	[spmem:s1] =	stream.indirect.scatter.add.f32 [tilespmem:s28], [sflag:$0x4], $0x80, s6, s25, $0xb8;
	[tilespmem:$0x1A400] =	vst v63  }
0x3e: {  	_ =	swait.ge [sflag:s9], $0x4000  }
0x3f: {  	[sflag:s9] =	ssyncset.done $0x0  }
0x40: {  	[sflag:s9] =	ssyncadd.s32 $0xFFFFC000  }
0x41: {  	_ =	swait.ge [sflag:s24], $0x100  }
0x42: {  	[sflag:s24] =	ssyncset.done $0x0  }
0x43: {  	s14 =	sshrl.u32 s20, $0x3;
	[sflag:s24] =	ssyncadd.s32 $0xFFFFFF00  }
0x44: {  	[tilespmem:s10], [sflag:$0x3] =	stream.indirect.gather [hbm4b:s4+s25], $0x80, s0, s25, $0xb8;
	[tilespmem:$0x1A400] =	vst v63  }
0x45: {  	s14 =	sadd.s32 s5, s14  }
0x46: {  	[tilespmem:s3], [sflag:$0x1] =	stream.linear.gather [hbm4b:s14+s3], $0x100, $0x38;
	[tilespmem:$0x1A400] =	vst v63  }
0x47: {  	_ =	swait.ge [sflag:s30], $0x4000  }
0x48: {  	[sflag:s30] =	ssyncset.done $0x0  }
0x49: {  	[sflag:s30] =	ssyncadd.s32 $0xFFFFC000  }
0x4a: {  	[spmem:s1] =	stream.indirect.scatter.add.f32 [tilespmem:s31], [sflag:$0x4], $0x80, s11, s25, $0xb8;
	[tilespmem:$0x1A400] =	vst v63  }
0x4b: {  	_ =	swait.ge [sflag:s9], $0x4000  }
0x4c: {  	[sflag:s9] =	ssyncset.done $0x0  }
0x4d: {  	[sflag:s9] =	ssyncadd.s32 $0xFFFFC000  }
0x4e: {  	_ =	swait.ge [sflag:s24], $0x100  }
0x4f: {  	[sflag:s24] =	ssyncset.done $0x0  }
0x50: {  	[sflag:s24] =	ssyncadd.s32 $0xFFFFFF00  }
0x51: {  	[tilespmem:s26], [sflag:$0x2] =	stream.indirect.gather [hbm4b:s4+s25], $0x80, s3, s25, $0xb8;
	[tilespmem:$0x1A400] =	vst v63  }
0x52: {  	s7 =	sadd.s32 $0x0, s19  }
0x53: {  	[tilespmem:s23], [sflag:$0x1] =	stream.linear.gather [hbm4b:s7+s3], $0x100, $0x38;
	[tilespmem:$0x1A400] =	vst v63  }
0x54: {  	_ =	swait.ge [sflag:s2], $0x4000  }
0x55: {  	[sflag:s2] =	ssyncset.done $0x0  }
0x56: {  	[sflag:s2] =	ssyncadd.s32 $0xFFFFC000  }
0x57: {  	[spmem:s1] =	stream.indirect.scatter.add.f32 [tilespmem:s10], [sflag:$0x4], $0x80, s12, s25, $0xb8;
	[tilespmem:$0x1A400] =	vst v63  }
0x58: {  	_ =	swait.ge [sflag:s9], $0x4000  }
0x59: {  	[sflag:s9] =	ssyncset.done $0x0  }
0x5a: {  	[sflag:s9] =	ssyncadd.s32 $0xFFFFC000  }
0x5b: {  	_ =	swait.ge [sflag:s24], $0x100  }
0x5c: {  	[sflag:s24] =	ssyncset.done $0x0  }
0x5d: {  	[sflag:s24] =	ssyncadd.s32 $0xFFFFFF00  }
0x5e: {  	[tilespmem:s28], [sflag:$0x3] =	stream.indirect.gather [hbm4b:s4+s25], $0x80, s23, s25, $0xb8;
	[tilespmem:$0x1A400] =	vst v63  }
0x5f: {  	s15 =	sadd.s32 $0x0, s18  }
0x60: {  	[tilespmem:s29], [sflag:$0x1] =	stream.linear.gather [hbm4b:s15+s3], $0x100, $0x38;
	[tilespmem:$0x1A400] =	vst v63  }
0x61: {  	_ =	swait.ge [sflag:s30], $0x4000  }
0x62: {  	[sflag:s30] =	ssyncset.done $0x0  }
0x63: {  	[sflag:s30] =	ssyncadd.s32 $0xFFFFC000  }
0x64: {  	[spmem:s1] =	stream.indirect.scatter.add.f32 [tilespmem:s26], [sflag:$0x4], $0x80, s25, s25, $0xb8;
	[tilespmem:$0x1A400] =	vst v63  }
0x65: {  	_ =	swait.ge [sflag:s9], $0x4000  }
0x66: {  	[sflag:s9] =	ssyncset.done $0x0  }
0x67: {  	[sflag:s9] =	ssyncadd.s32 $0xFFFFC000  }
0x68: {  	_ =	swait.ge [sflag:s24], $0x100  }
0x69: {  	[sflag:s24] =	ssyncset.done $0x0  }
0x6a: {  	[sflag:s24] =	ssyncadd.s32 $0xFFFFFF00  }
0x6b: {  	[tilespmem:s31], [sflag:$0x2] =	stream.indirect.gather [hbm4b:s4+s25], $0x80, s29, s25, $0xb8;
	[tilespmem:$0x1A400] =	vst v63  }
0x6c: {  	s16 =	sadd.s32 $0x0, s17  }
0x6d: {  	[tilespmem:s0], [sflag:$0x1] =	stream.linear.gather [hbm4b:s16+s3], $0x100, $0x38;
	[tilespmem:$0x1A400] =	vst v63  }
0x6e: {  	_ =	swait.ge [sflag:s2], $0x4000  }
0x6f: {  	[sflag:s2] =	ssyncset.done $0x0  }
0x70: {  	s14 =	simm.s32 $0x80;
	s15 =	sadd.s32 $0x400, s20;
	[sflag:s2] =	ssyncadd.s32 $0xFFFFC000  }
.LBB2_2:
0x71: {  	[spmem:s1] =	stream.indirect.scatter.add.f32 [tilespmem:s28], [sflag:$0x4], $0x80, s6, s25, $0xb8;
	[tilespmem:$0x1A400] =	vst v63  }
0x72: {  	s16 =	smov.u32 s14  }
0x73: {  	p0 =	sne.s32 s14, $0x880;
	s14 =	sadd.s32 $0x80, s14;
	_ =	swait.ge [sflag:s9], $0x4000  }
0x74: {  	[sflag:s9] =	ssyncset.done $0x0  }
0x75: {  	[sflag:s9] =	ssyncadd.s32 $0xFFFFC000  }
0x76: {  	_ =	swait.ge [sflag:s24], $0x100  }
0x77: {  	[sflag:s24] =	ssyncset.done $0x0  }
0x78: {  	s7 =	sshrl.u32 s15, $0x3;
	[sflag:s24] =	ssyncadd.s32 $0xFFFFFF00  }
0x79: {  	[tilespmem:s10], [sflag:$0x3] =	stream.indirect.gather [hbm4b:s4+s25], $0x80, s0, s25, $0xb8;
	[tilespmem:$0x1A400] =	vst v63  }
0x7a: {  	s7 =	sadd.s32 s5, s7  }
0x7b: {  	[tilespmem:s3], [sflag:$0x1] =	stream.linear.gather [hbm4b:s7+s3], $0x100, $0x38;
	[tilespmem:$0x1A400] =	vst v63  }
0x7c: {  	_ =	swait.ge [sflag:s30], $0x4000  }
0x7d: {  	[sflag:s30] =	ssyncset.done $0x0  }
0x7e: {  	[sflag:s30] =	ssyncadd.s32 $0xFFFFC000  }
0x7f: {  	[spmem:s1] =	stream.indirect.scatter.add.f32 [tilespmem:s31], [sflag:$0x4], $0x80, s11, s25, $0xb8;
	[tilespmem:$0x1A400] =	vst v63  }
0x80: {  	_ =	swait.ge [sflag:s9], $0x4000  }
0x81: {  	[sflag:s9] =	ssyncset.done $0x0  }
0x82: {  	[sflag:s9] =	ssyncadd.s32 $0xFFFFC000  }
0x83: {  	_ =	swait.ge [sflag:s24], $0x100  }
0x84: {  	[sflag:s24] =	ssyncset.done $0x0  }
0x85: {  	[sflag:s24] =	ssyncadd.s32 $0xFFFFFF00  }
0x86: {  	[tilespmem:s26], [sflag:$0x2] =	stream.indirect.gather [hbm4b:s4+s25], $0x80, s3, s25, $0xb8;
	[tilespmem:$0x1A400] =	vst v63  }
0x87: {  	s7 =	sadd.s32 s16, s19  }
0x88: {  	[tilespmem:s23], [sflag:$0x1] =	stream.linear.gather [hbm4b:s7+s3], $0x100, $0x38;
	[tilespmem:$0x1A400] =	vst v63  }
0x89: {  	_ =	swait.ge [sflag:s2], $0x4000  }
0x8a: {  	[sflag:s2] =	ssyncset.done $0x0  }
0x8b: {  	[sflag:s2] =	ssyncadd.s32 $0xFFFFC000  }
0x8c: {  	[spmem:s1] =	stream.indirect.scatter.add.f32 [tilespmem:s10], [sflag:$0x4], $0x80, s12, s25, $0xb8;
	[tilespmem:$0x1A400] =	vst v63  }
0x8d: {  	_ =	swait.ge [sflag:s9], $0x4000  }
0x8e: {  	[sflag:s9] =	ssyncset.done $0x0  }
0x8f: {  	[sflag:s9] =	ssyncadd.s32 $0xFFFFC000  }
0x90: {  	_ =	swait.ge [sflag:s24], $0x100  }
0x91: {  	[sflag:s24] =	ssyncset.done $0x0  }
0x92: {  	[sflag:s24] =	ssyncadd.s32 $0xFFFFFF00  }
0x93: {  	[tilespmem:s28], [sflag:$0x3] =	stream.indirect.gather [hbm4b:s4+s25], $0x80, s23, s25, $0xb8;
	[tilespmem:$0x1A400] =	vst v63  }
0x94: {  	s7 =	sadd.s32 s16, s18  }
0x95: {  	[tilespmem:s29], [sflag:$0x1] =	stream.linear.gather [hbm4b:s7+s3], $0x100, $0x38;
	[tilespmem:$0x1A400] =	vst v63  }
0x96: {  	_ =	swait.ge [sflag:s30], $0x4000  }
0x97: {  	[sflag:s30] =	ssyncset.done $0x0  }
0x98: {  	[sflag:s30] =	ssyncadd.s32 $0xFFFFC000  }
0x99: {  	[spmem:s1] =	stream.indirect.scatter.add.f32 [tilespmem:s26], [sflag:$0x4], $0x80, s25, s25, $0xb8;
	[tilespmem:$0x1A400] =	vst v63  }
0x9a: {  	_ =	swait.ge [sflag:s9], $0x4000  }
0x9b: {  	[sflag:s9] =	ssyncset.done $0x0  }
0x9c: {  	[sflag:s9] =	ssyncadd.s32 $0xFFFFC000  }
0x9d: {  	_ =	swait.ge [sflag:s24], $0x100  }
0x9e: {  	[sflag:s24] =	ssyncset.done $0x0  }
0x9f: {  	[sflag:s24] =	ssyncadd.s32 $0xFFFFFF00  }
0xa0: {  	[tilespmem:s31], [sflag:$0x2] =	stream.indirect.gather [hbm4b:s4+s25], $0x80, s29, s25, $0xb8;
	[tilespmem:$0x1A400] =	vst v63  }
.Ltmp0:
0xa1: {  	s7 =	sadd.s32 s16, s17;
	(pc) =	sbr.rel @p0 .LBB2_2-.Ltmp0, $4  }
0xa2: {  	[tilespmem:s0], [sflag:$0x1] =	stream.linear.gather [hbm4b:s7+s3], $0x100, $0x38;
	[tilespmem:$0x1A400] =	vst v63  }
0xa3: {  	_ =	swait.ge [sflag:s2], $0x4000  }
0xa4: {  	[sflag:s2] =	ssyncset.done $0x0  }
0xa5: {  	s15 =	sadd.s32 $0x400, s15;
	[sflag:s2] =	ssyncadd.s32 $0xFFFFC000  }
0xa6: {  	[spmem:s1] =	stream.indirect.scatter.add.f32 [tilespmem:s28], [sflag:$0x4], $0x80, s6, s25, $0xb8;
	[tilespmem:$0x1A400] =	vst v63  }
0xa7: {  	_ =	swait.ge [sflag:s9], $0x4000  }
0xa8: {  	[sflag:s9] =	ssyncset.done $0x0  }
0xa9: {  	[sflag:s9] =	ssyncadd.s32 $0xFFFFC000  }
0xaa: {  	_ =	swait.ge [sflag:s24], $0x100  }
0xab: {  	[sflag:s24] =	ssyncset.done $0x0  }
0xac: {  	[sflag:s24] =	ssyncadd.s32 $0xFFFFFF00  }
0xad: {  	[tilespmem:s10], [sflag:$0x3] =	stream.indirect.gather [hbm4b:s4+s25], $0x80, s0, s25, $0xb8;
	[tilespmem:$0x1A400] =	vst v63  }
0xae: {  	s7 =	rddreg [dreg:$0x8]  }
0xaf: {  	[tilespmem:s3], [sflag:$0x1] =	stream.linear.gather [hbm4b:s7+s3], $0x100, $0x38;
	[tilespmem:$0x1A400] =	vst v63  }
0xb0: {  	_ =	swait.ge [sflag:s30], $0x4000  }
0xb1: {  	[sflag:s30] =	ssyncset.done $0x0  }
0xb2: {  	[sflag:s30] =	ssyncadd.s32 $0xFFFFC000  }
0xb3: {  	[spmem:s1] =	stream.indirect.scatter.add.f32 [tilespmem:s31], [sflag:$0x4], $0x80, s11, s25, $0xb8;
	[tilespmem:$0x1A400] =	vst v63  }
0xb4: {  	_ =	swait.ge [sflag:s9], $0x4000  }
0xb5: {  	[sflag:s9] =	ssyncset.done $0x0  }
0xb6: {  	[sflag:s9] =	ssyncadd.s32 $0xFFFFC000  }
0xb7: {  	_ =	swait.ge [sflag:s24], $0x100  }
0xb8: {  	[sflag:s24] =	ssyncset.done $0x0  }
0xb9: {  	[sflag:s24] =	ssyncadd.s32 $0xFFFFFF00  }
0xba: {  	[tilespmem:s26], [sflag:$0x2] =	stream.indirect.gather [hbm4b:s4+s25], $0x80, s3, s25, $0xb8;
	[tilespmem:$0x1A400] =	vst v63  }
0xbb: {  	s16 =	rddreg [dreg:$0x9]  }
0xbc: {  	[tilespmem:s23], [sflag:$0x1] =	stream.linear.gather [hbm4b:s16+s3], $0x100, $0x38;
	[tilespmem:$0x1A400] =	vst v63  }
0xbd: {  	_ =	swait.ge [sflag:s2], $0x4000  }
0xbe: {  	[sflag:s2] =	ssyncset.done $0x0  }
0xbf: {  	[sflag:s2] =	ssyncadd.s32 $0xFFFFC000  }
0xc0: {  	[spmem:s1] =	stream.indirect.scatter.add.f32 [tilespmem:s10], [sflag:$0x4], $0x80, s12, s25, $0xb8;
	[tilespmem:$0x1A400] =	vst v63  }
0xc1: {  	_ =	swait.ge [sflag:s9], $0x4000  }
0xc2: {  	[sflag:s9] =	ssyncset.done $0x0  }
0xc3: {  	[sflag:s9] =	ssyncadd.s32 $0xFFFFC000  }
0xc4: {  	_ =	swait.ge [sflag:s24], $0x100  }
0xc5: {  	[sflag:s24] =	ssyncset.done $0x0  }
0xc6: {  	[sflag:s24] =	ssyncadd.s32 $0xFFFFFF00  }
0xc7: {  	[tilespmem:s28], [sflag:$0x3] =	stream.indirect.gather [hbm4b:s4+s25], $0x80, s23, s25, $0xb8;
	[tilespmem:$0x1A400] =	vst v63  }
0xc8: {  	s14 =	rddreg [dreg:$0xa]  }
0xc9: {  	[tilespmem:s29], [sflag:$0x1] =	stream.linear.gather [hbm4b:s14+s3], $0x100, $0x38;
	[tilespmem:$0x1A400] =	vst v63  }
0xca: {  	_ =	swait.ge [sflag:s30], $0x4000  }
0xcb: {  	[sflag:s30] =	ssyncset.done $0x0  }
0xcc: {  	[sflag:s30] =	ssyncadd.s32 $0xFFFFC000  }
0xcd: {  	[spmem:s1] =	stream.indirect.scatter.add.f32 [tilespmem:s26], [sflag:$0x4], $0x80, s25, s25, $0xb8;
	[tilespmem:$0x1A400] =	vst v63  }
0xce: {  	_ =	swait.ge [sflag:s9], $0x4000  }
0xcf: {  	[sflag:s9] =	ssyncset.done $0x0  }
0xd0: {  	[sflag:s9] =	ssyncadd.s32 $0xFFFFC000  }
0xd1: {  	_ =	swait.ge [sflag:s24], $0x100  }
0xd2: {  	[sflag:s24] =	ssyncset.done $0x0  }
0xd3: {  	[sflag:s24] =	ssyncadd.s32 $0xFFFFFF00  }
0xd4: {  	[tilespmem:s31], [sflag:$0x2] =	stream.indirect.gather [hbm4b:s4+s25], $0x80, s29, s25, $0xb8;
	[tilespmem:$0x1A400] =	vst v63  }
0xd5: {  	_ =	swait.ge [sflag:s2], $0x4000  }
0xd6: {  	[sflag:s2] =	ssyncset.done $0x0  }
0xd7: {  	[sflag:s2] =	ssyncadd.s32 $0xFFFFC000  }
0xd8: {  	[spmem:s1] =	stream.indirect.scatter.add.f32 [tilespmem:s28], [sflag:$0x4], $0x80, s6, s25, $0xb8;
	[tilespmem:$0x1A400] =	vst v63  }
0xd9: {  	_ =	swait.ge [sflag:s9], $0x4000  }
0xda: {  	[sflag:s9] =	ssyncset.done $0x0  }
0xdb: {  	[sflag:s9] =	ssyncadd.s32 $0xFFFFC000  }
0xdc: {  	_ =	swait.ge [sflag:s30], $0x4000  }
0xdd: {  	[sflag:s30] =	ssyncset.done $0x0  }
0xde: {  	[sflag:s30] =	ssyncadd.s32 $0xFFFFC000  }
0xdf: {  	[spmem:s1] =	stream.indirect.scatter.add.f32 [tilespmem:s31], [sflag:$0x4], $0x80, s11, s25, $0xb8;
	[tilespmem:$0x1A400] =	vst v63  }
0xe0: {  	_ =	swait.ge [sflag:s9], $0x4000  }
0xe1: {  	[sflag:s9] =	ssyncset.done $0x0  }
0xe2: {  	[sflag:s9] =	ssyncadd.s32 $0xFFFFC000  }
0xe3: {  	_ =	swait.ge [sflag:s9], $0x4000  }
0xe4: {  	[sflag:s9] =	ssyncset.done $0x0  }
0xe5: {  	[sflag:s9] =	ssyncadd.s32 $0xFFFFC000  }
0xe6: {  	[bflag:$0x0] =	sbarrier.arrive $0xFFFF  }
0xe7: {  	s15 =	rddreg [dreg:$0xb]  }
0xe8: {  	[hbm:s15], [sflag:s8] =	dma.local [spmem:s21], $0x1400  }
0xe9: {  	_ =	swait.ge [sflag:s22], $0x1400  }
0xea: {  	s13 =	sadd.s32 $0x1, s13;
	s16 =	rddreg [dreg:$0xc]  }
0xeb: {  	p0 =	sne.s32 s13, s16  }
.Ltmp1:
0xec: {  	_ = 	snop;
	(pc) =	sbr.rel @p0 .LBB2_1-.Ltmp1, $3  }
0xed: {  	_ =	sdelay $0x1  }
0xee: {  	[sflag:s22] =	ssyncset.done $0x0  }
0xef: {  	[sflag:s22] =	ssyncadd.s32 $0xFFFFEC00  }
0xf0: {  	_ =	sfence.sel $0x180000  }
0xf1: {  	[bflag:$0x0] =	sbarrier.arrive $0xFFFF  }
0xf2: {  	_ =	strace $0x9000004A  }
0xf3: {  	s0 =	stileid.u32;
	[bflag:$0x2] =	sbarrier.arrive $0xFFFF  }
0xf4: {  	p0 =	sne.s32 s0, $0x0;
	s0 =	rddreg [dreg:$0x2]  }
0xf5: {  	s0 =	sadd.s32 @!p0 $0x100000, s0  }
0xf6: {  	[sflag:s0] =	ssyncadd.tile.s32 @!p0 $0x1;
	_ =	shalt  }
.Lfunc_end2:
_tile_overlayer_lowered:
.L_overlay_start_2:
0xf7: {  	(tag) =	ssettag $0x2  }
0xf8: {  	s0 =	rddreg [dreg:$0x0];
	s2 =	stileid.u32  }
0xf9: {  	s1 =	rddreg [dreg:$0x1];
	p0 =	sne.s32 s2, $0x0  }
0xfa: {  	s3 =	rddreg [dreg:$0x2];
	[bflag:$0x3] =	sbarrier.arrive $0xFFFF;
	s2 =	simm.s32 @!p0 $0x1C05  }
0xfb: {  	[timem:s3], [sflag:s2] =	dma.local @!p0 [hbm:s0], s1  }
0xfc: {  	s0 =	simm.s32 @!p0 $0x5  }
0xfd: {  	_ =	swait.ge @!p0 [sflag:s0], s1  }
0xfe: {  	s1 =	ssub.s32 @!p0 $0x0, s1;
	[sflag:s0] =	ssyncset.done @!p0 $0x0  }
0xff: {  	[sflag:s0] =	ssyncadd.s32 @!p0 s1  }
0x100: {  	[bflag:$0x3] =	sbarrier.arrive $0xFFFF  }
0x101: {  	_ =	shalt  }

// kernel: kernel.14.cloned.1.call-start
scs
__scs_entry_jumppad:
0x0: {  	(pc) =	sbr.rel $0x88, $3  }
0x1: {  	(tag) =	ssettag $0x0;
	lr =	simm.s32 $0x1  }
0x2: {  	[smem:$0x3F9C] =	sst lr;
	_ =	strace $0xD0000000  }
0x3: {  	_ = 	snop  }
0x4: {  	_ = 	snop  }
0x5: {  	_ = 	snop  }
0x6: {  	_ = 	snop  }
0x7: {  	_ = 	snop  }
__scs_overlays_trampoline_lowered:
0x8: {  	[smem:$0x3FAB] =	sst s0  }
0x9: {  	[smem:$0x3FAC] =	sst s1  }
0xa: {  	[smem:$0x3FAD] =	sst s2  }
0xb: {  	[smem:$0x3FAE] =	sst s3  }
0xc: {  	[smem:$0x3FAF] =	sst s4  }
0xd: {  	[smem:$0x3FB0] =	sst s5  }
0xe: {  	[smem:$0x3FB1] =	sst s6  }
0xf: {  	[smem:$0x3FB2] =	sst s7  }
0x10: {  	[smem:$0x3FB3] =	sst s8  }
0x11: {  	[smem:$0x3FB4] =	sst s9;
	s0 =	simm.s32 @!p0 $0x0  }
0x12: {  	s1 =	sld [smem:$0x3F9A];
	s0 =	simm.s32 @p0 $0x1  }
0x13: {  	[smem:$0x3FB5] =	sst s0;
	s0 =	simm.s32 @!p1 $0x0  }
0x14: {  	s2 =	sld [smem:$0x3F99];
	s0 =	simm.s32 @p1 $0x1  }
0x15: {  	[smem:$0x3FB6] =	sst s0;
	s0 =	simm.s32 @!p2 $0x0  }
0x16: {  	s3 =	sld [smem:$0x3FDB];
	s0 =	simm.s32 @p2 $0x1  }
0x17: {  	s4 =	simm.s32 $0x1BF5;
	[smem:$0x3FB8] =	sst s0  }
0x18: {  	s0 =	sld [smem:$0x3F9B];
	_ =	swait.ge [sflag:s4], $0x0  }
0x19: {  	s7 =	sld [smem:$0x3F9C]  }
0x1a: {  	s8 =	sadd.s32 $0xFFFFE003, lr  }
0x1b: {  	s9 =	sadd.s32 $0xFFFFFEF7, lr;
	s5 =	simm.s32 $0xFFFFFFFF;
	p2 =	slt.u32 s8, $0xFFFFF086  }
0x1c: {  	p1 =	slt.u32 s9, $0xF7A;
	s5 =	simm.s32 @!p2 $0x0  }
0x1d: {  	s5 =	simm.s32 @p1 $0x1;
	p0 =	seq.s32 s7, s2  }
0x1e: {  	s7 =	smul.u32 @!p0 $0xF7A, s2;
	p2 =	seq.s32 @!p0 s5, $0x0  }
0x1f: {  	s9 =	smul.u32 $0xF7A, s1;
	s8 =	simm.s32 @!p0 $0x1BF5;
	p2 =	por !p2, p0  }
0x20: {  	[sflag:s8] =	ssyncset.s32 @!p0 $0xFFFFF086;
	s6 =	sadd.s32 @!p0 s3, s7;
	s7 =	simm.s32 @!p0 $0x108  }
0x21: {  	s3 =	sadd.s32 s3, s9;
	s6 =	sadd.s32 @!p0 $0x88, s6;
	s7 =	simm.s32 @p2 $0x1082  }
0x22: {  	[simem:s7], [sflag:s8] =	dma.local @!p0 [hbm:s6], $0xF7A  }
0x23: {  	s9 =	sor.u32 $0xD0000000, s2;
	s6 =	simm.s32 $0x108;
	_ =	swait.ge @!p0 [sflag:s8], $0x0  }
0x24: {  	s3 =	sadd.s32 $0x88, s3;
	s6 =	simm.s32 @!p1 $0x1082;
	[sflag:s4] =	ssyncset.s32 $0xFFFFF086  }
0x25: {  	[simem:s6], [sflag:s4] =	dma.local [hbm:s3], $0xF7A  }
0x26: {  	[smem:$0x3F9C] =	sst s1;
	(tag) =	ssettag s2;
	_ =	strace s9  }
0x27: {  	s1 =	sld [smem:$0x3FAC]  }
0x28: {  	s2 =	sld [smem:$0x3FAD]  }
0x29: {  	s4 =	sld [smem:$0x3FAF]  }
0x2a: {  	p0 =	seq.s32 s5, $0x0;
	s5 =	sld [smem:$0x3FB0]  }
0x2b: {  	s6 =	sld [smem:$0x3FB1]  }
0x2c: {  	s7 =	sld [smem:$0x3FB2]  }
0x2d: {  	s3 =	simm.s32 $0x108;
	s8 =	sld [smem:$0x3FB3]  }
0x2e: {  	s3 =	simm.s32 @!p0 $0x1082;
	s9 =	sld [smem:$0x3FB4]  }
0x2f: {  	lr =	sadd.s32 s0, s3;
	s0 =	sld [smem:$0x3FAB]  }
0x30: {  	s3 =	sld [smem:$0x3FAE]  }
0x31: {  	[smem:$0x3FB7] =	sst s10  }
0x32: {  	s10 =	sld [smem:$0x3FB5];
	_ =	sdelay $0x3  }
0x33: {  	p0 =	seq.s32 s10, $0x1;
	s10 =	sld [smem:$0x3FB7];
	_ =	sdelay $0x3  }
0x34: {  	[smem:$0x3FB7] =	sst s10  }
0x35: {  	s10 =	sld [smem:$0x3FB6];
	_ =	sdelay $0x3  }
0x36: {  	p1 =	seq.s32 s10, $0x1;
	s10 =	sld [smem:$0x3FB7];
	_ =	sdelay $0x3  }
0x37: {  	[smem:$0x3FB7] =	sst s10  }
0x38: {  	s10 =	sld [smem:$0x3FB8]  }
0x39: {  	_ = 	snop;
	(pc) =	sbr.ind lr, $3  }
0x3a: {  	_ = 	snop  }
0x3b: {  	_ = 	snop  }
0x3c: {  	p2 =	seq.s32 s10, $0x1;
	s10 =	sld [smem:$0x3FB7]  }
0x3d: {  	_ =	shalt  }
0x3e: {  	_ =	shalt  }
0x3f: {  	_ =	shalt  }
0x40: {  	_ =	shalt  }
0x41: {  	_ =	shalt  }
0x42: {  	_ =	shalt  }
0x43: {  	_ =	shalt  }
0x44: {  	_ =	shalt  }
0x45: {  	_ =	shalt  }
0x46: {  	_ =	shalt  }
0x47: {  	_ =	shalt  }
0x48: {  	_ =	shalt  }
0x49: {  	_ =	shalt  }
0x4a: {  	_ =	shalt  }
0x4b: {  	_ =	shalt  }
0x4c: {  	_ =	shalt  }
0x4d: {  	_ =	shalt  }
0x4e: {  	_ =	shalt  }
0x4f: {  	_ =	shalt  }
0x50: {  	_ =	shalt  }
0x51: {  	_ =	shalt  }
0x52: {  	_ =	shalt  }
0x53: {  	_ =	shalt  }
0x54: {  	_ =	shalt  }
0x55: {  	_ =	shalt  }
0x56: {  	_ =	shalt  }
0x57: {  	_ =	shalt  }
0x58: {  	_ =	shalt  }
0x59: {  	_ =	shalt  }
0x5a: {  	_ =	shalt  }
0x5b: {  	_ =	shalt  }
0x5c: {  	_ =	shalt  }
0x5d: {  	_ =	shalt  }
0x5e: {  	_ =	shalt  }
0x5f: {  	_ =	shalt  }
0x60: {  	_ =	shalt  }
0x61: {  	_ =	shalt  }
0x62: {  	_ =	shalt  }
0x63: {  	_ =	shalt  }
0x64: {  	_ =	shalt  }
0x65: {  	_ =	shalt  }
0x66: {  	_ =	shalt  }
0x67: {  	_ =	shalt  }
0x68: {  	_ =	shalt  }
0x69: {  	_ =	shalt  }
0x6a: {  	_ =	shalt  }
0x6b: {  	_ =	shalt  }
0x6c: {  	_ =	shalt  }
0x6d: {  	_ =	shalt  }
0x6e: {  	_ =	shalt  }
0x6f: {  	_ =	shalt  }
0x70: {  	_ =	shalt  }
0x71: {  	_ =	shalt  }
0x72: {  	_ =	shalt  }
0x73: {  	_ =	shalt  }
0x74: {  	_ =	shalt  }
0x75: {  	_ =	shalt  }
0x76: {  	_ =	shalt  }
0x77: {  	_ =	shalt  }
0x78: {  	_ =	shalt  }
0x79: {  	_ =	shalt  }
0x7a: {  	_ =	shalt  }
0x7b: {  	_ =	shalt  }
0x7c: {  	_ =	shalt  }
0x7d: {  	_ =	shalt  }
0x7e: {  	_ =	shalt  }
0x7f: {  	_ =	shalt  }
0x80: {  	_ =	shalt  }
0x81: {  	_ =	shalt  }
0x82: {  	_ =	shalt  }
0x83: {  	_ =	shalt  }
0x84: {  	_ =	shalt  }
0x85: {  	_ =	shalt  }
0x86: {  	_ =	shalt  }
0x87: {  	_ =	shalt  }
.Lfunc_end0:
.L_simem_size_0:
called_computation.2_lowered:
.L_overlay_start_0:
0x88: {  	s2 =	sld [smem:$0x3FD9]  }
0x89: {  	s3 =	sld [smem:$0x3FFE];
	_ =	sdelay $0x1  }
0x8a: {  	s1 =	srdreg.scid  }
0x8b: {  	s0 =	sand.u32 $0x1, s1  }
0x8c: {  	s17 =	sshll.u32 s0, $0xA;
	s2 =	sadd.s32 s3, s2  }
0x8d: {  	s2 =	sadd.s32 s2, s17  }
0x8e: {  	[smem:$0x3FC3] =	sst s2  }
0x8f: {  	_ = 	snop  }
0x90: {  	s2 =	sld [smem:$0x3FD0];
	(tm) =	ssettm $0x1  }
0x91: {  	s18 =	sld [smem:$0x3FFB];
	_ =	sdelay $0x3  }
0x92: {  	_ =	strace s18  }
0x93: {  	s3 =	sld [smem:$0x3FFC];
	_ =	sdelay $0x3  }
0x94: {  	_ =	strace s3  }
0x95: {  	s3 =	sld [smem:$0x3FFD];
	_ =	sdelay $0x3  }
0x96: {  	_ =	strace s3  }
0x97: {  	_ =	strace $0x8FFFFFFF  }
0x98: {  	s19 =	sld [smem:$0x3FDB];
	_ =	sdelay $0x1  }
0x99: {  	s4 =	simm.s32 $_scs_section_size  }
0x9a: {  	s5 =	simm.s32 $_size__tile_overlayer_lowered;
	s6 =	simm.s32 $_tile_overlayer_lowered  }
0x9b: {  	s22 =	simm.s32 $0x1BFF;
	s21 =	sshll.u32 s6, $0x1;
	s3 =	sadd.s32 s4, s19  }
0x9c: {  	s7 =	simm.s32 $0x0;
	s20 =	sshll.u32 s5, $0x1;
	s5 =	sadd.s32 s21, s3  }
0x9d: {  	[timem:s7], [sflag:s22] =	dma.local [hbm:s5], s20  }
0x9e: {  	_ =	swait.ge [sflag:s22], s20  }
0x9f: {  	s4 =	ssub.s32 $0x0, s20;
	[sflag:s22] =	ssyncset.done $0x0  }
0xa0: {  	[sflag:s22] =	ssyncadd.s32 s4;
	_ =	sdelay $0x1  }
0xa1: {  	s23 =	simm.s32 $0x1B8B  }
0xa2: {  	_ =	swait.ge [sflag:s23], $0x1  }
0xa3: {  	[sflag:s23] =	ssyncset.done $0x0  }
0xa4: {  	s25 =	simm.s32 $0x1B8E;
	s24 =	sld [smem:$0x3FFE];
	[sflag:s23] =	ssyncadd.s32 $0xFFFFFFFF  }
0xa5: {  	s26 =	simm.s32 $execute0_lowered;
	[smem:$0x3FD2] =	sst s25  }
0xa6: {  	s5 =	sshll.u32 s26, $0x1;
	_ =	strace $0x8000004C;
	[dreg:$0x1] =	wrdreg $0xFFFFFFFF  }
0xa7: {  	s28 =	simm.s32 $_size_execute0_lowered;
	s3 =	sadd.s32 s3, s5;
	[dreg:$0x0] =	wrdreg $0x0  }
0xa8: {  	s5 =	sshll.u32 s28, $0x1;
	[dreg:$0x2] =	wrdreg s3  }
0xa9: {  	[dreg:$0x3] =	wrdreg s5  }
0xaa: {  	[dreg:$0x4] =	wrdreg $0xC0  }
0xab: {  	_ =	task [dreg:s7], $0x5FFFF  }
0xac: {  	[dreg:$0x1] =	wrdreg $0xFFFFFFFF  }
0xad: {  	[dreg:$0x0] =	wrdreg $0x60  }
0xae: {  	[dreg:$0x2] =	wrdreg s2  }
0xaf: {  	[dreg:$0x3] =	wrdreg s24  }
0xb0: {  	[dreg:$0x4] =	wrdreg $0x82000  }
0xb1: {  	[dreg:$0x5] =	wrdreg $0x9  }
0xb2: {  	_ =	task.clear_ibuf [dreg:s7], $0x6FFFF;
	_ =	strace $0x9000004C  }
0xb3: {  	s29 =	simm.s32 $0x9;
	_ =	strace $0x8000004E  }
0xb4: {  	_ =	swait.ge [sflag:s29], $0x1  }
0xb5: {  	[sflag:s29] =	ssyncadd.s32 $0xFFFFFFFF  }
0xb6: {  	_ =	strace $0x9000004E  }
0xb7: {  	_ =	sfence  }
0xb8: {  	s30 =	sld [smem:$0x0];
	_ =	sdelay $0x2  }
0xb9: {  	s31 =	sshll.u32 s1, $0xD;
	s1 =	sshrl.u32 s1, $0x2  }
0xba: {  	s3 =	sand.u32 $0x4000, s31;
	s1 =	sadd.s32 s1, s30  }
0xbb: {  	s0 =	sor.u32 s3, s0;
	s1 =	sshll.u32 s1, $0x11  }
0xbc: {  	s0 =	sor.u32 s1, s0  }
0xbd: {  	s0 =	sadd.s32 $0x8F2B, s0  }
0xbe: {  	[sflag:s0] =	ssyncadd.remote.s32 $0x1  }
0xbf: {  	_ =	sfence.sel $0xFFFF  }
0xc0: {  	[dreg:$0x0] =	wrdreg $0xFFFFFFFF;
	(pc) =	sbr.abs _section_cstart, $3  }
0xc1: {  	[dreg:$0x1] =	wrdreg $0xFFFFFFFF  }
0xc2: {  	_ =	task.clear_ibuf [dreg:s7], $0x2FFFF;
	_ =	strace $0x9FFFFFFF  }
0xc3: {  	(tm) =	ssettm $0x7FFFFFFF  }
tec
execute0_lowered:
.L_overlay_start_1:
0x0: {  	(tag) =	ssettag $0x1  }
0x1: {  	s1 =	rddreg [dreg:$0x0]  }
0x2: {  	s7 =	rddreg [dreg:$0x1]  }
0x3: {  	s2 =	rddreg [dreg:$0x2]  }
0x4: {  	s0 =	rddreg [dreg:$0x3]  }
0x5: {  	s4 =	simm.s32 $0x0;
	s3 =	srdreg.scid;
	s17 =	simm.s32 $0x100  }
0x6: {  	s18 =	simm.s32 $0x1;
	s19 =	simm.s32 $0x80;
	s20 =	simm.s32 $0x200  }
0x7: {  	s21 =	simm.s32 $0x180;
	s22 =	simm.s32 $0x4200;
	s8 =	sand.u32 $0x1, s3  }
0x8: {  	s23 =	simm.s32 $0x2;
	s3 =	stileid.u32;
	s9 =	smul.u32 $0x13C000, s8  }
0x9: {  	s24 =	simm.s32 $0x3;
	[smem:$0x7FF] =	sst s4;
	s10 =	smul.u32 $0x13C00, s3  }
0xa: {  	s5 =	sadd.s32 $0x34200, s7;
	_ =	strace $0x8000004D;
	s11 =	smul.u32 $0x4F000, s3  }
0xb: {  	s6 =	sshll.u32 s8, $0x4;
	s26 =	ssub.s32 $0x2, s8;
	s8 =	smul.u32 $0x4F000, s8  }
0xc: {  	s14 =	smul.u32 $0x4F00, s3;
	s28 =	sshll.u32 s3, $0x6;
	s12 =	sor.u32 s3, s6  }
0xd: {  	s6 =	sadd.s32 $0x47E00, s7;
	s13 =	sshrl.u32 s26, $0x1;
	s9 =	sadd.s32 s10, s9  }
0xe: {  	s25 =	smul.u32 $0x4F00, s12;
	s11 =	sshrl.u32 s11, $0x2;
	s12 =	ssub.s32 s26, s13  }
0xf: {  	s14 =	sadd.s32 s14, s8;
	s9 =	sshrl.u32 s9, $0x3;
	s16 =	sadd.s32 s11, s2  }
0x10: {  	s30 =	sadd.s32 $0x300, s14;
	s12 =	smax.u32 s12, $0x1;
	s14 =	sadd.s32 $0x200, s14  }
0x11: {  	s15 =	sadd.s32 s9, s7;
	s29 =	sshrl.u32 s25, $0x3;
	s7 =	sor.u32 $0x1C04, s28  }
0x12: {  	s31 =	sshrl.u32 s30, $0x3;
	s25 =	simm.s32 $0x0;
	s8 =	sadd.s32 s5, s29  }
0x13: {  	s11 =	sadd.s32 $0x4A600, s15;
	s13 =	sadd.s32 s31, s5;
	s15 =	sshrl.u32 s16, $0x3  }
0x14: {  	s16 =	simm.s32 $0x4;
	s9 =	sadd.s32 $0x20, s8;
	s10 =	sadd.s32 $0x9C0, s8  }
.LBB2_1:
0x15: {  	[spmem:s15], [sflag:s7] =	dma.local [hbm:s6], $0x2780  }
0x16: {  	_ =	swait.ge [sflag:s16], $0x2780  }
0x17: {  	[sflag:s16] =	ssyncset.done $0x0  }
0x18: {  	[sflag:s16] =	ssyncadd.s32 $0xFFFFD880  }
0x19: {  	[bflag:$0x0] =	sbarrier.arrive $0xFFFF  }
0x1a: {  	[tilespmem:s4], [sflag:$0x1] =	stream.linear.gather [hbm4b:s8+s4], $0x100, $0x38;
	[tilespmem:$0x1BE00] =	vst v63  }
0x1b: {  	_ = 	snop  }
0x1c: {  	[tilespmem:s17], [sflag:$0x1] =	stream.linear.gather [hbm4b:s9+s4], $0x100, $0x38;
	[tilespmem:$0x1BE00] =	vst v63  }
0x1d: {  	_ =	swait.ge [sflag:s18], $0x100  }
0x1e: {  	[sflag:s18] =	ssyncset.done $0x0  }
0x1f: {  	[sflag:s18] =	ssyncadd.s32 $0xFFFFFF00  }
0x20: {  	[tilespmem:s20], [sflag:$0x2] =	stream.indirect.gather [hbm4b:s1+s19], $0x80, s19, s19, $0xb8;
	[tilespmem:$0x1BE00] =	vst v63  }
0x21: {  	_ =	swait.ge [sflag:s18], $0x100  }
0x22: {  	[sflag:s18] =	ssyncset.done $0x0  }
0x23: {  	[sflag:s18] =	ssyncadd.s32 $0xFFFFFF00  }
0x24: {  	[tilespmem:s22], [sflag:$0x3] =	stream.indirect.gather [hbm4b:s1+s19], $0x80, s21, s19, $0xb8;
	[tilespmem:$0x1BE00] =	vst v63  }
0x25: {  	_ =	swait.ge [sflag:s23], $0x4000  }
0x26: {  	[sflag:s23] =	ssyncset.done $0x0  }
0x27: {  	[sflag:s23] =	ssyncadd.s32 $0xFFFFC000  }
0x28: {  	[spmem:s2] =	stream.indirect.scatter.add.f32 [tilespmem:s20], [sflag:$0x4], $0x80, s4, s19, $0xb8;
	[tilespmem:$0x1BE00] =	vst v63  }
0x29: {  	_ =	swait.ge [sflag:s16], $0x4000  }
0x2a: {  	s26 =	sshrl.u32 s14, $0x3;
	[sflag:s16] =	ssyncset.done $0x0  }
0x2b: {  	s26 =	sadd.s32 s5, s26;
	[sflag:s16] =	ssyncadd.s32 $0xFFFFC000  }
0x2c: {  	[tilespmem:s4], [sflag:$0x1] =	stream.linear.gather [hbm4b:s26+s4], $0x100, $0x38;
	[tilespmem:$0x1BE00] =	vst v63  }
0x2d: {  	_ =	swait.ge [sflag:s18], $0x100  }
0x2e: {  	[sflag:s18] =	ssyncset.done $0x0  }
0x2f: {  	[sflag:s18] =	ssyncadd.s32 $0xFFFFFF00  }
0x30: {  	[tilespmem:s20], [sflag:$0x2] =	stream.indirect.gather [hbm4b:s1+s19], $0x80, s19, s19, $0xb8;
	[tilespmem:$0x1BE00] =	vst v63  }
0x31: {  	_ =	swait.ge [sflag:s24], $0x4000  }
0x32: {  	[sflag:s24] =	ssyncset.done $0x0  }
0x33: {  	[sflag:s24] =	ssyncadd.s32 $0xFFFFC000  }
0x34: {  	[spmem:s2] =	stream.indirect.scatter.add.f32 [tilespmem:s22], [sflag:$0x4], $0x80, s17, s19, $0xb8;
	[tilespmem:$0x1BE00] =	vst v63  }
0x35: {  	_ =	swait.ge [sflag:s16], $0x4000  }
0x36: {  	s29 =	sadd.s32 $0x0, s13;
	[sflag:s16] =	ssyncset.done $0x0  }
0x37: {  	s28 =	sadd.s32 $0x200, s14;
	s26 =	simm.s32 $0x40;
	[sflag:s16] =	ssyncadd.s32 $0xFFFFC000  }
.LBB2_2:
0x38: {  	[tilespmem:s17], [sflag:$0x1] =	stream.linear.gather [hbm4b:s29+s4], $0x100, $0x38;
	[tilespmem:$0x1BE00] =	vst v63  }
0x39: {  	s29 =	smov.u32 s26  }
0x3a: {  	p0 =	sne.s32 s26, $0x940;
	s26 =	sadd.s32 $0x40, s26;
	_ =	swait.ge [sflag:s18], $0x100  }
0x3b: {  	[sflag:s18] =	ssyncset.done $0x0  }
0x3c: {  	[sflag:s18] =	ssyncadd.s32 $0xFFFFFF00  }
0x3d: {  	[tilespmem:s22], [sflag:$0x3] =	stream.indirect.gather [hbm4b:s1+s19], $0x80, s21, s19, $0xb8;
	[tilespmem:$0x1BE00] =	vst v63  }
0x3e: {  	_ =	swait.ge [sflag:s23], $0x4000  }
0x3f: {  	[sflag:s23] =	ssyncset.done $0x0  }
0x40: {  	[sflag:s23] =	ssyncadd.s32 $0xFFFFC000  }
0x41: {  	[spmem:s2] =	stream.indirect.scatter.add.f32 [tilespmem:s20], [sflag:$0x4], $0x80, s4, s19, $0xb8;
	[tilespmem:$0x1BE00] =	vst v63  }
0x42: {  	_ =	swait.ge [sflag:s16], $0x4000  }
0x43: {  	s30 =	sshrl.u32 s28, $0x3;
	[sflag:s16] =	ssyncset.done $0x0  }
0x44: {  	s30 =	sadd.s32 s5, s30;
	[sflag:s16] =	ssyncadd.s32 $0xFFFFC000  }
0x45: {  	[tilespmem:s4], [sflag:$0x1] =	stream.linear.gather [hbm4b:s30+s4], $0x100, $0x38;
	[tilespmem:$0x1BE00] =	vst v63  }
0x46: {  	_ =	swait.ge [sflag:s18], $0x100  }
0x47: {  	[sflag:s18] =	ssyncset.done $0x0  }
0x48: {  	[sflag:s18] =	ssyncadd.s32 $0xFFFFFF00  }
0x49: {  	[tilespmem:s20], [sflag:$0x2] =	stream.indirect.gather [hbm4b:s1+s19], $0x80, s19, s19, $0xb8;
	[tilespmem:$0x1BE00] =	vst v63  }
0x4a: {  	_ =	swait.ge [sflag:s24], $0x4000  }
0x4b: {  	[sflag:s24] =	ssyncset.done $0x0  }
.Ltmp0:
0x4c: {  	[sflag:s24] =	ssyncadd.s32 $0xFFFFC000;
	(pc) =	sbr.rel @p0 .LBB2_2-.Ltmp0, $4  }
0x4d: {  	[spmem:s2] =	stream.indirect.scatter.add.f32 [tilespmem:s22], [sflag:$0x4], $0x80, s17, s19, $0xb8;
	[tilespmem:$0x1BE00] =	vst v63  }
0x4e: {  	_ =	swait.ge [sflag:s16], $0x4000  }
0x4f: {  	[sflag:s16] =	ssyncset.done $0x0  }
0x50: {  	s28 =	sadd.s32 $0x200, s28;
	s29 =	sadd.s32 s29, s13;
	[sflag:s16] =	ssyncadd.s32 $0xFFFFC000  }
0x51: {  	[tilespmem:s17], [sflag:$0x1] =	stream.linear.gather [hbm4b:s29+s4], $0x100, $0x38;
	[tilespmem:$0x1BE00] =	vst v63  }
0x52: {  	_ =	swait.ge [sflag:s18], $0x100  }
0x53: {  	[sflag:s18] =	ssyncset.done $0x0  }
0x54: {  	[sflag:s18] =	ssyncadd.s32 $0xFFFFFF00  }
0x55: {  	[tilespmem:s22], [sflag:$0x3] =	stream.indirect.gather [hbm4b:s1+s19], $0x80, s21, s19, $0xb8;
	[tilespmem:$0x1BE00] =	vst v63  }
0x56: {  	_ =	swait.ge [sflag:s23], $0x4000  }
0x57: {  	[sflag:s23] =	ssyncset.done $0x0  }
0x58: {  	[sflag:s23] =	ssyncadd.s32 $0xFFFFC000  }
0x59: {  	[spmem:s2] =	stream.indirect.scatter.add.f32 [tilespmem:s20], [sflag:$0x4], $0x80, s4, s19, $0xb8;
	[tilespmem:$0x1BE00] =	vst v63  }
0x5a: {  	_ =	swait.ge [sflag:s16], $0x4000  }
0x5b: {  	[sflag:s16] =	ssyncset.done $0x0  }
0x5c: {  	[sflag:s16] =	ssyncadd.s32 $0xFFFFC000  }
0x5d: {  	[tilespmem:s4], [sflag:$0x1] =	stream.linear.gather [hbm4b:s10+s4], $0x100, $0x38;
	[tilespmem:$0x1BE00] =	vst v63  }
0x5e: {  	_ =	swait.ge [sflag:s18], $0x100  }
0x5f: {  	[sflag:s18] =	ssyncset.done $0x0  }
0x60: {  	[sflag:s18] =	ssyncadd.s32 $0xFFFFFF00  }
0x61: {  	[tilespmem:s20], [sflag:$0x2] =	stream.indirect.gather [hbm4b:s1+s19], $0x80, s19, s19, $0xb8;
	[tilespmem:$0x1BE00] =	vst v63  }
0x62: {  	_ =	swait.ge [sflag:s24], $0x4000  }
0x63: {  	[sflag:s24] =	ssyncset.done $0x0  }
0x64: {  	[sflag:s24] =	ssyncadd.s32 $0xFFFFC000  }
0x65: {  	[spmem:s2] =	stream.indirect.scatter.add.f32 [tilespmem:s22], [sflag:$0x4], $0x80, s17, s19, $0xb8;
	[tilespmem:$0x1BE00] =	vst v63  }
0x66: {  	_ =	swait.ge [sflag:s16], $0x4000  }
0x67: {  	[sflag:s16] =	ssyncset.done $0x0  }
0x68: {  	[sflag:s16] =	ssyncadd.s32 $0xFFFFC000  }
0x69: {  	_ =	swait.ge [sflag:s23], $0x4000  }
0x6a: {  	[sflag:s23] =	ssyncset.done $0x0  }
0x6b: {  	[sflag:s23] =	ssyncadd.s32 $0xFFFFC000  }
0x6c: {  	[spmem:s2] =	stream.indirect.scatter.add.f32 [tilespmem:s20], [sflag:$0x4], $0x80, s4, s19, $0xb8;
	[tilespmem:$0x1BE00] =	vst v63  }
0x6d: {  	_ =	swait.ge [sflag:s16], $0x4000  }
0x6e: {  	s25 =	sadd.s32 $0x1, s25;
	[sflag:s16] =	ssyncset.done $0x0  }
0x6f: {  	p0 =	sne.s32 s25, s12;
	[sflag:s16] =	ssyncadd.s32 $0xFFFFC000  }
.Ltmp1:
0x70: {  	[bflag:$0x0] =	sbarrier.arrive $0xFFFF;
	(pc) =	sbr.rel @p0 .LBB2_1-.Ltmp1, $4  }
0x71: {  	[hbm:s11], [sflag:s7] =	dma.local [spmem:s15], $0x2780  }
0x72: {  	_ =	swait.ge [sflag:s16], $0x2780  }
0x73: {  	[sflag:s16] =	ssyncset.done $0x0  }
0x74: {  	[sflag:s16] =	ssyncadd.s32 $0xFFFFD880  }
0x75: {  	_ =	sfence.sel $0x180000  }
0x76: {  	[bflag:$0x0] =	sbarrier.arrive $0xFFFF  }
0x77: {  	p0 =	sne.s32 s3, $0x0;
	_ =	strace $0x9000004D  }
0x78: {  	s0 =	sadd.s32 @!p0 $0x100000, s0;
	[bflag:$0x2] =	sbarrier.arrive $0xFFFF  }
0x79: {  	[sflag:s0] =	ssyncadd.tile.s32 @!p0 $0x1;
	_ =	shalt  }
.Lfunc_end2:
_tile_overlayer_lowered:
.L_overlay_start_2:
0x7a: {  	(tag) =	ssettag $0x2  }
0x7b: {  	s0 =	rddreg [dreg:$0x0];
	s2 =	stileid.u32  }
0x7c: {  	s1 =	rddreg [dreg:$0x1];
	p0 =	sne.s32 s2, $0x0  }
0x7d: {  	s3 =	rddreg [dreg:$0x2];
	[bflag:$0x3] =	sbarrier.arrive $0xFFFF;
	s2 =	simm.s32 @!p0 $0x1C04  }
0x7e: {  	[timem:s3], [sflag:s2] =	dma.local @!p0 [hbm:s0], s1  }
0x7f: {  	s0 =	simm.s32 @!p0 $0x4  }
0x80: {  	_ =	swait.ge @!p0 [sflag:s0], s1  }
0x81: {  	s1 =	ssub.s32 @!p0 $0x0, s1;
	[sflag:s0] =	ssyncset.done @!p0 $0x0  }
0x82: {  	[sflag:s0] =	ssyncadd.s32 @!p0 s1  }
0x83: {  	[bflag:$0x3] =	sbarrier.arrive $0xFFFF  }
0x84: {  	_ =	shalt  }

// kernel: kernel.8.cloned.1.call-start
scs
__scs_entry_jumppad:
0x0: {  	(pc) =	sbr.rel $0x88, $3  }
0x1: {  	(tag) =	ssettag $0x0;
	lr =	simm.s32 $0x1  }
0x2: {  	[smem:$0x3F9C] =	sst lr;
	_ =	strace $0xD0000000  }
0x3: {  	_ = 	snop  }
0x4: {  	_ = 	snop  }
0x5: {  	_ = 	snop  }
0x6: {  	_ = 	snop  }
0x7: {  	_ = 	snop  }
__scs_overlays_trampoline_lowered:
0x8: {  	[smem:$0x3FAB] =	sst s0  }
0x9: {  	[smem:$0x3FAC] =	sst s1  }
0xa: {  	[smem:$0x3FAD] =	sst s2  }
0xb: {  	[smem:$0x3FAE] =	sst s3  }
0xc: {  	[smem:$0x3FAF] =	sst s4  }
0xd: {  	[smem:$0x3FB0] =	sst s5  }
0xe: {  	[smem:$0x3FB1] =	sst s6  }
0xf: {  	[smem:$0x3FB2] =	sst s7  }
0x10: {  	[smem:$0x3FB3] =	sst s8  }
0x11: {  	[smem:$0x3FB4] =	sst s9;
	s0 =	simm.s32 @!p0 $0x0  }
0x12: {  	s1 =	sld [smem:$0x3F9A];
	s0 =	simm.s32 @p0 $0x1  }
0x13: {  	[smem:$0x3FB5] =	sst s0;
	s0 =	simm.s32 @!p1 $0x0  }
0x14: {  	s2 =	sld [smem:$0x3F99];
	s0 =	simm.s32 @p1 $0x1  }
0x15: {  	[smem:$0x3FB6] =	sst s0;
	s0 =	simm.s32 @!p2 $0x0  }
0x16: {  	s3 =	sld [smem:$0x3FDB];
	s0 =	simm.s32 @p2 $0x1  }
0x17: {  	s4 =	simm.s32 $0x1BF5;
	[smem:$0x3FB8] =	sst s0  }
0x18: {  	s0 =	sld [smem:$0x3F9B];
	_ =	swait.ge [sflag:s4], $0x0  }
0x19: {  	s7 =	sld [smem:$0x3F9C]  }
0x1a: {  	s8 =	sadd.s32 $0xFFFFE003, lr  }
0x1b: {  	s9 =	sadd.s32 $0xFFFFFEF7, lr;
	s5 =	simm.s32 $0xFFFFFFFF;
	p2 =	slt.u32 s8, $0xFFFFF086  }
0x1c: {  	p1 =	slt.u32 s9, $0xF7A;
	s5 =	simm.s32 @!p2 $0x0  }
0x1d: {  	s5 =	simm.s32 @p1 $0x1;
	p0 =	seq.s32 s7, s2  }
0x1e: {  	s7 =	smul.u32 @!p0 $0xF7A, s2;
	p2 =	seq.s32 @!p0 s5, $0x0  }
0x1f: {  	s9 =	smul.u32 $0xF7A, s1;
	s8 =	simm.s32 @!p0 $0x1BF5;
	p2 =	por !p2, p0  }
0x20: {  	[sflag:s8] =	ssyncset.s32 @!p0 $0xFFFFF086;
	s6 =	sadd.s32 @!p0 s3, s7;
	s7 =	simm.s32 @!p0 $0x108  }
0x21: {  	s3 =	sadd.s32 s3, s9;
	s6 =	sadd.s32 @!p0 $0x88, s6;
	s7 =	simm.s32 @p2 $0x1082  }
0x22: {  	[simem:s7], [sflag:s8] =	dma.local @!p0 [hbm:s6], $0xF7A  }
0x23: {  	s9 =	sor.u32 $0xD0000000, s2;
	s6 =	simm.s32 $0x108;
	_ =	swait.ge @!p0 [sflag:s8], $0x0  }
0x24: {  	s3 =	sadd.s32 $0x88, s3;
	s6 =	simm.s32 @!p1 $0x1082;
	[sflag:s4] =	ssyncset.s32 $0xFFFFF086  }
0x25: {  	[simem:s6], [sflag:s4] =	dma.local [hbm:s3], $0xF7A  }
0x26: {  	[smem:$0x3F9C] =	sst s1;
	(tag) =	ssettag s2;
	_ =	strace s9  }
0x27: {  	s1 =	sld [smem:$0x3FAC]  }
0x28: {  	s2 =	sld [smem:$0x3FAD]  }
0x29: {  	s4 =	sld [smem:$0x3FAF]  }
0x2a: {  	p0 =	seq.s32 s5, $0x0;
	s5 =	sld [smem:$0x3FB0]  }
0x2b: {  	s6 =	sld [smem:$0x3FB1]  }
0x2c: {  	s7 =	sld [smem:$0x3FB2]  }
0x2d: {  	s3 =	simm.s32 $0x108;
	s8 =	sld [smem:$0x3FB3]  }
0x2e: {  	s3 =	simm.s32 @!p0 $0x1082;
	s9 =	sld [smem:$0x3FB4]  }
0x2f: {  	lr =	sadd.s32 s0, s3;
	s0 =	sld [smem:$0x3FAB]  }
0x30: {  	s3 =	sld [smem:$0x3FAE]  }
0x31: {  	[smem:$0x3FB7] =	sst s10  }
0x32: {  	s10 =	sld [smem:$0x3FB5];
	_ =	sdelay $0x3  }
0x33: {  	p0 =	seq.s32 s10, $0x1;
	s10 =	sld [smem:$0x3FB7];
	_ =	sdelay $0x3  }
0x34: {  	[smem:$0x3FB7] =	sst s10  }
0x35: {  	s10 =	sld [smem:$0x3FB6];
	_ =	sdelay $0x3  }
0x36: {  	p1 =	seq.s32 s10, $0x1;
	s10 =	sld [smem:$0x3FB7];
	_ =	sdelay $0x3  }
0x37: {  	[smem:$0x3FB7] =	sst s10  }
0x38: {  	s10 =	sld [smem:$0x3FB8]  }
0x39: {  	_ = 	snop;
	(pc) =	sbr.ind lr, $3  }
0x3a: {  	_ = 	snop  }
0x3b: {  	_ = 	snop  }
0x3c: {  	p2 =	seq.s32 s10, $0x1;
	s10 =	sld [smem:$0x3FB7]  }
0x3d: {  	_ =	shalt  }
0x3e: {  	_ =	shalt  }
0x3f: {  	_ =	shalt  }
0x40: {  	_ =	shalt  }
0x41: {  	_ =	shalt  }
0x42: {  	_ =	shalt  }
0x43: {  	_ =	shalt  }
0x44: {  	_ =	shalt  }
0x45: {  	_ =	shalt  }
0x46: {  	_ =	shalt  }
0x47: {  	_ =	shalt  }
0x48: {  	_ =	shalt  }
0x49: {  	_ =	shalt  }
0x4a: {  	_ =	shalt  }
0x4b: {  	_ =	shalt  }
0x4c: {  	_ =	shalt  }
0x4d: {  	_ =	shalt  }
0x4e: {  	_ =	shalt  }
0x4f: {  	_ =	shalt  }
0x50: {  	_ =	shalt  }
0x51: {  	_ =	shalt  }
0x52: {  	_ =	shalt  }
0x53: {  	_ =	shalt  }
0x54: {  	_ =	shalt  }
0x55: {  	_ =	shalt  }
0x56: {  	_ =	shalt  }
0x57: {  	_ =	shalt  }
0x58: {  	_ =	shalt  }
0x59: {  	_ =	shalt  }
0x5a: {  	_ =	shalt  }
0x5b: {  	_ =	shalt  }
0x5c: {  	_ =	shalt  }
0x5d: {  	_ =	shalt  }
0x5e: {  	_ =	shalt  }
0x5f: {  	_ =	shalt  }
0x60: {  	_ =	shalt  }
0x61: {  	_ =	shalt  }
0x62: {  	_ =	shalt  }
0x63: {  	_ =	shalt  }
0x64: {  	_ =	shalt  }
0x65: {  	_ =	shalt  }
0x66: {  	_ =	shalt  }
0x67: {  	_ =	shalt  }
0x68: {  	_ =	shalt  }
0x69: {  	_ =	shalt  }
0x6a: {  	_ =	shalt  }
0x6b: {  	_ =	shalt  }
0x6c: {  	_ =	shalt  }
0x6d: {  	_ =	shalt  }
0x6e: {  	_ =	shalt  }
0x6f: {  	_ =	shalt  }
0x70: {  	_ =	shalt  }
0x71: {  	_ =	shalt  }
0x72: {  	_ =	shalt  }
0x73: {  	_ =	shalt  }
0x74: {  	_ =	shalt  }
0x75: {  	_ =	shalt  }
0x76: {  	_ =	shalt  }
0x77: {  	_ =	shalt  }
0x78: {  	_ =	shalt  }
0x79: {  	_ =	shalt  }
0x7a: {  	_ =	shalt  }
0x7b: {  	_ =	shalt  }
0x7c: {  	_ =	shalt  }
0x7d: {  	_ =	shalt  }
0x7e: {  	_ =	shalt  }
0x7f: {  	_ =	shalt  }
0x80: {  	_ =	shalt  }
0x81: {  	_ =	shalt  }
0x82: {  	_ =	shalt  }
0x83: {  	_ =	shalt  }
0x84: {  	_ =	shalt  }
0x85: {  	_ =	shalt  }
0x86: {  	_ =	shalt  }
0x87: {  	_ =	shalt  }
.Lfunc_end0:
.L_simem_size_0:
called_computation_lowered:
.L_overlay_start_0:
0x88: {  	s2 =	sld [smem:$0x3FD9]  }
0x89: {  	s3 =	sld [smem:$0x3FFE];
	_ =	sdelay $0x1  }
0x8a: {  	s1 =	srdreg.scid  }
0x8b: {  	s0 =	sand.u32 $0x1, s1  }
0x8c: {  	s17 =	sshll.u32 s0, $0xA;
	s2 =	sadd.s32 s3, s2  }
0x8d: {  	s2 =	sadd.s32 s2, s17  }
0x8e: {  	[smem:$0x3FC3] =	sst s2  }
0x8f: {  	_ = 	snop  }
0x90: {  	s2 =	sld [smem:$0x3FC8]  }
0x91: {  	s18 =	sld [smem:$0x3FC7]  }
0x92: {  	s4 =	sld [smem:$0x3FD0];
	(tm) =	ssettm $0x1  }
0x93: {  	s5 =	sld [smem:$0x3FFB];
	_ =	sdelay $0x3  }
0x94: {  	_ =	strace s5  }
0x95: {  	s5 =	sld [smem:$0x3FFC];
	_ =	sdelay $0x3  }
0x96: {  	_ =	strace s5  }
0x97: {  	s5 =	sld [smem:$0x3FFD];
	_ =	sdelay $0x3  }
0x98: {  	_ =	strace s5  }
0x99: {  	_ =	strace $0x8FFFFFFF  }
0x9a: {  	s19 =	sld [smem:$0x3FDB];
	_ =	sdelay $0x1  }
0x9b: {  	s6 =	simm.s32 $_scs_section_size  }
0x9c: {  	s7 =	simm.s32 $_size__tile_overlayer_lowered;
	s8 =	simm.s32 $_tile_overlayer_lowered  }
0x9d: {  	s22 =	simm.s32 $0x1BFF;
	s21 =	sshll.u32 s8, $0x1;
	s5 =	sadd.s32 s6, s19  }
0x9e: {  	s9 =	simm.s32 $0x0;
	s20 =	sshll.u32 s7, $0x1;
	s7 =	sadd.s32 s21, s5  }
0x9f: {  	[timem:s9], [sflag:s22] =	dma.local [hbm:s7], s20  }
0xa0: {  	_ =	swait.ge [sflag:s22], s20  }
0xa1: {  	s6 =	ssub.s32 $0x0, s20;
	[sflag:s22] =	ssyncset.done $0x0  }
0xa2: {  	[sflag:s22] =	ssyncadd.s32 s6;
	_ =	sdelay $0x1  }
0xa3: {  	s23 =	simm.s32 $0x1B8B  }
0xa4: {  	_ =	swait.ge [sflag:s23], $0x1  }
0xa5: {  	[sflag:s23] =	ssyncset.done $0x0  }
0xa6: {  	s25 =	simm.s32 $0x1B8E;
	s24 =	sld [smem:$0x3FFE];
	[sflag:s23] =	ssyncadd.s32 $0xFFFFFFFF  }
0xa7: {  	s26 =	simm.s32 $execute0_lowered;
	[smem:$0x3FD2] =	sst s25  }
0xa8: {  	s7 =	sshll.u32 s26, $0x1;
	_ =	strace $0x80000046;
	[dreg:$0x1] =	wrdreg $0xFFFFFFFF  }
0xa9: {  	s28 =	simm.s32 $_size_execute0_lowered;
	s5 =	sadd.s32 s5, s7;
	[dreg:$0x0] =	wrdreg $0x0  }
0xaa: {  	s7 =	sshll.u32 s28, $0x1;
	[dreg:$0x2] =	wrdreg s5  }
0xab: {  	[dreg:$0x3] =	wrdreg s7  }
0xac: {  	[dreg:$0x4] =	wrdreg $0xC0  }
0xad: {  	_ =	task [dreg:s9], $0x5FFFF  }
0xae: {  	[dreg:$0x1] =	wrdreg $0xFFFFFFFF  }
0xaf: {  	[dreg:$0x0] =	wrdreg $0x60  }
0xb0: {  	[dreg:$0x2] =	wrdreg s2  }
0xb1: {  	[dreg:$0x3] =	wrdreg s18  }
0xb2: {  	[dreg:$0x4] =	wrdreg s4  }
0xb3: {  	[dreg:$0x5] =	wrdreg s24  }
0xb4: {  	[dreg:$0x6] =	wrdreg $0x9  }
0xb5: {  	_ =	task.clear_ibuf [dreg:s9], $0x7FFFF;
	_ =	strace $0x90000046  }
0xb6: {  	s29 =	simm.s32 $0x9;
	_ =	strace $0x80000048  }
0xb7: {  	_ =	swait.ge [sflag:s29], $0x1  }
0xb8: {  	[sflag:s29] =	ssyncadd.s32 $0xFFFFFFFF  }
0xb9: {  	_ =	strace $0x90000048  }
0xba: {  	_ =	sfence  }
0xbb: {  	s30 =	sld [smem:$0x0];
	_ =	sdelay $0x2  }
0xbc: {  	s31 =	sshll.u32 s1, $0xD;
	s1 =	sshrl.u32 s1, $0x2  }
0xbd: {  	s3 =	sand.u32 $0x4000, s31;
	s1 =	sadd.s32 s1, s30  }
0xbe: {  	s0 =	sor.u32 s3, s0;
	s1 =	sshll.u32 s1, $0x11  }
0xbf: {  	s0 =	sor.u32 s1, s0  }
0xc0: {  	s0 =	sadd.s32 $0x8F2B, s0  }
0xc1: {  	[sflag:s0] =	ssyncadd.remote.s32 $0x1  }
0xc2: {  	_ =	sfence.sel $0xFFFF  }
0xc3: {  	[dreg:$0x0] =	wrdreg $0xFFFFFFFF;
	(pc) =	sbr.abs _section_cstart, $3  }
0xc4: {  	[dreg:$0x1] =	wrdreg $0xFFFFFFFF  }
0xc5: {  	_ =	task.clear_ibuf [dreg:s9], $0x2FFFF;
	_ =	strace $0x9FFFFFFF  }
0xc6: {  	(tm) =	ssettm $0x7FFFFFFF  }
0xc7: {  	_ =	shalt  }
tec
execute0_lowered:
.L_overlay_start_1:
0x0: {  	(tag) =	ssettag $0x1  }
0x1: {  	s3 =	rddreg [dreg:$0x0]  }
0x2: {  	s4 =	rddreg [dreg:$0x1]  }
0x3: {  	s0 =	srdreg.scid;
	s6 =	rddreg [dreg:$0x2]  }
0x4: {  	s7 =	rddreg [dreg:$0x3];
	s5 =	sand.u32 $0x1, s0  }
0x5: {  	s2 =	simm.s32 $0x0;
	s0 =	stileid.u32;
	s1 =	sshll.u32 s5, $0x4  }
0x6: {  	s12 =	simm.s32 $0x0;
	[smem:$0x7FF] =	sst s2;
	s8 =	sor.u32 s0, s1  }
0x7: {  	s5 =	ssub.s32 $0x2, s5;
	s1 =	rddreg [dreg:$0x4];
	s9 =	smul.u32 $0x500, s8  }
0x8: {  	_ =	strace $0x80000047;
	s11 =	sshrl.u32 s5, $0x1;
	s10 =	smul.u32 $0x4E2, s8  }
0x9: {  	s8 =	smul.u32 $0x280, s8;
	s31 =	ssub.s32 s5, s11;
	s11 =	simm.s32 $0x6300  }
0xa: {  	s7 =	sadd.s32 s9, s7;
	s3 =	sadd.s32 s3, s10;
	s4 =	sadd.s32 s4, s10  }
0xb: {  	s5 =	sadd.s32 s6, s8;
	s8 =	simm.s32 $0x1;
	s9 =	simm.s32 $0x2780  }
0xc: {  	v0 =	vimm.f32 $0.0e+00;
	v1 =	vimm.f32 $1.000000000e+00;
	s10 =	simm.s32 $0x4F00;
	s6 =	sadd.s32 $0x2A00, s7;
	s7 =	smax.u32 s31, $0x1  }
.LBB2_1:
0xd: {  	s13 =	simm.s32 $0x0  }
.LBB2_2:
0xe: {  	p0 =	sne.s32 s13, $0x4FC0  }
.Ltmp0:
0xf: {  	_ = 	snop;
	(pc) =	sbr.rel @p0 .LBB2_2-.Ltmp0, $3  }
0x10: {  	_ =	sdelay $0x1  }
0x11: {  	s14 =	sshra.s32 s13, $0x2  }
0x12: {  	s13 =	sadd.s32 $0x40, s13;
	[tilespmem:s14+$0x4F00] =	vst v0  }
0x13: {  	s13 =	simm.s32 $0x40;
	s14 =	simm.s32 $0x0  }
.LBB2_4:
0x14: {  	p0 =	sne.s32 s13, $0x9FC0;
	[tilespmem:s14+$0x6300] =	vst v0;
	s14 =	smov.u32 s13;
	s13 =	sadd.s32 $0x40, s13  }
.Ltmp1:
0x15: {  	(pc) =	sbr.rel @p0 .LBB2_4-.Ltmp1, $2  }
0x16: {  	_ =	sdelay $0x2  }
0x17: {  	s14 =	sshra.s32 s14, $0x2  }
0x18: {  	[tilespmem:s14+$0x6300] =	vst v0;
	s13 =	simm.s32 $0x0  }
0x19: {  	[tilespmem:s13], [sflag:$0x1] =	stream.linear.gather [hbm4b:s3+s13], $0x2710, $0x38;
	[tilespmem:$0x8B00] =	vst v63  }
0x1a: {  	_ =	swait.ge [sflag:s8], $0x2710  }
0x1b: {  	[sflag:s8] =	ssyncset.done $0x0  }
0x1c: {  	[sflag:s8] =	ssyncadd.s32 $0xFFFFD8F0  }
0x1d: {  	[tilespmem:s9], [sflag:$0x1] =	stream.linear.gather [hbm4b:s4+s13], $0x2710, $0x38;
	[tilespmem:$0x8B00] =	vst v63  }
0x1e: {  	_ =	swait.ge [sflag:s8], $0x2710  }
0x1f: {  	[sflag:s8] =	ssyncset.done $0x0  }
0x20: {  	s14 =	simm.s32 $0x0;
	s13 =	simm.s32 $0x40;
	[sflag:s8] =	ssyncadd.s32 $0xFFFFD8F0  }
.LBB2_6:
0x21: {  	p0 =	sne.s32 s13, $0x9C00;
	v2 =	vld [tilespmem:s14+$0x2780];
	_ =	sdelay $0x7  }
0x22: {  	[tilespmem:v2+s10+$0x0] =	vst.idx.add.f32.msk $0xffff, v1  }
0x23: {  	v2 =	vld [tilespmem:s14+$0x0];
	_ =	sdelay $0x3  }
.Ltmp2:
0x24: {  	(pc) =	sbr.rel @p0 .LBB2_6-.Ltmp2, $2  }
0x25: {  	_ =	sdelay $0x2  }
0x26: {  	s14 =	sshra.s32 s13, $0x2;
	s13 =	sadd.s32 $0x40, s13;
	[tilespmem:v2+s11+$0x0] =	vst.idx.add.f32.msk $0xffff, v1  }
0x27: {  	v2 =	vld [tilespmem:s14+$0x2780];
	_ =	sdelay $0x7  }
0x28: {  	[tilespmem:v2+s10+$0x0] =	vst.idx.add.f32.msk $0xffff, v1  }
0x29: {  	v2 =	vld [tilespmem:s14+$0x0];
	_ =	sdelay $0x7  }
0x2a: {  	[tilespmem:v2+s11+$0x0] =	vst.idx.add.f32.msk $0xffff, v1  }
0x2b: {  	[hbm4b:s5+s2] =	stream.linear.scatter [tilespmem:s10], [sflag:$0x1], $0x1400, $0x38;
	[tilespmem:$0x8B00] =	vst v63  }
0x2c: {  	s12 =	sadd.s32 $0x1, s12;
	_ =	swait.ge [sflag:s8], $0x1400  }
0x2d: {  	p0 =	sne.s32 s12, s7;
	[sflag:s8] =	ssyncset.done $0x0  }
.Ltmp3:
0x2e: {  	[sflag:s8] =	ssyncadd.s32 $0xFFFFEC00;
	(pc) =	sbr.rel @p0 .LBB2_1-.Ltmp3, $4  }
0x2f: {  	[hbm4b:s6+s2] =	stream.linear.scatter [tilespmem:s11], [sflag:$0x1], $0x2800, $0x38;
	[tilespmem:$0x8B00] =	vst v63  }
0x30: {  	_ =	swait.ge [sflag:s8], $0x2800  }
0x31: {  	[sflag:s8] =	ssyncset.done $0x0  }
0x32: {  	[sflag:s8] =	ssyncadd.s32 $0xFFFFD800  }
0x33: {  	_ =	sfence.sel $0x180000  }
0x34: {  	[bflag:$0x0] =	sbarrier.arrive $0xFFFF  }
0x35: {  	p0 =	sne.s32 s0, $0x0;
	_ =	strace $0x90000047  }
0x36: {  	s0 =	sadd.s32 @!p0 $0x100000, s1;
	[bflag:$0x2] =	sbarrier.arrive $0xFFFF  }
0x37: {  	[sflag:s0] =	ssyncadd.tile.s32 @!p0 $0x1;
	_ =	shalt  }
.Lfunc_end2:
_tile_overlayer_lowered:
.L_overlay_start_2:
0x38: {  	(tag) =	ssettag $0x2  }
0x39: {  	s0 =	rddreg [dreg:$0x0];
	s2 =	stileid.u32  }
0x3a: {  	s1 =	rddreg [dreg:$0x1];
	p0 =	sne.s32 s2, $0x0  }
0x3b: {  	s3 =	rddreg [dreg:$0x2];
	[bflag:$0x3] =	sbarrier.arrive $0xFFFF;
	s2 =	simm.s32 @!p0 $0x1C01  }
0x3c: {  	[timem:s3], [sflag:s2] =	dma.local @!p0 [hbm:s0], s1  }
0x3d: {  	s0 =	simm.s32 @!p0 $0x1  }
0x3e: {  	_ =	swait.ge @!p0 [sflag:s0], s1  }
0x3f: {  	s1 =	ssub.s32 @!p0 $0x0, s1;
	[sflag:s0] =	ssyncset.done @!p0 $0x0  }
0x40: {  	[sflag:s0] =	ssyncadd.s32 @!p0 s1  }
0x41: {  	[bflag:$0x3] =	sbarrier.arrive $0xFFFF  }
0x42: {  	_ =	shalt  }

</sc_bundles>
